<compile_context>
chip_gen: v7x
topology: tpu7x:2x2x1
jax: 0.10.2.dev20260603
libtpu: 0.0.44.dev20260713+nightly
codegen_flags: <defaults>
</compile_context>

<pallas_src>
import functools

import jax
import jax.numpy as jnp
from jax import lax
from jax.experimental import pallas as pl
from jax.experimental.pallas import tpu as pltpu
from jax.experimental.pallas import tpu_sc as plsc

BATCH = 4096
SEQ = 200
EMBED = 32
VOCAB = 1000000
N = BATCH * SEQ
NC = 2
NS = 16
NW = NC * NS

_mesh = plsc.VectorSubcoreMesh(core_axis_name="c", subcore_axis_name="s")


def _iota16():
    return lax.iota(jnp.int32, 16)


K1_C = 512
K1_MAIN = (VOCAB // 128) * 128
K1_CHUNKS = K1_MAIN // K1_C
K1_TAIL = VOCAB - K1_MAIN


@functools.partial(
    pl.kernel,
    mesh=_mesh,
    out_type=jax.ShapeDtypeStruct((VOCAB // 4, 128), jnp.float32),
    scratch_types=[
        pltpu.VMEM((EMBED, K1_C), jnp.float32),
        pltpu.VMEM((EMBED, K1_C), jnp.float32),
        pltpu.VMEM((K1_C // 4, 128), jnp.float32),
        pltpu.VMEM((K1_C // 4, 128), jnp.float32),
        pltpu.VMEM((EMBED, 64), jnp.float32),
        pltpu.SemaphoreType.DMA,
        pltpu.SemaphoreType.DMA,
        pltpu.SemaphoreType.DMA,
        pltpu.SemaphoreType.DMA,
    ],
    compiler_params=pltpu.CompilerParams(
        use_tc_tiling_on_sc=True, needs_layout_passes=False
    ),
)
def _relayout_kernel(tt, tail, t128, in0, in1, out0, out1, tin,
                     si0, si1, so0, so1):
    wid = lax.axis_index("s") * NC + lax.axis_index("c")
    nchunk = K1_CHUNKS // NW
    rem = K1_CHUNKS - nchunk * NW
    my_total = nchunk + jnp.where(wid < rem, 1, 0)
    e_lo = _iota16()
    e_hi = e_lo + 16

    ins = (in0, in1)
    outs = (out0, out1)
    sis = (si0, si1)
    sos = (so0, so1)

    def shuffle(in_buf, out_buf):
        def body(rr, _):
            q = rr // 4
            c0 = (rr % 4) * 32
            lo = plsc.load_gather(in_buf, [e_lo, jnp.full((16,), rr, jnp.int32)])
            hi = plsc.load_gather(in_buf, [e_hi, jnp.full((16,), rr, jnp.int32)])
            out_buf[q, pl.ds(c0, 16)] = lo
            out_buf[q, pl.ds(c0 + 16, 16)] = hi
            return 0
        lax.fori_loop(0, K1_C, body, 0, unroll=8)

    def chunk_r0(k):
        return pl.multiple_of((k * NW + wid) * K1_C, K1_C)

    def start_in(k, slot):
        return pltpu.async_copy(tt.at[:, pl.ds(chunk_r0(k), K1_C)],
                                ins[slot], sis[slot])

    def wait_in(slot):
        pltpu.make_async_copy(tt.at[:, pl.ds(0, K1_C)], ins[slot],
                              sis[slot]).wait()

    def wait_out(slot):
        pltpu.make_async_copy(outs[slot], t128.at[pl.ds(0, K1_C // 4), :],
                              sos[slot]).wait()

    start_in(0, 0)
    npair = (nchunk + 2) // 2

    def pair(p, _):
        for b in range(2):
            k = p * 2 + b
            @pl.when(k + 1 < my_total)
            def _():
                start_in(k + 1, 1 - b)
            @pl.when((k >= 2) & (k < my_total))
            def _():
                wait_out(b)
            @pl.when(k < my_total)
            def _():
                wait_in(b)
                shuffle(ins[b], outs[b])
                q0 = pl.multiple_of(chunk_r0(k) // 4, K1_C // 4)
                pltpu.async_copy(outs[b], t128.at[pl.ds(q0, K1_C // 4), :],
                                 sos[b])
        return 0

    lax.fori_loop(0, npair, pair, 0)
    wait_out(0)
    wait_out(1)

    @pl.when(wid == NW - 1)
    def _():
        pltpu.sync_copy(tail, tin)
        def body(rr, _):
            q = rr // 4
            c0 = (rr % 4) * 32
            lo = plsc.load_gather(tin, [e_lo, jnp.full((16,), rr, jnp.int32)])
            hi = plsc.load_gather(tin, [e_hi, jnp.full((16,), rr, jnp.int32)])
            out0[q, pl.ds(c0, 16)] = lo
            out0[q, pl.ds(c0 + 16, 16)] = hi
            return 0
        lax.fori_loop(0, K1_TAIL, body, 0, unroll=8)
        pltpu.sync_copy(out0.at[pl.ds(0, K1_TAIL // 4), :],
                        t128.at[pl.ds(K1_MAIN // 4, K1_TAIL // 4), :])


B_PER_W = BATCH // NW
SR = 8
NCH2 = SEQ // SR
GS = SR * B_PER_W


@functools.partial(
    pl.kernel,
    mesh=_mesh,
    out_type=jax.ShapeDtypeStruct((SEQ, 128, 1024), jnp.float32),
    scratch_types=[
        pltpu.VMEM((B_PER_W * SEQ,), jnp.int32),
        pltpu.VMEM((GS,), jnp.int32),
        pltpu.VMEM((GS,), jnp.int32),
        pltpu.VMEM((GS, EMBED), jnp.float32),
        pltpu.VMEM((GS, EMBED), jnp.float32),
        pltpu.VMEM((4 * 1024,), jnp.float32),
        pltpu.VMEM((4 * 1024,), jnp.float32),
        pltpu.SemaphoreType.DMA,
        pltpu.SemaphoreType.DMA,
        pltpu.SemaphoreType.DMA,
        pltpu.SemaphoreType.DMA,
        pltpu.SemaphoreType.DMA,
    ],
    compiler_params=pltpu.CompilerParams(
        use_tc_tiling_on_sc=False, needs_layout_passes=False
    ),
)
def _gather_kernel(x1d, tab, out4, xb, ib0, ib1, rv0, rv1, ab0, ab1,
                   sx, sg0, sg1, sa0, sa1):
    wid = lax.axis_index("s") * NC + lax.axis_index("c")
    b0 = wid * B_PER_W
    ibs = (ib0, ib1)
    rvs = (rv0, rv1)
    abs_ = (ab0, ab1)
    sgs = (sg0, sg1)
    sas = (sa0, sa1)

    pltpu.sync_copy(x1d.at[pl.ds(b0 * SEQ, B_PER_W * SEQ)], xb)

    iota = _iota16()
    q_pat = (iota // 8) * SEQ + (iota % 8)
    s_lo = ((iota // 8) * 1024) + ((iota % 8) * 128)
    s_hi = s_lo + 2 * 1024

    def build_and_fire(ch, slot):
        s0 = ch * SR
        ib = ibs[slot]
        def body(v, _):
            off = q_pat + (v * 400 + s0)
            idx = plsc.load_gather(xb, [off])
            ib[pl.ds(v * 16, 16)] = idx
            return 0
        lax.fori_loop(0, GS // 16, body, 0, unroll=8)
        pltpu.async_copy(tab.at[ib], rvs[slot], sgs[slot])

    def wait_gather(slot):
        pltpu.make_async_copy(tab.at[ibs[slot]], rvs[slot], sgs[slot]).wait()

    def wait_ab(slot):
        for _ in range(4):
            pltpu.make_async_copy(abs_[slot], out4.at[0, 0, :],
                                  sas[slot]).wait()

    def assemble(ch, slot):
        rv = rvs[slot]
        s0 = ch * SR

        def sipair(sp, _):
            for sb in range(2):
                si = sp * 2 + sb
                ab = abs_[sb]
                @pl.when((si >= 2) | (ch > 0))
                def _():
                    wait_ab(sb)
                def jbody(j, _):
                    k = j * SR + si
                    lo = rv[k, pl.ds(0, 16)]
                    hi = rv[k, pl.ds(16, 16)]
                    plsc.store_scatter(ab, [s_lo + j], lo)
                    plsc.store_scatter(ab, [s_hi + j], hi)
                    return 0
                lax.fori_loop(0, B_PER_W, jbody, 0, unroll=8)
                for i in range(4):
                    pltpu.async_copy(ab.at[pl.ds(i * 1024, 1024)],
                                     out4.at[s0 + si, i * 32 + wid, :],
                                     sas[sb])
            return 0

        lax.fori_loop(0, SR // 2, sipair, 0)

    build_and_fire(0, 0)

    def chpair(p, _):
        for b in range(2):
            ch = p * 2 + b
            @pl.when(ch + 1 < NCH2)
            def _():
                build_and_fire(ch + 1, 1 - b)
            @pl.when(ch < NCH2)
            def _():
                wait_gather(b)
                assemble(ch, b)
        return 0

    lax.fori_loop(0, (NCH2 + 2) // 2, chpair, 0)
    wait_ab(0)
    wait_ab(1)


def kernel(x, table):
    out4 = _gather_kernel(x.reshape(N), table)
    o5 = jnp.reshape(out4, (SEQ, 4, 32, 8, 128))
    out = jnp.transpose(o5, (2, 4, 0, 1, 3)).reshape(BATCH, SEQ, EMBED)
    return out

# --- scband reference (transcript-rebuilt; emitter-appended) ---
"""Pipeline reference for scband-bi-lstm-crf-4337916969164 (READ-ONLY COPY).

The authoritative reference and input builder live on the scoring server;
editing this copy changes nothing except your own understanding.
"""

import jax, jax.numpy as jnp
import numpy as np

VOCAB = 1000000
EMBED_DIM = 32
BATCH = 4096
SEQ = 200


def setup_inputs(seed: int = 0) -> dict:
    key = jax.random.key(seed)
    k1, k2 = jax.random.split(key)
    x = jax.random.randint(k1, (BATCH, SEQ), 0, VOCAB, dtype=jnp.int32)
    # embedding_matrix passed to __init__ (torch.nn.Embedding.from_pretrained)
    table = jax.random.normal(k2, (VOCAB, EMBED_DIM), dtype=jnp.float32)
    return {"x": x, "table": table}


def reference(x, table):
    # Faithful translation of the implemented portion of BiLSTM_CRF.forward:
    # the module's only concrete computation is the embedding lookup
    # (self.embedding(x)); the downstream BiLSTM-CRF head is unimplemented
    # (forward body is `pass`), so the reference returns the embedded tokens.
    # out.shape = (batch_size, max_sentence_length, embed_dim)
    return jnp.take(table, x, axis=0)

if __name__ == "__main__":
    import jax
    _d = setup_inputs()
    print(jax.jit(kernel)(*tuple(_d.values())))

</pallas_src>

<mosaic_0001>
#map = affine_map<(d0, d1) -> (0)>
#map1 = affine_map<(d0, d1) -> (0, 0)>
#map2 = affine_map<(d0, d1) -> (0, 0, 0)>
module attributes {stable_mosaic.version = 14 : i64} {
  func.func @_gather_kernel(%arg0: i32, %arg1: i32, %arg2: memref<819200xi32, #tpu.memory_space<hbm>>, %arg3: memref<1000000x32xf32, #tpu.memory_space<hbm>>, %arg4: memref<200x128x1024xf32, #tpu.memory_space<hbm>>, %arg5: memref<25600xi32, #tpu.memory_space<vmem>>, %arg6: memref<1024xi32, #tpu.memory_space<vmem>>, %arg7: memref<1024xi32, #tpu.memory_space<vmem>>, %arg8: memref<1024x32xf32, #tpu.memory_space<vmem>>, %arg9: memref<1024x32xf32, #tpu.memory_space<vmem>>, %arg10: memref<4096xf32, #tpu.memory_space<vmem>>, %arg11: memref<4096xf32, #tpu.memory_space<vmem>>, %arg12: memref<!tpu.dma_semaphore, #tpu.memory_space<semaphore_mem>>, %arg13: memref<!tpu.dma_semaphore, #tpu.memory_space<semaphore_mem>>, %arg14: memref<!tpu.dma_semaphore, #tpu.memory_space<semaphore_mem>>, %arg15: memref<!tpu.dma_semaphore, #tpu.memory_space<semaphore_mem>>, %arg16: memref<!tpu.dma_semaphore, #tpu.memory_space<semaphore_mem>>) attributes {dimension_semantics = [#tpu.dimension_semantics<core_parallel>, #tpu.dimension_semantics<subcore_parallel>], iteration_bounds = array<i64: 2, 16>, scalar_prefetch = 0 : i64, scratch_operands = 12 : i64, tpu.core_type = #tpu.core_type<sc_vector_subcore>, window_params = [{transform_indices = #map}, {transform_indices = #map1}, {transform_indices = #map2}]} {
    %mul3A = arith.constant 2 : i32
    %mul3A_0 = arith.muli %arg1, %mul3A : i32
    %add3A = arith.addi %mul3A_0, %arg0 : i32
    %mul3A_1 = arith.constant 128 : i32
    %mul3A_2 = arith.muli %add3A, %mul3A_1 : i32
    %mul3A_3 = arith.constant 200 : i32
    %mul3A_4 = arith.muli %mul3A_2, %mul3A_3 : i32
    "tpu.region"() ({
      %run_scoped3A = tpu.sem_alloc : memref<!tpu.dma_semaphore, #tpu.memory_space<semaphore_mem>>
      %dma_start3A_193 = tpu.memref_slice %arg2[%mul3A_4] : memref<819200xi32, #tpu.memory_space<hbm>> -> memref<25600xi32, #tpu.memory_space<hbm>>
      %dma_start3A_194 = tpu.memref_slice %arg2[%mul3A_4] : memref<819200xi32, #tpu.memory_space<hbm>> -> memref<25600xi32, #tpu.memory_space<hbm>>
      tpu.enqueue_dma source(%dma_start3A_194 : memref<25600xi32, #tpu.memory_space<hbm>>) target(%arg5 : memref<25600xi32, #tpu.memory_space<vmem>>) target_semaphore(%run_scoped3A : memref<!tpu.dma_semaphore, #tpu.memory_space<semaphore_mem>>)
      %dma_wait3A_195 = tpu.memref_slice %arg2[%mul3A_4] : memref<819200xi32, #tpu.memory_space<hbm>> -> memref<25600xi32, #tpu.memory_space<hbm>>
      %dma_wait3A_196 = tpu.memref_slice %arg2[%mul3A_4] : memref<819200xi32, #tpu.memory_space<hbm>> -> memref<25600xi32, #tpu.memory_space<hbm>>
      tpu.wait_dma2 semaphore(%run_scoped3A : memref<!tpu.dma_semaphore, #tpu.memory_space<semaphore_mem>>) src(%dma_wait3A_196 : memref<25600xi32, #tpu.memory_space<hbm>>) dst(%arg5 : memref<25600xi32, #tpu.memory_space<vmem>>)
      tpu.yield
    }) : () -> ()
    %iota3A = tpu.iota {dimensions = array<i32: 0>} : vector<16xi32>
    %jit3A = arith.constant 8 : i32
    %div3A = vector.broadcast %jit3A : i32 to vector<16xi32>
    %div3A_5 = arith.divsi %iota3A, %div3A : vector<16xi32>
    %sign3A = arith.constant 0 : i32
    %sign3A_6 = vector.broadcast %sign3A : i32 to vector<16xi32>
    %sign3A_7 = arith.cmpi sgt, %iota3A, %sign3A_6 : vector<16xi32>
    %sign3A_8 = arith.extui %sign3A_7 : vector<16xi1> to vector<16xi32>
    %sign3A_9 = arith.constant 0 : i32
    %sign3A_10 = vector.broadcast %sign3A_9 : i32 to vector<16xi32>
    %sign3A_11 = arith.cmpi slt, %iota3A, %sign3A_10 : vector<16xi32>
    %sign3A_12 = arith.extui %sign3A_11 : vector<16xi1> to vector<16xi32>
    %sign3A_13 = arith.subi %sign3A_8, %sign3A_12 : vector<16xi32>
    %sign3A_14 = arith.constant 0 : i32
    %sign3A_15 = arith.cmpi sgt, %jit3A, %sign3A_14 : i32
    %sign3A_16 = arith.extui %sign3A_15 : i1 to i32
    %sign3A_17 = arith.constant 0 : i32
    %sign3A_18 = arith.cmpi slt, %jit3A, %sign3A_17 : i32
    %sign3A_19 = arith.extui %sign3A_18 : i1 to i32
    %sign3A_20 = arith.subi %sign3A_16, %sign3A_19 : i32
    %ne3A = vector.broadcast %sign3A_20 : i32 to vector<16xi32>
    %ne3A_21 = arith.cmpi ne, %sign3A_13, %ne3A : vector<16xi32>
    %rem3A = vector.broadcast %jit3A : i32 to vector<16xi32>
    %rem3A_22 = arith.remsi %iota3A, %rem3A : vector<16xi32>
    %ne3A_23 = arith.constant 0 : i32
    %ne3A_24 = vector.broadcast %ne3A_23 : i32 to vector<16xi32>
    %ne3A_25 = arith.cmpi ne, %rem3A_22, %ne3A_24 : vector<16xi32>
    %and3A = arith.andi %ne3A_21, %ne3A_25 : vector<16xi1>
    %sub3A = arith.constant 1 : i32
    %sub3A_26 = vector.broadcast %sub3A : i32 to vector<16xi32>
    %sub3A_27 = arith.subi %div3A_5, %sub3A_26 : vector<16xi32>
    %select_n3A = arith.select %and3A, %sub3A_27, %div3A_5 : vector<16xi1>, vector<16xi32>
    %mul3A_28 = arith.constant 200 : i32
    %mul3A_29 = vector.broadcast %mul3A_28 : i32 to vector<16xi32>
    %mul3A_30 = arith.muli %select_n3A, %mul3A_29 : vector<16xi32>
    %jit3A_31 = arith.constant 8 : i32
    %eq3A = arith.constant 0 : i32
    %eq3A_32 = arith.cmpi eq, %jit3A_31, %eq3A : i32
    %jit3A_33 = arith.constant 1 : i32
    %select_n3A_34 = arith.select %eq3A_32, %jit3A_33, %jit3A_31 : i32
    %rem3A_35 = vector.broadcast %select_n3A_34 : i32 to vector<16xi32>
    %rem3A_36 = arith.remsi %iota3A, %rem3A_35 : vector<16xi32>
    %ne3A_37 = arith.constant 0 : i32
    %ne3A_38 = vector.broadcast %ne3A_37 : i32 to vector<16xi32>
    %ne3A_39 = arith.cmpi ne, %rem3A_36, %ne3A_38 : vector<16xi32>
    %lt3A = arith.constant 0 : i32
    %lt3A_40 = vector.broadcast %lt3A : i32 to vector<16xi32>
    %lt3A_41 = arith.cmpi slt, %rem3A_36, %lt3A_40 : vector<16xi32>
    %lt3A_42 = arith.constant 0 : i32
    %lt3A_43 = arith.cmpi slt, %select_n3A_34, %lt3A_42 : i32
    %ne3A_44 = vector.broadcast %lt3A_43 : i1 to vector<16xi1>
    %ne3A_45 = vector.broadcast %ne3A_44 : vector<16xi1> to vector<16xi1>
    %ne3A_46 = arith.xori %lt3A_41, %ne3A_45 : vector<16xi1>
    %and3A_47 = arith.andi %ne3A_46, %ne3A_39 : vector<16xi1>
    %add3A_48 = vector.broadcast %select_n3A_34 : i32 to vector<16xi32>
    %add3A_49 = arith.addi %rem3A_36, %add3A_48 : vector<16xi32>
    %select_n3A_50 = arith.select %and3A_47, %add3A_49, %rem3A_36 : vector<16xi1>, vector<16xi32>
    %add3A_51 = arith.addi %mul3A_30, %select_n3A_50 : vector<16xi32>
    %jit3A_52 = arith.constant 8 : i32
    %div3A_53 = vector.broadcast %jit3A_52 : i32 to vector<16xi32>
    %div3A_54 = arith.divsi %iota3A, %div3A_53 : vector<16xi32>
    %sign3A_55 = arith.constant 0 : i32
    %sign3A_56 = vector.broadcast %sign3A_55 : i32 to vector<16xi32>
    %sign3A_57 = arith.cmpi sgt, %iota3A, %sign3A_56 : vector<16xi32>
    %sign3A_58 = arith.extui %sign3A_57 : vector<16xi1> to vector<16xi32>
    %sign3A_59 = arith.constant 0 : i32
    %sign3A_60 = vector.broadcast %sign3A_59 : i32 to vector<16xi32>
    %sign3A_61 = arith.cmpi slt, %iota3A, %sign3A_60 : vector<16xi32>
    %sign3A_62 = arith.extui %sign3A_61 : vector<16xi1> to vector<16xi32>
    %sign3A_63 = arith.subi %sign3A_58, %sign3A_62 : vector<16xi32>
    %sign3A_64 = arith.constant 0 : i32
    %sign3A_65 = arith.cmpi sgt, %jit3A_52, %sign3A_64 : i32
    %sign3A_66 = arith.extui %sign3A_65 : i1 to i32
    %sign3A_67 = arith.constant 0 : i32
    %sign3A_68 = arith.cmpi slt, %jit3A_52, %sign3A_67 : i32
    %sign3A_69 = arith.extui %sign3A_68 : i1 to i32
    %sign3A_70 = arith.subi %sign3A_66, %sign3A_69 : i32
    %ne3A_71 = vector.broadcast %sign3A_70 : i32 to vector<16xi32>
    %ne3A_72 = arith.cmpi ne, %sign3A_63, %ne3A_71 : vector<16xi32>
    %rem3A_73 = vector.broadcast %jit3A_52 : i32 to vector<16xi32>
    %rem3A_74 = arith.remsi %iota3A, %rem3A_73 : vector<16xi32>
    %ne3A_75 = arith.constant 0 : i32
    %ne3A_76 = vector.broadcast %ne3A_75 : i32 to vector<16xi32>
    %ne3A_77 = arith.cmpi ne, %rem3A_74, %ne3A_76 : vector<16xi32>
    %and3A_78 = arith.andi %ne3A_72, %ne3A_77 : vector<16xi1>
    %sub3A_79 = arith.constant 1 : i32
    %sub3A_80 = vector.broadcast %sub3A_79 : i32 to vector<16xi32>
    %sub3A_81 = arith.subi %div3A_54, %sub3A_80 : vector<16xi32>
    %select_n3A_82 = arith.select %and3A_78, %sub3A_81, %div3A_54 : vector<16xi1>, vector<16xi32>
    %mul3A_83 = arith.constant 1024 : i32
    %mul3A_84 = vector.broadcast %mul3A_83 : i32 to vector<16xi32>
    %mul3A_85 = arith.muli %select_n3A_82, %mul3A_84 : vector<16xi32>
    %jit3A_86 = arith.constant 8 : i32
    %eq3A_87 = arith.constant 0 : i32
    %eq3A_88 = arith.cmpi eq, %jit3A_86, %eq3A_87 : i32
    %jit3A_89 = arith.constant 1 : i32
    %select_n3A_90 = arith.select %eq3A_88, %jit3A_89, %jit3A_86 : i32
    %rem3A_91 = vector.broadcast %select_n3A_90 : i32 to vector<16xi32>
    %rem3A_92 = arith.remsi %iota3A, %rem3A_91 : vector<16xi32>
    %ne3A_93 = arith.constant 0 : i32
    %ne3A_94 = vector.broadcast %ne3A_93 : i32 to vector<16xi32>
    %ne3A_95 = arith.cmpi ne, %rem3A_92, %ne3A_94 : vector<16xi32>
    %lt3A_96 = arith.constant 0 : i32
    %lt3A_97 = vector.broadcast %lt3A_96 : i32 to vector<16xi32>
    %lt3A_98 = arith.cmpi slt, %rem3A_92, %lt3A_97 : vector<16xi32>
    %lt3A_99 = arith.constant 0 : i32
    %lt3A_100 = arith.cmpi slt, %select_n3A_90, %lt3A_99 : i32
    %ne3A_101 = vector.broadcast %lt3A_100 : i1 to vector<16xi1>
    %ne3A_102 = vector.broadcast %ne3A_101 : vector<16xi1> to vector<16xi1>
    %ne3A_103 = arith.xori %lt3A_98, %ne3A_102 : vector<16xi1>
    %and3A_104 = arith.andi %ne3A_103, %ne3A_95 : vector<16xi1>
    %add3A_105 = vector.broadcast %select_n3A_90 : i32 to vector<16xi32>
    %add3A_106 = arith.addi %rem3A_92, %add3A_105 : vector<16xi32>
    %select_n3A_107 = arith.select %and3A_104, %add3A_106, %rem3A_92 : vector<16xi1>, vector<16xi32>
    %mul3A_108 = arith.constant 128 : i32
    %mul3A_109 = vector.broadcast %mul3A_108 : i32 to vector<16xi32>
    %mul3A_110 = arith.muli %select_n3A_107, %mul3A_109 : vector<16xi32>
    %add3A_111 = arith.addi %mul3A_85, %mul3A_110 : vector<16xi32>
    %add3A_112 = arith.constant 2048 : i32
    %add3A_113 = vector.broadcast %add3A_112 : i32 to vector<16xi32>
    %add3A_114 = arith.addi %add3A_111, %add3A_113 : vector<16xi32>
    %scan3A = arith.constant 0 : i32
    %scan3A_115 = arith.constant 0 : i32
    %scan3A_116 = arith.constant 64 : i32
    %scan3A_117 = arith.addi %scan3A_115, %scan3A_116 : i32
    %scan3A_118 = arith.constant 8 : i32
    %scan3A_119 = scf.for %scan3A_193 = %scan3A_115 to %scan3A_117 step %scan3A_118 iter_args(%scan3A_194 = %scan3A) -> (i32)  : i32 {
      %mul3A_195 = arith.constant 400 : i32
      %mul3A_196 = arith.muli %scan3A_193, %mul3A_195 : i32
      %add3A_197 = arith.constant 0 : i32
      %add3A_198 = arith.addi %mul3A_196, %add3A_197 : i32
      %add3A_199 = vector.broadcast %add3A_198 : i32 to vector<16xi32>
      %add3A_200 = arith.addi %add3A_51, %add3A_199 : vector<16xi32>
      %gather3A = tpu.vector_load_idx %arg5[%add3A_200] : memref<25600xi32, #tpu.memory_space<vmem>>[vector<16xi32>], vector<16xi32>,
      %mul3A_201 = arith.constant 16 : i32
      %mul3A_202 = arith.muli %scan3A_193, %mul3A_201 : i32
      %swap3A = arith.index_cast %mul3A_202 : i32 to index
      %swap3A_203 = tpu.vector_load %arg6[%swap3A] {strides = array<i32>} : memref<1024xi32, #tpu.memory_space<vmem>>, vector<16xi32>,
      tpu.vector_store %arg6[%swap3A], %gather3A {strides = array<i32>} : memref<1024xi32, #tpu.memory_space<vmem>>, vector<16xi32>,
      %scan3A_204 = arith.constant 0 : i32
      %scan3A_205 = arith.constant 1 : i32
      %scan3A_206 = arith.addi %scan3A_193, %scan3A_205 : i32
      %mul3A_207 = arith.constant 400 : i32
      %mul3A_208 = arith.muli %scan3A_206, %mul3A_207 : i32
      %add3A_209 = arith.constant 0 : i32
      %add3A_210 = arith.addi %mul3A_208, %add3A_209 : i32
      %add3A_211 = vector.broadcast %add3A_210 : i32 to vector<16xi32>
      %add3A_212 = arith.addi %add3A_51, %add3A_211 : vector<16xi32>
      %gather3A_213 = tpu.vector_load_idx %arg5[%add3A_212] : memref<25600xi32, #tpu.memory_space<vmem>>[vector<16xi32>], vector<16xi32>,
      %mul3A_214 = arith.constant 16 : i32
      %mul3A_215 = arith.muli %scan3A_206, %mul3A_214 : i32
      %swap3A_216 = arith.index_cast %mul3A_215 : i32 to index
      %swap3A_217 = tpu.vector_load %arg6[%swap3A_216] {strides = array<i32>} : memref<1024xi32, #tpu.memory_space<vmem>>, vector<16xi32>,
      tpu.vector_store %arg6[%swap3A_216], %gather3A_213 {strides = array<i32>} : memref<1024xi32, #tpu.memory_space<vmem>>, vector<16xi32>,
      %scan3A_218 = arith.constant 0 : i32
      %scan3A_219 = arith.constant 2 : i32
      %scan3A_220 = arith.addi %scan3A_193, %scan3A_219 : i32
      %mul3A_221 = arith.constant 400 : i32
      %mul3A_222 = arith.muli %scan3A_220, %mul3A_221 : i32
      %add3A_223 = arith.constant 0 : i32
      %add3A_224 = arith.addi %mul3A_222, %add3A_223 : i32
      %add3A_225 = vector.broadcast %add3A_224 : i32 to vector<16xi32>
      %add3A_226 = arith.addi %add3A_51, %add3A_225 : vector<16xi32>
      %gather3A_227 = tpu.vector_load_idx %arg5[%add3A_226] : memref<25600xi32, #tpu.memory_space<vmem>>[vector<16xi32>], vector<16xi32>,
      %mul3A_228 = arith.constant 16 : i32
      %mul3A_229 = arith.muli %scan3A_220, %mul3A_228 : i32
      %swap3A_230 = arith.index_cast %mul3A_229 : i32 to index
      %swap3A_231 = tpu.vector_load %arg6[%swap3A_230] {strides = array<i32>} : memref<1024xi32, #tpu.memory_space<vmem>>, vector<16xi32>,
      tpu.vector_store %arg6[%swap3A_230], %gather3A_227 {strides = array<i32>} : memref<1024xi32, #tpu.memory_space<vmem>>, vector<16xi32>,
      %scan3A_232 = arith.constant 0 : i32
      %scan3A_233 = arith.constant 3 : i32
      %scan3A_234 = arith.addi %scan3A_193, %scan3A_233 : i32
      %mul3A_235 = arith.constant 400 : i32
      %mul3A_236 = arith.muli %scan3A_234, %mul3A_235 : i32
      %add3A_237 = arith.constant 0 : i32
      %add3A_238 = arith.addi %mul3A_236, %add3A_237 : i32
      %add3A_239 = vector.broadcast %add3A_238 : i32 to vector<16xi32>
      %add3A_240 = arith.addi %add3A_51, %add3A_239 : vector<16xi32>
      %gather3A_241 = tpu.vector_load_idx %arg5[%add3A_240] : memref<25600xi32, #tpu.memory_space<vmem>>[vector<16xi32>], vector<16xi32>,
      %mul3A_242 = arith.constant 16 : i32
      %mul3A_243 = arith.muli %scan3A_234, %mul3A_242 : i32
      %swap3A_244 = arith.index_cast %mul3A_243 : i32 to index
      %swap3A_245 = tpu.vector_load %arg6[%swap3A_244] {strides = array<i32>} : memref<1024xi32, #tpu.memory_space<vmem>>, vector<16xi32>,
      tpu.vector_store %arg6[%swap3A_244], %gather3A_241 {strides = array<i32>} : memref<1024xi32, #tpu.memory_space<vmem>>, vector<16xi32>,
      %scan3A_246 = arith.constant 0 : i32
      %scan3A_247 = arith.constant 4 : i32
      %scan3A_248 = arith.addi %scan3A_193, %scan3A_247 : i32
      %mul3A_249 = arith.constant 400 : i32
      %mul3A_250 = arith.muli %scan3A_248, %mul3A_249 : i32
      %add3A_251 = arith.constant 0 : i32
      %add3A_252 = arith.addi %mul3A_250, %add3A_251 : i32
      %add3A_253 = vector.broadcast %add3A_252 : i32 to vector<16xi32>
      %add3A_254 = arith.addi %add3A_51, %add3A_253 : vector<16xi32>
      %gather3A_255 = tpu.vector_load_idx %arg5[%add3A_254] : memref<25600xi32, #tpu.memory_space<vmem>>[vector<16xi32>], vector<16xi32>,
      %mul3A_256 = arith.constant 16 : i32
      %mul3A_257 = arith.muli %scan3A_248, %mul3A_256 : i32
      %swap3A_258 = arith.index_cast %mul3A_257 : i32 to index
      %swap3A_259 = tpu.vector_load %arg6[%swap3A_258] {strides = array<i32>} : memref<1024xi32, #tpu.memory_space<vmem>>, vector<16xi32>,
      tpu.vector_store %arg6[%swap3A_258], %gather3A_255 {strides = array<i32>} : memref<1024xi32, #tpu.memory_space<vmem>>, vector<16xi32>,
      %scan3A_260 = arith.constant 0 : i32
      %scan3A_261 = arith.constant 5 : i32
      %scan3A_262 = arith.addi %scan3A_193, %scan3A_261 : i32
      %mul3A_263 = arith.constant 400 : i32
      %mul3A_264 = arith.muli %scan3A_262, %mul3A_263 : i32
      %add3A_265 = arith.constant 0 : i32
      %add3A_266 = arith.addi %mul3A_264, %add3A_265 : i32
      %add3A_267 = vector.broadcast %add3A_266 : i32 to vector<16xi32>
      %add3A_268 = arith.addi %add3A_51, %add3A_267 : vector<16xi32>
      %gather3A_269 = tpu.vector_load_idx %arg5[%add3A_268] : memref<25600xi32, #tpu.memory_space<vmem>>[vector<16xi32>], vector<16xi32>,
      %mul3A_270 = arith.constant 16 : i32
      %mul3A_271 = arith.muli %scan3A_262, %mul3A_270 : i32
      %swap3A_272 = arith.index_cast %mul3A_271 : i32 to index
      %swap3A_273 = tpu.vector_load %arg6[%swap3A_272] {strides = array<i32>} : memref<1024xi32, #tpu.memory_space<vmem>>, vector<16xi32>,
      tpu.vector_store %arg6[%swap3A_272], %gather3A_269 {strides = array<i32>} : memref<1024xi32, #tpu.memory_space<vmem>>, vector<16xi32>,
      %scan3A_274 = arith.constant 0 : i32
      %scan3A_275 = arith.constant 6 : i32
      %scan3A_276 = arith.addi %scan3A_193, %scan3A_275 : i32
      %mul3A_277 = arith.constant 400 : i32
      %mul3A_278 = arith.muli %scan3A_276, %mul3A_277 : i32
      %add3A_279 = arith.constant 0 : i32
      %add3A_280 = arith.addi %mul3A_278, %add3A_279 : i32
      %add3A_281 = vector.broadcast %add3A_280 : i32 to vector<16xi32>
      %add3A_282 = arith.addi %add3A_51, %add3A_281 : vector<16xi32>
      %gather3A_283 = tpu.vector_load_idx %arg5[%add3A_282] : memref<25600xi32, #tpu.memory_space<vmem>>[vector<16xi32>], vector<16xi32>,
      %mul3A_284 = arith.constant 16 : i32
      %mul3A_285 = arith.muli %scan3A_276, %mul3A_284 : i32
      %swap3A_286 = arith.index_cast %mul3A_285 : i32 to index
      %swap3A_287 = tpu.vector_load %arg6[%swap3A_286] {strides = array<i32>} : memref<1024xi32, #tpu.memory_space<vmem>>, vector<16xi32>,
      tpu.vector_store %arg6[%swap3A_286], %gather3A_283 {strides = array<i32>} : memref<1024xi32, #tpu.memory_space<vmem>>, vector<16xi32>,
      %scan3A_288 = arith.constant 0 : i32
      %scan3A_289 = arith.constant 7 : i32
      %scan3A_290 = arith.addi %scan3A_193, %scan3A_289 : i32
      %mul3A_291 = arith.constant 400 : i32
      %mul3A_292 = arith.muli %scan3A_290, %mul3A_291 : i32
      %add3A_293 = arith.constant 0 : i32
      %add3A_294 = arith.addi %mul3A_292, %add3A_293 : i32
      %add3A_295 = vector.broadcast %add3A_294 : i32 to vector<16xi32>
      %add3A_296 = arith.addi %add3A_51, %add3A_295 : vector<16xi32>
      %gather3A_297 = tpu.vector_load_idx %arg5[%add3A_296] : memref<25600xi32, #tpu.memory_space<vmem>>[vector<16xi32>], vector<16xi32>,
      %mul3A_298 = arith.constant 16 : i32
      %mul3A_299 = arith.muli %scan3A_290, %mul3A_298 : i32
      %swap3A_300 = arith.index_cast %mul3A_299 : i32 to index
      %swap3A_301 = tpu.vector_load %arg6[%swap3A_300] {strides = array<i32>} : memref<1024xi32, #tpu.memory_space<vmem>>, vector<16xi32>,
      tpu.vector_store %arg6[%swap3A_300], %gather3A_297 {strides = array<i32>} : memref<1024xi32, #tpu.memory_space<vmem>>, vector<16xi32>,
      %scan3A_302 = arith.constant 0 : i32
      scf.yield %scan3A_302 : i32
    }
    %scan3A_120 = arith.constant 64 : i32
    %dma_start3A = arith.constant 0 : i32
    %dma_start3A_121 = arith.constant 0 : i32
    %dma_start3A_122 = tpu.memref_slice %arg3[%dma_start3A, %dma_start3A_121] : memref<1000000x32xf32, #tpu.memory_space<hbm>> -> memref<1000000x32xf32, #tpu.memory_space<hbm>>
    tpu.enqueue_indirect_dma source(%dma_start3A_122 : memref<1000000x32xf32, #tpu.memory_space<hbm>>) target(%arg8 : memref<1024x32xf32, #tpu.memory_space<vmem>>) offsets(%arg6 : memref<1024xi32, #tpu.memory_space<vmem>>) semaphore(%arg13 : memref<!tpu.dma_semaphore, #tpu.memory_space<semaphore_mem>>)
    %scan3A_123 = arith.constant 0 : i32
    %scan3A_124 = arith.constant 0 : i32
    %scan3A_125 = arith.constant 13 : i32
    %scan3A_126 = arith.addi %scan3A_124, %scan3A_125 : i32
    %scan3A_127 = arith.constant 1 : i32
    %scan3A_128 = scf.for %scan3A_193 = %scan3A_124 to %scan3A_126 step %scan3A_127 iter_args(%scan3A_194 = %scan3A_123) -> (i32)  : i32 {
      %mul3A_195 = arith.constant 2 : i32
      %mul3A_196 = arith.muli %scan3A_193, %mul3A_195 : i32
      %add3A_197 = arith.constant 0 : i32
      %add3A_198 = arith.addi %mul3A_196, %add3A_197 : i32
      %add3A_199 = arith.constant 1 : i32
      %add3A_200 = arith.addi %add3A_198, %add3A_199 : i32
      %lt3A_201 = arith.constant 25 : i32
      %lt3A_202 = arith.cmpi slt, %add3A_200, %lt3A_201 : i32
      %convert_element_type3A = arith.extui %lt3A_202 : i1 to i32
      %cond3A = arith.constant 0 : i32
      %cond3A_203 = arith.cmpi ne, %convert_element_type3A, %cond3A : i32
      scf.if %cond3A_203 {
        %add3A_226 = arith.constant 1 : i32
        %add3A_227 = arith.addi %add3A_198, %add3A_226 : i32
        %mul3A_228 = arith.constant 8 : i32
        %mul3A_229 = arith.muli %add3A_227, %mul3A_228 : i32
        %scan3A_230 = arith.constant 0 : i32
        %scan3A_231 = arith.constant 0 : i32
        %scan3A_232 = arith.constant 64 : i32
        %scan3A_233 = arith.addi %scan3A_231, %scan3A_232 : i32
        %scan3A_234 = arith.constant 8 : i32
        %scan3A_235 = scf.for %scan3A_240 = %scan3A_231 to %scan3A_233 step %scan3A_234 iter_args(%scan3A_241 = %scan3A_230) -> (i32)  : i32 {
          %mul3A_242 = arith.constant 400 : i32
          %mul3A_243 = arith.muli %scan3A_240, %mul3A_242 : i32
          %add3A_244 = arith.addi %mul3A_243, %mul3A_229 : i32
          %add3A_245 = vector.broadcast %add3A_244 : i32 to vector<16xi32>
          %add3A_246 = arith.addi %add3A_51, %add3A_245 : vector<16xi32>
          %gather3A = tpu.vector_load_idx %arg5[%add3A_246] : memref<25600xi32, #tpu.memory_space<vmem>>[vector<16xi32>], vector<16xi32>,
          %mul3A_247 = arith.constant 16 : i32
          %mul3A_248 = arith.muli %scan3A_240, %mul3A_247 : i32
          %swap3A = arith.index_cast %mul3A_248 : i32 to index
          %swap3A_249 = tpu.vector_load %arg7[%swap3A] {strides = array<i32>} : memref<1024xi32, #tpu.memory_space<vmem>>, vector<16xi32>,
          tpu.vector_store %arg7[%swap3A], %gather3A {strides = array<i32>} : memref<1024xi32, #tpu.memory_space<vmem>>, vector<16xi32>,
          %scan3A_250 = arith.constant 0 : i32
          %scan3A_251 = arith.constant 1 : i32
          %scan3A_252 = arith.addi %scan3A_240, %scan3A_251 : i32
          %mul3A_253 = arith.constant 400 : i32
          %mul3A_254 = arith.muli %scan3A_252, %mul3A_253 : i32
          %add3A_255 = arith.addi %mul3A_254, %mul3A_229 : i32
          %add3A_256 = vector.broadcast %add3A_255 : i32 to vector<16xi32>
          %add3A_257 = arith.addi %add3A_51, %add3A_256 : vector<16xi32>
          %gather3A_258 = tpu.vector_load_idx %arg5[%add3A_257] : memref<25600xi32, #tpu.memory_space<vmem>>[vector<16xi32>], vector<16xi32>,
          %mul3A_259 = arith.constant 16 : i32
          %mul3A_260 = arith.muli %scan3A_252, %mul3A_259 : i32
          %swap3A_261 = arith.index_cast %mul3A_260 : i32 to index
          %swap3A_262 = tpu.vector_load %arg7[%swap3A_261] {strides = array<i32>} : memref<1024xi32, #tpu.memory_space<vmem>>, vector<16xi32>,
          tpu.vector_store %arg7[%swap3A_261], %gather3A_258 {strides = array<i32>} : memref<1024xi32, #tpu.memory_space<vmem>>, vector<16xi32>,
          %scan3A_263 = arith.constant 0 : i32
          %scan3A_264 = arith.constant 2 : i32
          %scan3A_265 = arith.addi %scan3A_240, %scan3A_264 : i32
          %mul3A_266 = arith.constant 400 : i32
          %mul3A_267 = arith.muli %scan3A_265, %mul3A_266 : i32
          %add3A_268 = arith.addi %mul3A_267, %mul3A_229 : i32
          %add3A_269 = vector.broadcast %add3A_268 : i32 to vector<16xi32>
          %add3A_270 = arith.addi %add3A_51, %add3A_269 : vector<16xi32>
          %gather3A_271 = tpu.vector_load_idx %arg5[%add3A_270] : memref<25600xi32, #tpu.memory_space<vmem>>[vector<16xi32>], vector<16xi32>,
          %mul3A_272 = arith.constant 16 : i32
          %mul3A_273 = arith.muli %scan3A_265, %mul3A_272 : i32
          %swap3A_274 = arith.index_cast %mul3A_273 : i32 to index
          %swap3A_275 = tpu.vector_load %arg7[%swap3A_274] {strides = array<i32>} : memref<1024xi32, #tpu.memory_space<vmem>>, vector<16xi32>,
          tpu.vector_store %arg7[%swap3A_274], %gather3A_271 {strides = array<i32>} : memref<1024xi32, #tpu.memory_space<vmem>>, vector<16xi32>,
          %scan3A_276 = arith.constant 0 : i32
          %scan3A_277 = arith.constant 3 : i32
          %scan3A_278 = arith.addi %scan3A_240, %scan3A_277 : i32
          %mul3A_279 = arith.constant 400 : i32
          %mul3A_280 = arith.muli %scan3A_278, %mul3A_279 : i32
          %add3A_281 = arith.addi %mul3A_280, %mul3A_229 : i32
          %add3A_282 = vector.broadcast %add3A_281 : i32 to vector<16xi32>
          %add3A_283 = arith.addi %add3A_51, %add3A_282 : vector<16xi32>
          %gather3A_284 = tpu.vector_load_idx %arg5[%add3A_283] : memref<25600xi32, #tpu.memory_space<vmem>>[vector<16xi32>], vector<16xi32>,
          %mul3A_285 = arith.constant 16 : i32
          %mul3A_286 = arith.muli %scan3A_278, %mul3A_285 : i32
          %swap3A_287 = arith.index_cast %mul3A_286 : i32 to index
          %swap3A_288 = tpu.vector_load %arg7[%swap3A_287] {strides = array<i32>} : memref<1024xi32, #tpu.memory_space<vmem>>, vector<16xi32>,
          tpu.vector_store %arg7[%swap3A_287], %gather3A_284 {strides = array<i32>} : memref<1024xi32, #tpu.memory_space<vmem>>, vector<16xi32>,
          %scan3A_289 = arith.constant 0 : i32
          %scan3A_290 = arith.constant 4 : i32
          %scan3A_291 = arith.addi %scan3A_240, %scan3A_290 : i32
          %mul3A_292 = arith.constant 400 : i32
          %mul3A_293 = arith.muli %scan3A_291, %mul3A_292 : i32
          %add3A_294 = arith.addi %mul3A_293, %mul3A_229 : i32
          %add3A_295 = vector.broadcast %add3A_294 : i32 to vector<16xi32>
          %add3A_296 = arith.addi %add3A_51, %add3A_295 : vector<16xi32>
          %gather3A_297 = tpu.vector_load_idx %arg5[%add3A_296] : memref<25600xi32, #tpu.memory_space<vmem>>[vector<16xi32>], vector<16xi32>,
          %mul3A_298 = arith.constant 16 : i32
          %mul3A_299 = arith.muli %scan3A_291, %mul3A_298 : i32
          %swap3A_300 = arith.index_cast %mul3A_299 : i32 to index
          %swap3A_301 = tpu.vector_load %arg7[%swap3A_300] {strides = array<i32>} : memref<1024xi32, #tpu.memory_space<vmem>>, vector<16xi32>,
          tpu.vector_store %arg7[%swap3A_300], %gather3A_297 {strides = array<i32>} : memref<1024xi32, #tpu.memory_space<vmem>>, vector<16xi32>,
          %scan3A_302 = arith.constant 0 : i32
          %scan3A_303 = arith.constant 5 : i32
          %scan3A_304 = arith.addi %scan3A_240, %scan3A_303 : i32
          %mul3A_305 = arith.constant 400 : i32
          %mul3A_306 = arith.muli %scan3A_304, %mul3A_305 : i32
          %add3A_307 = arith.addi %mul3A_306, %mul3A_229 : i32
          %add3A_308 = vector.broadcast %add3A_307 : i32 to vector<16xi32>
          %add3A_309 = arith.addi %add3A_51, %add3A_308 : vector<16xi32>
          %gather3A_310 = tpu.vector_load_idx %arg5[%add3A_309] : memref<25600xi32, #tpu.memory_space<vmem>>[vector<16xi32>], vector<16xi32>,
          %mul3A_311 = arith.constant 16 : i32
          %mul3A_312 = arith.muli %scan3A_304, %mul3A_311 : i32
          %swap3A_313 = arith.index_cast %mul3A_312 : i32 to index
          %swap3A_314 = tpu.vector_load %arg7[%swap3A_313] {strides = array<i32>} : memref<1024xi32, #tpu.memory_space<vmem>>, vector<16xi32>,
          tpu.vector_store %arg7[%swap3A_313], %gather3A_310 {strides = array<i32>} : memref<1024xi32, #tpu.memory_space<vmem>>, vector<16xi32>,
          %scan3A_315 = arith.constant 0 : i32
          %scan3A_316 = arith.constant 6 : i32
          %scan3A_317 = arith.addi %scan3A_240, %scan3A_316 : i32
          %mul3A_318 = arith.constant 400 : i32
          %mul3A_319 = arith.muli %scan3A_317, %mul3A_318 : i32
          %add3A_320 = arith.addi %mul3A_319, %mul3A_229 : i32
          %add3A_321 = vector.broadcast %add3A_320 : i32 to vector<16xi32>
          %add3A_322 = arith.addi %add3A_51, %add3A_321 : vector<16xi32>
          %gather3A_323 = tpu.vector_load_idx %arg5[%add3A_322] : memref<25600xi32, #tpu.memory_space<vmem>>[vector<16xi32>], vector<16xi32>,
          %mul3A_324 = arith.constant 16 : i32
          %mul3A_325 = arith.muli %scan3A_317, %mul3A_324 : i32
          %swap3A_326 = arith.index_cast %mul3A_325 : i32 to index
          %swap3A_327 = tpu.vector_load %arg7[%swap3A_326] {strides = array<i32>} : memref<1024xi32, #tpu.memory_space<vmem>>, vector<16xi32>,
          tpu.vector_store %arg7[%swap3A_326], %gather3A_323 {strides = array<i32>} : memref<1024xi32, #tpu.memory_space<vmem>>, vector<16xi32>,
          %scan3A_328 = arith.constant 0 : i32
          %scan3A_329 = arith.constant 7 : i32
          %scan3A_330 = arith.addi %scan3A_240, %scan3A_329 : i32
          %mul3A_331 = arith.constant 400 : i32
          %mul3A_332 = arith.muli %scan3A_330, %mul3A_331 : i32
          %add3A_333 = arith.addi %mul3A_332, %mul3A_229 : i32
          %add3A_334 = vector.broadcast %add3A_333 : i32 to vector<16xi32>
          %add3A_335 = arith.addi %add3A_51, %add3A_334 : vector<16xi32>
          %gather3A_336 = tpu.vector_load_idx %arg5[%add3A_335] : memref<25600xi32, #tpu.memory_space<vmem>>[vector<16xi32>], vector<16xi32>,
          %mul3A_337 = arith.constant 16 : i32
          %mul3A_338 = arith.muli %scan3A_330, %mul3A_337 : i32
          %swap3A_339 = arith.index_cast %mul3A_338 : i32 to index
          %swap3A_340 = tpu.vector_load %arg7[%swap3A_339] {strides = array<i32>} : memref<1024xi32, #tpu.memory_space<vmem>>, vector<16xi32>,
          tpu.vector_store %arg7[%swap3A_339], %gather3A_336 {strides = array<i32>} : memref<1024xi32, #tpu.memory_space<vmem>>, vector<16xi32>,
          %scan3A_341 = arith.constant 0 : i32
          scf.yield %scan3A_341 : i32
        }
        %scan3A_236 = arith.constant 64 : i32
        %dma_start3A_237 = arith.constant 0 : i32
        %dma_start3A_238 = arith.constant 0 : i32
        %dma_start3A_239 = tpu.memref_slice %arg3[%dma_start3A_237, %dma_start3A_238] : memref<1000000x32xf32, #tpu.memory_space<hbm>> -> memref<1000000x32xf32, #tpu.memory_space<hbm>>
        tpu.enqueue_indirect_dma source(%dma_start3A_239 : memref<1000000x32xf32, #tpu.memory_space<hbm>>) target(%arg9 : memref<1024x32xf32, #tpu.memory_space<vmem>>) offsets(%arg7 : memref<1024xi32, #tpu.memory_space<vmem>>) semaphore(%arg14 : memref<!tpu.dma_semaphore, #tpu.memory_space<semaphore_mem>>)
      } else {
      }
      %lt3A_204 = arith.constant 25 : i32
      %lt3A_205 = arith.cmpi slt, %add3A_198, %lt3A_204 : i32
      %convert_element_type3A_206 = arith.extui %lt3A_205 : i1 to i32
      %cond3A_207 = arith.constant 0 : i32
      %cond3A_208 = arith.cmpi ne, %convert_element_type3A_206, %cond3A_207 : i32
      scf.if %cond3A_208 {
        %dma_wait3A_226 = arith.constant 0 : i32
        %dma_wait3A_227 = arith.constant 0 : i32
        %dma_wait3A_228 = tpu.memref_slice %arg3[%dma_wait3A_226, %dma_wait3A_227] : memref<1000000x32xf32, #tpu.memory_space<hbm>> -> memref<1000000x32xf32, #tpu.memory_space<hbm>>
        tpu.wait_indirect_dma semaphore(%arg13 : memref<!tpu.dma_semaphore, #tpu.memory_space<semaphore_mem>>) src(%dma_wait3A_228 : memref<1000000x32xf32, #tpu.memory_space<hbm>>) dst(%arg8 : memref<1024x32xf32, #tpu.memory_space<vmem>>)
        %mul3A_229 = arith.constant 8 : i32
        %mul3A_230 = arith.muli %add3A_198, %mul3A_229 : i32
        %scan3A_231 = arith.constant 0 : i32
        %scan3A_232 = arith.constant 0 : i32
        %scan3A_233 = arith.constant 4 : i32
        %scan3A_234 = arith.addi %scan3A_232, %scan3A_233 : i32
        %scan3A_235 = arith.constant 1 : i32
        %scan3A_236 = scf.for %scan3A_238 = %scan3A_232 to %scan3A_234 step %scan3A_235 iter_args(%scan3A_239 = %scan3A_231) -> (i32)  : i32 {
          %mul3A_240 = arith.constant 2 : i32
          %mul3A_241 = arith.muli %scan3A_238, %mul3A_240 : i32
          %add3A_242 = arith.constant 0 : i32
          %add3A_243 = arith.addi %mul3A_241, %add3A_242 : i32
          %ge3A = arith.constant 2 : i32
          %ge3A_244 = arith.cmpi sge, %add3A_243, %ge3A : i32
          %gt3A = arith.constant 0 : i32
          %gt3A_245 = arith.cmpi sgt, %add3A_198, %gt3A : i32
          %or3A = arith.ori %ge3A_244, %gt3A_245 : i1
          %convert_element_type3A_246 = arith.extui %or3A : i1 to i32
          %cond3A_247 = arith.constant 0 : i32
          %cond3A_248 = arith.cmpi ne, %convert_element_type3A_246, %cond3A_247 : i32
          scf.if %cond3A_248 {
            %dma_wait3A_380 = arith.constant 0 : i32
            %dma_wait3A_381 = arith.constant 0 : i32
            %dma_wait3A_382 = arith.constant 0 : i32
            %dma_wait3A_383 = tpu.memref_slice %arg4[%dma_wait3A_380, %dma_wait3A_381, %dma_wait3A_382] : memref<200x128x1024xf32, #tpu.memory_space<hbm>> -> memref<1x1x1024xf32, #tpu.memory_space<hbm>>
            %dma_wait3A_384 = tpu.memref_squeeze %dma_wait3A_383 : memref<1x1x1024xf32, #tpu.memory_space<hbm>> -> memref<1024xf32, #tpu.memory_space<hbm>>
            %dma_wait3A_385 = arith.constant 0 : i32
            %dma_wait3A_386 = tpu.memref_slice %arg4[%dma_wait3A_380, %dma_wait3A_381, %dma_wait3A_385] : memref<200x128x1024xf32, #tpu.memory_space<hbm>> -> memref<1x1x1024xf32, #tpu.memory_space<hbm>>
            %dma_wait3A_387 = tpu.memref_squeeze %dma_wait3A_386 : memref<1x1x1024xf32, #tpu.memory_space<hbm>> -> memref<1024xf32, #tpu.memory_space<hbm>>
            tpu.wait_dma2 semaphore(%arg15 : memref<!tpu.dma_semaphore, #tpu.memory_space<semaphore_mem>>) src(%arg10 : memref<4096xf32, #tpu.memory_space<vmem>>) dst(%dma_wait3A_387 : memref<1024xf32, #tpu.memory_space<hbm>>)
            %dma_wait3A_388 = arith.constant 0 : i32
            %dma_wait3A_389 = arith.constant 0 : i32
            %dma_wait3A_390 = arith.constant 0 : i32
            %dma_wait3A_391 = tpu.memref_slice %arg4[%dma_wait3A_388, %dma_wait3A_389, %dma_wait3A_390] : memref<200x128x1024xf32, #tpu.memory_space<hbm>> -> memref<1x1x1024xf32, #tpu.memory_space<hbm>>
            %dma_wait3A_392 = tpu.memref_squeeze %dma_wait3A_391 : memref<1x1x1024xf32, #tpu.memory_space<hbm>> -> memref<1024xf32, #tpu.memory_space<hbm>>
            %dma_wait3A_393 = arith.constant 0 : i32
            %dma_wait3A_394 = tpu.memref_slice %arg4[%dma_wait3A_388, %dma_wait3A_389, %dma_wait3A_393] : memref<200x128x1024xf32, #tpu.memory_space<hbm>> -> memref<1x1x1024xf32, #tpu.memory_space<hbm>>
            %dma_wait3A_395 = tpu.memref_squeeze %dma_wait3A_394 : memref<1x1x1024xf32, #tpu.memory_space<hbm>> -> memref<1024xf32, #tpu.memory_space<hbm>>
            tpu.wait_dma2 semaphore(%arg15 : memref<!tpu.dma_semaphore, #tpu.memory_space<semaphore_mem>>) src(%arg10 : memref<4096xf32, #tpu.memory_space<vmem>>) dst(%dma_wait3A_395 : memref<1024xf32, #tpu.memory_space<hbm>>)
            %dma_wait3A_396 = arith.constant 0 : i32
            %dma_wait3A_397 = arith.constant 0 : i32
            %dma_wait3A_398 = arith.constant 0 : i32
            %dma_wait3A_399 = tpu.memref_slice %arg4[%dma_wait3A_396, %dma_wait3A_397, %dma_wait3A_398] : memref<200x128x1024xf32, #tpu.memory_space<hbm>> -> memref<1x1x1024xf32, #tpu.memory_space<hbm>>
            %dma_wait3A_400 = tpu.memref_squeeze %dma_wait3A_399 : memref<1x1x1024xf32, #tpu.memory_space<hbm>> -> memref<1024xf32, #tpu.memory_space<hbm>>
            %dma_wait3A_401 = arith.constant 0 : i32
            %dma_wait3A_402 = tpu.memref_slice %arg4[%dma_wait3A_396, %dma_wait3A_397, %dma_wait3A_401] : memref<200x128x1024xf32, #tpu.memory_space<hbm>> -> memref<1x1x1024xf32, #tpu.memory_space<hbm>>
            %dma_wait3A_403 = tpu.memref_squeeze %dma_wait3A_402 : memref<1x1x1024xf32, #tpu.memory_space<hbm>> -> memref<1024xf32, #tpu.memory_space<hbm>>
            tpu.wait_dma2 semaphore(%arg15 : memref<!tpu.dma_semaphore, #tpu.memory_space<semaphore_mem>>) src(%arg10 : memref<4096xf32, #tpu.memory_space<vmem>>) dst(%dma_wait3A_403 : memref<1024xf32, #tpu.memory_space<hbm>>)
            %dma_wait3A_404 = arith.constant 0 : i32
            %dma_wait3A_405 = arith.constant 0 : i32
            %dma_wait3A_406 = arith.constant 0 : i32
            %dma_wait3A_407 = tpu.memref_slice %arg4[%dma_wait3A_404, %dma_wait3A_405, %dma_wait3A_406] : memref<200x128x1024xf32, #tpu.memory_space<hbm>> -> memref<1x1x1024xf32, #tpu.memory_space<hbm>>
            %dma_wait3A_408 = tpu.memref_squeeze %dma_wait3A_407 : memref<1x1x1024xf32, #tpu.memory_space<hbm>> -> memref<1024xf32, #tpu.memory_space<hbm>>
            %dma_wait3A_409 = arith.constant 0 : i32
            %dma_wait3A_410 = tpu.memref_slice %arg4[%dma_wait3A_404, %dma_wait3A_405, %dma_wait3A_409] : memref<200x128x1024xf32, #tpu.memory_space<hbm>> -> memref<1x1x1024xf32, #tpu.memory_space<hbm>>
            %dma_wait3A_411 = tpu.memref_squeeze %dma_wait3A_410 : memref<1x1x1024xf32, #tpu.memory_space<hbm>> -> memref<1024xf32, #tpu.memory_space<hbm>>
            tpu.wait_dma2 semaphore(%arg15 : memref<!tpu.dma_semaphore, #tpu.memory_space<semaphore_mem>>) src(%arg10 : memref<4096xf32, #tpu.memory_space<vmem>>) dst(%dma_wait3A_411 : memref<1024xf32, #tpu.memory_space<hbm>>)
          } else {
          }
          %scan3A_249 = arith.constant 0 : i32
          %scan3A_250 = arith.constant 0 : i32
          %scan3A_251 = arith.constant 128 : i32
          %scan3A_252 = arith.addi %scan3A_250, %scan3A_251 : i32
          %scan3A_253 = arith.constant 8 : i32
          %scan3A_254 = scf.for %scan3A_380 = %scan3A_250 to %scan3A_252 step %scan3A_253 iter_args(%scan3A_381 = %scan3A_249) -> (i32)  : i32 {
            %mul3A_382 = arith.constant 8 : i32
            %mul3A_383 = arith.muli %scan3A_380, %mul3A_382 : i32
            %add3A_384 = arith.addi %mul3A_383, %add3A_243 : i32
            %get3A = arith.index_cast %add3A_384 : i32 to index
            %get3A_385 = arith.constant 0 : index
            %get3A_386 = tpu.vector_load %arg8[%get3A, %get3A_385] {strides = array<i32>} : memref<1024x32xf32, #tpu.memory_space<vmem>>, vector<16xf32>,
            %get3A_387 = arith.index_cast %add3A_384 : i32 to index
            %get3A_388 = arith.constant 16 : index
            %get3A_389 = tpu.vector_load %arg8[%get3A_387, %get3A_388] {strides = array<i32>} : memref<1024x32xf32, #tpu.memory_space<vmem>>, vector<16xf32>,
            %add3A_390 = vector.broadcast %scan3A_380 : i32 to vector<16xi32>
            %add3A_391 = arith.addi %add3A_111, %add3A_390 : vector<16xi32>
            tpu.vector_store_idx %arg10[%add3A_391], %get3A_386 : memref<4096xf32, #tpu.memory_space<vmem>>[vector<16xi32>], vector<16xf32>,
            %add3A_392 = vector.broadcast %scan3A_380 : i32 to vector<16xi32>
            %add3A_393 = arith.addi %add3A_114, %add3A_392 : vector<16xi32>
            tpu.vector_store_idx %arg10[%add3A_393], %get3A_389 : memref<4096xf32, #tpu.memory_space<vmem>>[vector<16xi32>], vector<16xf32>,
            %scan3A_394 = arith.constant 0 : i32
            %scan3A_395 = arith.constant 1 : i32
            %scan3A_396 = arith.addi %scan3A_380, %scan3A_395 : i32
            %mul3A_397 = arith.constant 8 : i32
            %mul3A_398 = arith.muli %scan3A_396, %mul3A_397 : i32
            %add3A_399 = arith.addi %mul3A_398, %add3A_243 : i32
            %get3A_400 = arith.index_cast %add3A_399 : i32 to index
            %get3A_401 = arith.constant 0 : index
            %get3A_402 = tpu.vector_load %arg8[%get3A_400, %get3A_401] {strides = array<i32>} : memref<1024x32xf32, #tpu.memory_space<vmem>>, vector<16xf32>,
            %get3A_403 = arith.index_cast %add3A_399 : i32 to index
            %get3A_404 = arith.constant 16 : index
            %get3A_405 = tpu.vector_load %arg8[%get3A_403, %get3A_404] {strides = array<i32>} : memref<1024x32xf32, #tpu.memory_space<vmem>>, vector<16xf32>,
            %add3A_406 = vector.broadcast %scan3A_396 : i32 to vector<16xi32>
            %add3A_407 = arith.addi %add3A_111, %add3A_406 : vector<16xi32>
            tpu.vector_store_idx %arg10[%add3A_407], %get3A_402 : memref<4096xf32, #tpu.memory_space<vmem>>[vector<16xi32>], vector<16xf32>,
            %add3A_408 = vector.broadcast %scan3A_396 : i32 to vector<16xi32>
            %add3A_409 = arith.addi %add3A_114, %add3A_408 : vector<16xi32>
            tpu.vector_store_idx %arg10[%add3A_409], %get3A_405 : memref<4096xf32, #tpu.memory_space<vmem>>[vector<16xi32>], vector<16xf32>,
            %scan3A_410 = arith.constant 0 : i32
            %scan3A_411 = arith.constant 2 : i32
            %scan3A_412 = arith.addi %scan3A_380, %scan3A_411 : i32
            %mul3A_413 = arith.constant 8 : i32
            %mul3A_414 = arith.muli %scan3A_412, %mul3A_413 : i32
            %add3A_415 = arith.addi %mul3A_414, %add3A_243 : i32
            %get3A_416 = arith.index_cast %add3A_415 : i32 to index
            %get3A_417 = arith.constant 0 : index
            %get3A_418 = tpu.vector_load %arg8[%get3A_416, %get3A_417] {strides = array<i32>} : memref<1024x32xf32, #tpu.memory_space<vmem>>, vector<16xf32>,
            %get3A_419 = arith.index_cast %add3A_415 : i32 to index
            %get3A_420 = arith.constant 16 : index
            %get3A_421 = tpu.vector_load %arg8[%get3A_419, %get3A_420] {strides = array<i32>} : memref<1024x32xf32, #tpu.memory_space<vmem>>, vector<16xf32>,
            %add3A_422 = vector.broadcast %scan3A_412 : i32 to vector<16xi32>
            %add3A_423 = arith.addi %add3A_111, %add3A_422 : vector<16xi32>
            tpu.vector_store_idx %arg10[%add3A_423], %get3A_418 : memref<4096xf32, #tpu.memory_space<vmem>>[vector<16xi32>], vector<16xf32>,
            %add3A_424 = vector.broadcast %scan3A_412 : i32 to vector<16xi32>
            %add3A_425 = arith.addi %add3A_114, %add3A_424 : vector<16xi32>
            tpu.vector_store_idx %arg10[%add3A_425], %get3A_421 : memref<4096xf32, #tpu.memory_space<vmem>>[vector<16xi32>], vector<16xf32>,
            %scan3A_426 = arith.constant 0 : i32
            %scan3A_427 = arith.constant 3 : i32
            %scan3A_428 = arith.addi %scan3A_380, %scan3A_427 : i32
            %mul3A_429 = arith.constant 8 : i32
            %mul3A_430 = arith.muli %scan3A_428, %mul3A_429 : i32
            %add3A_431 = arith.addi %mul3A_430, %add3A_243 : i32
            %get3A_432 = arith.index_cast %add3A_431 : i32 to index
            %get3A_433 = arith.constant 0 : index
            %get3A_434 = tpu.vector_load %arg8[%get3A_432, %get3A_433] {strides = array<i32>} : memref<1024x32xf32, #tpu.memory_space<vmem>>, vector<16xf32>,
            %get3A_435 = arith.index_cast %add3A_431 : i32 to index
            %get3A_436 = arith.constant 16 : index
            %get3A_437 = tpu.vector_load %arg8[%get3A_435, %get3A_436] {strides = array<i32>} : memref<1024x32xf32, #tpu.memory_space<vmem>>, vector<16xf32>,
            %add3A_438 = vector.broadcast %scan3A_428 : i32 to vector<16xi32>
            %add3A_439 = arith.addi %add3A_111, %add3A_438 : vector<16xi32>
            tpu.vector_store_idx %arg10[%add3A_439], %get3A_434 : memref<4096xf32, #tpu.memory_space<vmem>>[vector<16xi32>], vector<16xf32>,
            %add3A_440 = vector.broadcast %scan3A_428 : i32 to vector<16xi32>
            %add3A_441 = arith.addi %add3A_114, %add3A_440 : vector<16xi32>
            tpu.vector_store_idx %arg10[%add3A_441], %get3A_437 : memref<4096xf32, #tpu.memory_space<vmem>>[vector<16xi32>], vector<16xf32>,
            %scan3A_442 = arith.constant 0 : i32
            %scan3A_443 = arith.constant 4 : i32
            %scan3A_444 = arith.addi %scan3A_380, %scan3A_443 : i32
            %mul3A_445 = arith.constant 8 : i32
            %mul3A_446 = arith.muli %scan3A_444, %mul3A_445 : i32
            %add3A_447 = arith.addi %mul3A_446, %add3A_243 : i32
            %get3A_448 = arith.index_cast %add3A_447 : i32 to index
            %get3A_449 = arith.constant 0 : index
            %get3A_450 = tpu.vector_load %arg8[%get3A_448, %get3A_449] {strides = array<i32>} : memref<1024x32xf32, #tpu.memory_space<vmem>>, vector<16xf32>,
            %get3A_451 = arith.index_cast %add3A_447 : i32 to index
            %get3A_452 = arith.constant 16 : index
            %get3A_453 = tpu.vector_load %arg8[%get3A_451, %get3A_452] {strides = array<i32>} : memref<1024x32xf32, #tpu.memory_space<vmem>>, vector<16xf32>,
            %add3A_454 = vector.broadcast %scan3A_444 : i32 to vector<16xi32>
            %add3A_455 = arith.addi %add3A_111, %add3A_454 : vector<16xi32>
            tpu.vector_store_idx %arg10[%add3A_455], %get3A_450 : memref<4096xf32, #tpu.memory_space<vmem>>[vector<16xi32>], vector<16xf32>,
            %add3A_456 = vector.broadcast %scan3A_444 : i32 to vector<16xi32>
            %add3A_457 = arith.addi %add3A_114, %add3A_456 : vector<16xi32>
            tpu.vector_store_idx %arg10[%add3A_457], %get3A_453 : memref<4096xf32, #tpu.memory_space<vmem>>[vector<16xi32>], vector<16xf32>,
            %scan3A_458 = arith.constant 0 : i32
            %scan3A_459 = arith.constant 5 : i32
            %scan3A_460 = arith.addi %scan3A_380, %scan3A_459 : i32
            %mul3A_461 = arith.constant 8 : i32
            %mul3A_462 = arith.muli %scan3A_460, %mul3A_461 : i32
            %add3A_463 = arith.addi %mul3A_462, %add3A_243 : i32
            %get3A_464 = arith.index_cast %add3A_463 : i32 to index
            %get3A_465 = arith.constant 0 : index
            %get3A_466 = tpu.vector_load %arg8[%get3A_464, %get3A_465] {strides = array<i32>} : memref<1024x32xf32, #tpu.memory_space<vmem>>, vector<16xf32>,
            %get3A_467 = arith.index_cast %add3A_463 : i32 to index
            %get3A_468 = arith.constant 16 : index
            %get3A_469 = tpu.vector_load %arg8[%get3A_467, %get3A_468] {strides = array<i32>} : memref<1024x32xf32, #tpu.memory_space<vmem>>, vector<16xf32>,
            %add3A_470 = vector.broadcast %scan3A_460 : i32 to vector<16xi32>
            %add3A_471 = arith.addi %add3A_111, %add3A_470 : vector<16xi32>
            tpu.vector_store_idx %arg10[%add3A_471], %get3A_466 : memref<4096xf32, #tpu.memory_space<vmem>>[vector<16xi32>], vector<16xf32>,
            %add3A_472 = vector.broadcast %scan3A_460 : i32 to vector<16xi32>
            %add3A_473 = arith.addi %add3A_114, %add3A_472 : vector<16xi32>
            tpu.vector_store_idx %arg10[%add3A_473], %get3A_469 : memref<4096xf32, #tpu.memory_space<vmem>>[vector<16xi32>], vector<16xf32>,
            %scan3A_474 = arith.constant 0 : i32
            %scan3A_475 = arith.constant 6 : i32
            %scan3A_476 = arith.addi %scan3A_380, %scan3A_475 : i32
            %mul3A_477 = arith.constant 8 : i32
            %mul3A_478 = arith.muli %scan3A_476, %mul3A_477 : i32
            %add3A_479 = arith.addi %mul3A_478, %add3A_243 : i32
            %get3A_480 = arith.index_cast %add3A_479 : i32 to index
            %get3A_481 = arith.constant 0 : index
            %get3A_482 = tpu.vector_load %arg8[%get3A_480, %get3A_481] {strides = array<i32>} : memref<1024x32xf32, #tpu.memory_space<vmem>>, vector<16xf32>,
            %get3A_483 = arith.index_cast %add3A_479 : i32 to index
            %get3A_484 = arith.constant 16 : index
            %get3A_485 = tpu.vector_load %arg8[%get3A_483, %get3A_484] {strides = array<i32>} : memref<1024x32xf32, #tpu.memory_space<vmem>>, vector<16xf32>,
            %add3A_486 = vector.broadcast %scan3A_476 : i32 to vector<16xi32>
            %add3A_487 = arith.addi %add3A_111, %add3A_486 : vector<16xi32>
            tpu.vector_store_idx %arg10[%add3A_487], %get3A_482 : memref<4096xf32, #tpu.memory_space<vmem>>[vector<16xi32>], vector<16xf32>,
            %add3A_488 = vector.broadcast %scan3A_476 : i32 to vector<16xi32>
            %add3A_489 = arith.addi %add3A_114, %add3A_488 : vector<16xi32>
            tpu.vector_store_idx %arg10[%add3A_489], %get3A_485 : memref<4096xf32, #tpu.memory_space<vmem>>[vector<16xi32>], vector<16xf32>,
            %scan3A_490 = arith.constant 0 : i32
            %scan3A_491 = arith.constant 7 : i32
            %scan3A_492 = arith.addi %scan3A_380, %scan3A_491 : i32
            %mul3A_493 = arith.constant 8 : i32
            %mul3A_494 = arith.muli %scan3A_492, %mul3A_493 : i32
            %add3A_495 = arith.addi %mul3A_494, %add3A_243 : i32
            %get3A_496 = arith.index_cast %add3A_495 : i32 to index
            %get3A_497 = arith.constant 0 : index
            %get3A_498 = tpu.vector_load %arg8[%get3A_496, %get3A_497] {strides = array<i32>} : memref<1024x32xf32, #tpu.memory_space<vmem>>, vector<16xf32>,
            %get3A_499 = arith.index_cast %add3A_495 : i32 to index
            %get3A_500 = arith.constant 16 : index
            %get3A_501 = tpu.vector_load %arg8[%get3A_499, %get3A_500] {strides = array<i32>} : memref<1024x32xf32, #tpu.memory_space<vmem>>, vector<16xf32>,
            %add3A_502 = vector.broadcast %scan3A_492 : i32 to vector<16xi32>
            %add3A_503 = arith.addi %add3A_111, %add3A_502 : vector<16xi32>
            tpu.vector_store_idx %arg10[%add3A_503], %get3A_498 : memref<4096xf32, #tpu.memory_space<vmem>>[vector<16xi32>], vector<16xf32>,
            %add3A_504 = vector.broadcast %scan3A_492 : i32 to vector<16xi32>
            %add3A_505 = arith.addi %add3A_114, %add3A_504 : vector<16xi32>
            tpu.vector_store_idx %arg10[%add3A_505], %get3A_501 : memref<4096xf32, #tpu.memory_space<vmem>>[vector<16xi32>], vector<16xf32>,
            %scan3A_506 = arith.constant 0 : i32
            scf.yield %scan3A_506 : i32
          }
          %scan3A_255 = arith.constant 128 : i32
          %add3A_256 = arith.addi %mul3A_230, %add3A_243 : i32
          %add3A_257 = arith.constant 0 : i32
          %add3A_258 = arith.addi %add3A_257, %add3A : i32
          %dma_start3A_259 = arith.constant 0 : i32
          %dma_start3A_260 = tpu.memref_slice %arg10[%dma_start3A_259] : memref<4096xf32, #tpu.memory_space<vmem>> -> memref<1024xf32, #tpu.memory_space<vmem>>
          %dma_start3A_261 = arith.constant 0 : i32
          %dma_start3A_262 = tpu.memref_slice %arg4[%add3A_256, %add3A_258, %dma_start3A_261] : memref<200x128x1024xf32, #tpu.memory_space<hbm>> -> memref<1x1x1024xf32, #tpu.memory_space<hbm>>
          %dma_start3A_263 = tpu.memref_squeeze %dma_start3A_262 : memref<1x1x1024xf32, #tpu.memory_space<hbm>> -> memref<1024xf32, #tpu.memory_space<hbm>>
          %dma_start3A_264 = arith.constant 0 : i32
          %dma_start3A_265 = tpu.memref_slice %arg4[%add3A_256, %add3A_258, %dma_start3A_264] : memref<200x128x1024xf32, #tpu.memory_space<hbm>> -> memref<1x1x1024xf32, #tpu.memory_space<hbm>>
          %dma_start3A_266 = tpu.memref_squeeze %dma_start3A_265 : memref<1x1x1024xf32, #tpu.memory_space<hbm>> -> memref<1024xf32, #tpu.memory_space<hbm>>
          %dma_start3A_267 = arith.constant 0 : i32
          %dma_start3A_268 = tpu.memref_slice %arg10[%dma_start3A_267] : memref<4096xf32, #tpu.memory_space<vmem>> -> memref<1024xf32, #tpu.memory_space<vmem>>
          tpu.enqueue_dma source(%dma_start3A_268 : memref<1024xf32, #tpu.memory_space<vmem>>) target(%dma_start3A_266 : memref<1024xf32, #tpu.memory_space<hbm>>) target_semaphore(%arg15 : memref<!tpu.dma_semaphore, #tpu.memory_space<semaphore_mem>>)
          %add3A_269 = arith.addi %mul3A_230, %add3A_243 : i32
          %add3A_270 = arith.constant 32 : i32
          %add3A_271 = arith.addi %add3A_270, %add3A : i32
          %dma_start3A_272 = arith.constant 1024 : i32
          %dma_start3A_273 = tpu.memref_slice %arg10[%dma_start3A_272] : memref<4096xf32, #tpu.memory_space<vmem>> -> memref<1024xf32, #tpu.memory_space<vmem>>
          %dma_start3A_274 = arith.constant 0 : i32
          %dma_start3A_275 = tpu.memref_slice %arg4[%add3A_269, %add3A_271, %dma_start3A_274] : memref<200x128x1024xf32, #tpu.memory_space<hbm>> -> memref<1x1x1024xf32, #tpu.memory_space<hbm>>
          %dma_start3A_276 = tpu.memref_squeeze %dma_start3A_275 : memref<1x1x1024xf32, #tpu.memory_space<hbm>> -> memref<1024xf32, #tpu.memory_space<hbm>>
          %dma_start3A_277 = arith.constant 0 : i32
          %dma_start3A_278 = tpu.memref_slice %arg4[%add3A_269, %add3A_271, %dma_start3A_277] : memref<200x128x1024xf32, #tpu.memory_space<hbm>> -> memref<1x1x1024xf32, #tpu.memory_space<hbm>>
          %dma_start3A_279 = tpu.memref_squeeze %dma_start3A_278 : memref<1x1x1024xf32, #tpu.memory_space<hbm>> -> memref<1024xf32, #tpu.memory_space<hbm>>
          %dma_start3A_280 = arith.constant 1024 : i32
          %dma_start3A_281 = tpu.memref_slice %arg10[%dma_start3A_280] : memref<4096xf32, #tpu.memory_space<vmem>> -> memref<1024xf32, #tpu.memory_space<vmem>>
          tpu.enqueue_dma source(%dma_start3A_281 : memref<1024xf32, #tpu.memory_space<vmem>>) target(%dma_start3A_279 : memref<1024xf32, #tpu.memory_space<hbm>>) target_semaphore(%arg15 : memref<!tpu.dma_semaphore, #tpu.memory_space<semaphore_mem>>)
          %add3A_282 = arith.addi %mul3A_230, %add3A_243 : i32
          %add3A_283 = arith.constant 64 : i32
          %add3A_284 = arith.addi %add3A_283, %add3A : i32
          %dma_start3A_285 = arith.constant 2048 : i32
          %dma_start3A_286 = tpu.memref_slice %arg10[%dma_start3A_285] : memref<4096xf32, #tpu.memory_space<vmem>> -> memref<1024xf32, #tpu.memory_space<vmem>>
          %dma_start3A_287 = arith.constant 0 : i32
          %dma_start3A_288 = tpu.memref_slice %arg4[%add3A_282, %add3A_284, %dma_start3A_287] : memref<200x128x1024xf32, #tpu.memory_space<hbm>> -> memref<1x1x1024xf32, #tpu.memory_space<hbm>>
          %dma_start3A_289 = tpu.memref_squeeze %dma_start3A_288 : memref<1x1x1024xf32, #tpu.memory_space<hbm>> -> memref<1024xf32, #tpu.memory_space<hbm>>
          %dma_start3A_290 = arith.constant 0 : i32
          %dma_start3A_291 = tpu.memref_slice %arg4[%add3A_282, %add3A_284, %dma_start3A_290] : memref<200x128x1024xf32, #tpu.memory_space<hbm>> -> memref<1x1x1024xf32, #tpu.memory_space<hbm>>
          %dma_start3A_292 = tpu.memref_squeeze %dma_start3A_291 : memref<1x1x1024xf32, #tpu.memory_space<hbm>> -> memref<1024xf32, #tpu.memory_space<hbm>>
          %dma_start3A_293 = arith.constant 2048 : i32
          %dma_start3A_294 = tpu.memref_slice %arg10[%dma_start3A_293] : memref<4096xf32, #tpu.memory_space<vmem>> -> memref<1024xf32, #tpu.memory_space<vmem>>
          tpu.enqueue_dma source(%dma_start3A_294 : memref<1024xf32, #tpu.memory_space<vmem>>) target(%dma_start3A_292 : memref<1024xf32, #tpu.memory_space<hbm>>) target_semaphore(%arg15 : memref<!tpu.dma_semaphore, #tpu.memory_space<semaphore_mem>>)
          %add3A_295 = arith.addi %mul3A_230, %add3A_243 : i32
          %add3A_296 = arith.constant 96 : i32
          %add3A_297 = arith.addi %add3A_296, %add3A : i32
          %dma_start3A_298 = arith.constant 3072 : i32
          %dma_start3A_299 = tpu.memref_slice %arg10[%dma_start3A_298] : memref<4096xf32, #tpu.memory_space<vmem>> -> memref<1024xf32, #tpu.memory_space<vmem>>
          %dma_start3A_300 = arith.constant 0 : i32
          %dma_start3A_301 = tpu.memref_slice %arg4[%add3A_295, %add3A_297, %dma_start3A_300] : memref<200x128x1024xf32, #tpu.memory_space<hbm>> -> memref<1x1x1024xf32, #tpu.memory_space<hbm>>
          %dma_start3A_302 = tpu.memref_squeeze %dma_start3A_301 : memref<1x1x1024xf32, #tpu.memory_space<hbm>> -> memref<1024xf32, #tpu.memory_space<hbm>>
          %dma_start3A_303 = arith.constant 0 : i32
          %dma_start3A_304 = tpu.memref_slice %arg4[%add3A_295, %add3A_297, %dma_start3A_303] : memref<200x128x1024xf32, #tpu.memory_space<hbm>> -> memref<1x1x1024xf32, #tpu.memory_space<hbm>>
          %dma_start3A_305 = tpu.memref_squeeze %dma_start3A_304 : memref<1x1x1024xf32, #tpu.memory_space<hbm>> -> memref<1024xf32, #tpu.memory_space<hbm>>
          %dma_start3A_306 = arith.constant 3072 : i32
          %dma_start3A_307 = tpu.memref_slice %arg10[%dma_start3A_306] : memref<4096xf32, #tpu.memory_space<vmem>> -> memref<1024xf32, #tpu.memory_space<vmem>>
          tpu.enqueue_dma source(%dma_start3A_307 : memref<1024xf32, #tpu.memory_space<vmem>>) target(%dma_start3A_305 : memref<1024xf32, #tpu.memory_space<hbm>>) target_semaphore(%arg15 : memref<!tpu.dma_semaphore, #tpu.memory_space<semaphore_mem>>)
          %mul3A_308 = arith.constant 2 : i32
          %mul3A_309 = arith.muli %scan3A_238, %mul3A_308 : i32
          %add3A_310 = arith.constant 1 : i32
          %add3A_311 = arith.addi %mul3A_309, %add3A_310 : i32
          %ge3A_312 = arith.constant 2 : i32
          %ge3A_313 = arith.cmpi sge, %add3A_311, %ge3A_312 : i32
          %gt3A_314 = arith.constant 0 : i32
          %gt3A_315 = arith.cmpi sgt, %add3A_198, %gt3A_314 : i32
          %or3A_316 = arith.ori %ge3A_313, %gt3A_315 : i1
          %convert_element_type3A_317 = arith.extui %or3A_316 : i1 to i32
          %cond3A_318 = arith.constant 0 : i32
          %cond3A_319 = arith.cmpi ne, %convert_element_type3A_317, %cond3A_318 : i32
          scf.if %cond3A_319 {
            %dma_wait3A_380 = arith.constant 0 : i32
            %dma_wait3A_381 = arith.constant 0 : i32
            %dma_wait3A_382 = arith.constant 0 : i32
            %dma_wait3A_383 = tpu.memref_slice %arg4[%dma_wait3A_380, %dma_wait3A_381, %dma_wait3A_382] : memref<200x128x1024xf32, #tpu.memory_space<hbm>> -> memref<1x1x1024xf32, #tpu.memory_space<hbm>>
            %dma_wait3A_384 = tpu.memref_squeeze %dma_wait3A_383 : memref<1x1x1024xf32, #tpu.memory_space<hbm>> -> memref<1024xf32, #tpu.memory_space<hbm>>
            %dma_wait3A_385 = arith.constant 0 : i32
            %dma_wait3A_386 = tpu.memref_slice %arg4[%dma_wait3A_380, %dma_wait3A_381, %dma_wait3A_385] : memref<200x128x1024xf32, #tpu.memory_space<hbm>> -> memref<1x1x1024xf32, #tpu.memory_space<hbm>>
            %dma_wait3A_387 = tpu.memref_squeeze %dma_wait3A_386 : memref<1x1x1024xf32, #tpu.memory_space<hbm>> -> memref<1024xf32, #tpu.memory_space<hbm>>
            tpu.wait_dma2 semaphore(%arg16 : memref<!tpu.dma_semaphore, #tpu.memory_space<semaphore_mem>>) src(%arg11 : memref<4096xf32, #tpu.memory_space<vmem>>) dst(%dma_wait3A_387 : memref<1024xf32, #tpu.memory_space<hbm>>)
            %dma_wait3A_388 = arith.constant 0 : i32
            %dma_wait3A_389 = arith.constant 0 : i32
            %dma_wait3A_390 = arith.constant 0 : i32
            %dma_wait3A_391 = tpu.memref_slice %arg4[%dma_wait3A_388, %dma_wait3A_389, %dma_wait3A_390] : memref<200x128x1024xf32, #tpu.memory_space<hbm>> -> memref<1x1x1024xf32, #tpu.memory_space<hbm>>
            %dma_wait3A_392 = tpu.memref_squeeze %dma_wait3A_391 : memref<1x1x1024xf32, #tpu.memory_space<hbm>> -> memref<1024xf32, #tpu.memory_space<hbm>>
            %dma_wait3A_393 = arith.constant 0 : i32
            %dma_wait3A_394 = tpu.memref_slice %arg4[%dma_wait3A_388, %dma_wait3A_389, %dma_wait3A_393] : memref<200x128x1024xf32, #tpu.memory_space<hbm>> -> memref<1x1x1024xf32, #tpu.memory_space<hbm>>
            %dma_wait3A_395 = tpu.memref_squeeze %dma_wait3A_394 : memref<1x1x1024xf32, #tpu.memory_space<hbm>> -> memref<1024xf32, #tpu.memory_space<hbm>>
            tpu.wait_dma2 semaphore(%arg16 : memref<!tpu.dma_semaphore, #tpu.memory_space<semaphore_mem>>) src(%arg11 : memref<4096xf32, #tpu.memory_space<vmem>>) dst(%dma_wait3A_395 : memref<1024xf32, #tpu.memory_space<hbm>>)
            %dma_wait3A_396 = arith.constant 0 : i32
            %dma_wait3A_397 = arith.constant 0 : i32
            %dma_wait3A_398 = arith.constant 0 : i32
            %dma_wait3A_399 = tpu.memref_slice %arg4[%dma_wait3A_396, %dma_wait3A_397, %dma_wait3A_398] : memref<200x128x1024xf32, #tpu.memory_space<hbm>> -> memref<1x1x1024xf32, #tpu.memory_space<hbm>>
            %dma_wait3A_400 = tpu.memref_squeeze %dma_wait3A_399 : memref<1x1x1024xf32, #tpu.memory_space<hbm>> -> memref<1024xf32, #tpu.memory_space<hbm>>
            %dma_wait3A_401 = arith.constant 0 : i32
            %dma_wait3A_402 = tpu.memref_slice %arg4[%dma_wait3A_396, %dma_wait3A_397, %dma_wait3A_401] : memref<200x128x1024xf32, #tpu.memory_space<hbm>> -> memref<1x1x1024xf32, #tpu.memory_space<hbm>>
            %dma_wait3A_403 = tpu.memref_squeeze %dma_wait3A_402 : memref<1x1x1024xf32, #tpu.memory_space<hbm>> -> memref<1024xf32, #tpu.memory_space<hbm>>
            tpu.wait_dma2 semaphore(%arg16 : memref<!tpu.dma_semaphore, #tpu.memory_space<semaphore_mem>>) src(%arg11 : memref<4096xf32, #tpu.memory_space<vmem>>) dst(%dma_wait3A_403 : memref<1024xf32, #tpu.memory_space<hbm>>)
            %dma_wait3A_404 = arith.constant 0 : i32
            %dma_wait3A_405 = arith.constant 0 : i32
            %dma_wait3A_406 = arith.constant 0 : i32
            %dma_wait3A_407 = tpu.memref_slice %arg4[%dma_wait3A_404, %dma_wait3A_405, %dma_wait3A_406] : memref<200x128x1024xf32, #tpu.memory_space<hbm>> -> memref<1x1x1024xf32, #tpu.memory_space<hbm>>
            %dma_wait3A_408 = tpu.memref_squeeze %dma_wait3A_407 : memref<1x1x1024xf32, #tpu.memory_space<hbm>> -> memref<1024xf32, #tpu.memory_space<hbm>>
            %dma_wait3A_409 = arith.constant 0 : i32
            %dma_wait3A_410 = tpu.memref_slice %arg4[%dma_wait3A_404, %dma_wait3A_405, %dma_wait3A_409] : memref<200x128x1024xf32, #tpu.memory_space<hbm>> -> memref<1x1x1024xf32, #tpu.memory_space<hbm>>
            %dma_wait3A_411 = tpu.memref_squeeze %dma_wait3A_410 : memref<1x1x1024xf32, #tpu.memory_space<hbm>> -> memref<1024xf32, #tpu.memory_space<hbm>>
            tpu.wait_dma2 semaphore(%arg16 : memref<!tpu.dma_semaphore, #tpu.memory_space<semaphore_mem>>) src(%arg11 : memref<4096xf32, #tpu.memory_space<vmem>>) dst(%dma_wait3A_411 : memref<1024xf32, #tpu.memory_space<hbm>>)
          } else {
          }
          %scan3A_320 = arith.constant 0 : i32
          %scan3A_321 = arith.constant 0 : i32
          %scan3A_322 = arith.constant 128 : i32
          %scan3A_323 = arith.addi %scan3A_321, %scan3A_322 : i32
          %scan3A_324 = arith.constant 8 : i32
          %scan3A_325 = scf.for %scan3A_380 = %scan3A_321 to %scan3A_323 step %scan3A_324 iter_args(%scan3A_381 = %scan3A_320) -> (i32)  : i32 {
            %mul3A_382 = arith.constant 8 : i32
            %mul3A_383 = arith.muli %scan3A_380, %mul3A_382 : i32
            %add3A_384 = arith.addi %mul3A_383, %add3A_311 : i32
            %get3A = arith.index_cast %add3A_384 : i32 to index
            %get3A_385 = arith.constant 0 : index
            %get3A_386 = tpu.vector_load %arg8[%get3A, %get3A_385] {strides = array<i32>} : memref<1024x32xf32, #tpu.memory_space<vmem>>, vector<16xf32>,
            %get3A_387 = arith.index_cast %add3A_384 : i32 to index
            %get3A_388 = arith.constant 16 : index
            %get3A_389 = tpu.vector_load %arg8[%get3A_387, %get3A_388] {strides = array<i32>} : memref<1024x32xf32, #tpu.memory_space<vmem>>, vector<16xf32>,
            %add3A_390 = vector.broadcast %scan3A_380 : i32 to vector<16xi32>
            %add3A_391 = arith.addi %add3A_111, %add3A_390 : vector<16xi32>
            tpu.vector_store_idx %arg11[%add3A_391], %get3A_386 : memref<4096xf32, #tpu.memory_space<vmem>>[vector<16xi32>], vector<16xf32>,
            %add3A_392 = vector.broadcast %scan3A_380 : i32 to vector<16xi32>
            %add3A_393 = arith.addi %add3A_114, %add3A_392 : vector<16xi32>
            tpu.vector_store_idx %arg11[%add3A_393], %get3A_389 : memref<4096xf32, #tpu.memory_space<vmem>>[vector<16xi32>], vector<16xf32>,
            %scan3A_394 = arith.constant 0 : i32
            %scan3A_395 = arith.constant 1 : i32
            %scan3A_396 = arith.addi %scan3A_380, %scan3A_395 : i32
            %mul3A_397 = arith.constant 8 : i32
            %mul3A_398 = arith.muli %scan3A_396, %mul3A_397 : i32
            %add3A_399 = arith.addi %mul3A_398, %add3A_311 : i32
            %get3A_400 = arith.index_cast %add3A_399 : i32 to index
            %get3A_401 = arith.constant 0 : index
            %get3A_402 = tpu.vector_load %arg8[%get3A_400, %get3A_401] {strides = array<i32>} : memref<1024x32xf32, #tpu.memory_space<vmem>>, vector<16xf32>,
            %get3A_403 = arith.index_cast %add3A_399 : i32 to index
            %get3A_404 = arith.constant 16 : index
            %get3A_405 = tpu.vector_load %arg8[%get3A_403, %get3A_404] {strides = array<i32>} : memref<1024x32xf32, #tpu.memory_space<vmem>>, vector<16xf32>,
            %add3A_406 = vector.broadcast %scan3A_396 : i32 to vector<16xi32>
            %add3A_407 = arith.addi %add3A_111, %add3A_406 : vector<16xi32>
            tpu.vector_store_idx %arg11[%add3A_407], %get3A_402 : memref<4096xf32, #tpu.memory_space<vmem>>[vector<16xi32>], vector<16xf32>,
            %add3A_408 = vector.broadcast %scan3A_396 : i32 to vector<16xi32>
            %add3A_409 = arith.addi %add3A_114, %add3A_408 : vector<16xi32>
            tpu.vector_store_idx %arg11[%add3A_409], %get3A_405 : memref<4096xf32, #tpu.memory_space<vmem>>[vector<16xi32>], vector<16xf32>,
            %scan3A_410 = arith.constant 0 : i32
            %scan3A_411 = arith.constant 2 : i32
            %scan3A_412 = arith.addi %scan3A_380, %scan3A_411 : i32
            %mul3A_413 = arith.constant 8 : i32
            %mul3A_414 = arith.muli %scan3A_412, %mul3A_413 : i32
            %add3A_415 = arith.addi %mul3A_414, %add3A_311 : i32
            %get3A_416 = arith.index_cast %add3A_415 : i32 to index
            %get3A_417 = arith.constant 0 : index
            %get3A_418 = tpu.vector_load %arg8[%get3A_416, %get3A_417] {strides = array<i32>} : memref<1024x32xf32, #tpu.memory_space<vmem>>, vector<16xf32>,
            %get3A_419 = arith.index_cast %add3A_415 : i32 to index
            %get3A_420 = arith.constant 16 : index
            %get3A_421 = tpu.vector_load %arg8[%get3A_419, %get3A_420] {strides = array<i32>} : memref<1024x32xf32, #tpu.memory_space<vmem>>, vector<16xf32>,
            %add3A_422 = vector.broadcast %scan3A_412 : i32 to vector<16xi32>
            %add3A_423 = arith.addi %add3A_111, %add3A_422 : vector<16xi32>
            tpu.vector_store_idx %arg11[%add3A_423], %get3A_418 : memref<4096xf32, #tpu.memory_space<vmem>>[vector<16xi32>], vector<16xf32>,
            %add3A_424 = vector.broadcast %scan3A_412 : i32 to vector<16xi32>
            %add3A_425 = arith.addi %add3A_114, %add3A_424 : vector<16xi32>
            tpu.vector_store_idx %arg11[%add3A_425], %get3A_421 : memref<4096xf32, #tpu.memory_space<vmem>>[vector<16xi32>], vector<16xf32>,
            %scan3A_426 = arith.constant 0 : i32
            %scan3A_427 = arith.constant 3 : i32
            %scan3A_428 = arith.addi %scan3A_380, %scan3A_427 : i32
            %mul3A_429 = arith.constant 8 : i32
            %mul3A_430 = arith.muli %scan3A_428, %mul3A_429 : i32
            %add3A_431 = arith.addi %mul3A_430, %add3A_311 : i32
            %get3A_432 = arith.index_cast %add3A_431 : i32 to index
            %get3A_433 = arith.constant 0 : index
            %get3A_434 = tpu.vector_load %arg8[%get3A_432, %get3A_433] {strides = array<i32>} : memref<1024x32xf32, #tpu.memory_space<vmem>>, vector<16xf32>,
            %get3A_435 = arith.index_cast %add3A_431 : i32 to index
            %get3A_436 = arith.constant 16 : index
            %get3A_437 = tpu.vector_load %arg8[%get3A_435, %get3A_436] {strides = array<i32>} : memref<1024x32xf32, #tpu.memory_space<vmem>>, vector<16xf32>,
            %add3A_438 = vector.broadcast %scan3A_428 : i32 to vector<16xi32>
            %add3A_439 = arith.addi %add3A_111, %add3A_438 : vector<16xi32>
            tpu.vector_store_idx %arg11[%add3A_439], %get3A_434 : memref<4096xf32, #tpu.memory_space<vmem>>[vector<16xi32>], vector<16xf32>,
            %add3A_440 = vector.broadcast %scan3A_428 : i32 to vector<16xi32>
            %add3A_441 = arith.addi %add3A_114, %add3A_440 : vector<16xi32>
            tpu.vector_store_idx %arg11[%add3A_441], %get3A_437 : memref<4096xf32, #tpu.memory_space<vmem>>[vector<16xi32>], vector<16xf32>,
            %scan3A_442 = arith.constant 0 : i32
            %scan3A_443 = arith.constant 4 : i32
            %scan3A_444 = arith.addi %scan3A_380, %scan3A_443 : i32
            %mul3A_445 = arith.constant 8 : i32
            %mul3A_446 = arith.muli %scan3A_444, %mul3A_445 : i32
            %add3A_447 = arith.addi %mul3A_446, %add3A_311 : i32
            %get3A_448 = arith.index_cast %add3A_447 : i32 to index
            %get3A_449 = arith.constant 0 : index
            %get3A_450 = tpu.vector_load %arg8[%get3A_448, %get3A_449] {strides = array<i32>} : memref<1024x32xf32, #tpu.memory_space<vmem>>, vector<16xf32>,
            %get3A_451 = arith.index_cast %add3A_447 : i32 to index
            %get3A_452 = arith.constant 16 : index
            %get3A_453 = tpu.vector_load %arg8[%get3A_451, %get3A_452] {strides = array<i32>} : memref<1024x32xf32, #tpu.memory_space<vmem>>, vector<16xf32>,
            %add3A_454 = vector.broadcast %scan3A_444 : i32 to vector<16xi32>
            %add3A_455 = arith.addi %add3A_111, %add3A_454 : vector<16xi32>
            tpu.vector_store_idx %arg11[%add3A_455], %get3A_450 : memref<4096xf32, #tpu.memory_space<vmem>>[vector<16xi32>], vector<16xf32>,
            %add3A_456 = vector.broadcast %scan3A_444 : i32 to vector<16xi32>
            %add3A_457 = arith.addi %add3A_114, %add3A_456 : vector<16xi32>
            tpu.vector_store_idx %arg11[%add3A_457], %get3A_453 : memref<4096xf32, #tpu.memory_space<vmem>>[vector<16xi32>], vector<16xf32>,
            %scan3A_458 = arith.constant 0 : i32
            %scan3A_459 = arith.constant 5 : i32
            %scan3A_460 = arith.addi %scan3A_380, %scan3A_459 : i32
            %mul3A_461 = arith.constant 8 : i32
            %mul3A_462 = arith.muli %scan3A_460, %mul3A_461 : i32
            %add3A_463 = arith.addi %mul3A_462, %add3A_311 : i32
            %get3A_464 = arith.index_cast %add3A_463 : i32 to index
            %get3A_465 = arith.constant 0 : index
            %get3A_466 = tpu.vector_load %arg8[%get3A_464, %get3A_465] {strides = array<i32>} : memref<1024x32xf32, #tpu.memory_space<vmem>>, vector<16xf32>,
            %get3A_467 = arith.index_cast %add3A_463 : i32 to index
            %get3A_468 = arith.constant 16 : index
            %get3A_469 = tpu.vector_load %arg8[%get3A_467, %get3A_468] {strides = array<i32>} : memref<1024x32xf32, #tpu.memory_space<vmem>>, vector<16xf32>,
            %add3A_470 = vector.broadcast %scan3A_460 : i32 to vector<16xi32>
            %add3A_471 = arith.addi %add3A_111, %add3A_470 : vector<16xi32>
            tpu.vector_store_idx %arg11[%add3A_471], %get3A_466 : memref<4096xf32, #tpu.memory_space<vmem>>[vector<16xi32>], vector<16xf32>,
            %add3A_472 = vector.broadcast %scan3A_460 : i32 to vector<16xi32>
            %add3A_473 = arith.addi %add3A_114, %add3A_472 : vector<16xi32>
            tpu.vector_store_idx %arg11[%add3A_473], %get3A_469 : memref<4096xf32, #tpu.memory_space<vmem>>[vector<16xi32>], vector<16xf32>,
            %scan3A_474 = arith.constant 0 : i32
            %scan3A_475 = arith.constant 6 : i32
            %scan3A_476 = arith.addi %scan3A_380, %scan3A_475 : i32
            %mul3A_477 = arith.constant 8 : i32
            %mul3A_478 = arith.muli %scan3A_476, %mul3A_477 : i32
            %add3A_479 = arith.addi %mul3A_478, %add3A_311 : i32
            %get3A_480 = arith.index_cast %add3A_479 : i32 to index
            %get3A_481 = arith.constant 0 : index
            %get3A_482 = tpu.vector_load %arg8[%get3A_480, %get3A_481] {strides = array<i32>} : memref<1024x32xf32, #tpu.memory_space<vmem>>, vector<16xf32>,
            %get3A_483 = arith.index_cast %add3A_479 : i32 to index
            %get3A_484 = arith.constant 16 : index
            %get3A_485 = tpu.vector_load %arg8[%get3A_483, %get3A_484] {strides = array<i32>} : memref<1024x32xf32, #tpu.memory_space<vmem>>, vector<16xf32>,
            %add3A_486 = vector.broadcast %scan3A_476 : i32 to vector<16xi32>
            %add3A_487 = arith.addi %add3A_111, %add3A_486 : vector<16xi32>
            tpu.vector_store_idx %arg11[%add3A_487], %get3A_482 : memref<4096xf32, #tpu.memory_space<vmem>>[vector<16xi32>], vector<16xf32>,
            %add3A_488 = vector.broadcast %scan3A_476 : i32 to vector<16xi32>
            %add3A_489 = arith.addi %add3A_114, %add3A_488 : vector<16xi32>
            tpu.vector_store_idx %arg11[%add3A_489], %get3A_485 : memref<4096xf32, #tpu.memory_space<vmem>>[vector<16xi32>], vector<16xf32>,
            %scan3A_490 = arith.constant 0 : i32
            %scan3A_491 = arith.constant 7 : i32
            %scan3A_492 = arith.addi %scan3A_380, %scan3A_491 : i32
            %mul3A_493 = arith.constant 8 : i32
            %mul3A_494 = arith.muli %scan3A_492, %mul3A_493 : i32
            %add3A_495 = arith.addi %mul3A_494, %add3A_311 : i32
            %get3A_496 = arith.index_cast %add3A_495 : i32 to index
            %get3A_497 = arith.constant 0 : index
            %get3A_498 = tpu.vector_load %arg8[%get3A_496, %get3A_497] {strides = array<i32>} : memref<1024x32xf32, #tpu.memory_space<vmem>>, vector<16xf32>,
            %get3A_499 = arith.index_cast %add3A_495 : i32 to index
            %get3A_500 = arith.constant 16 : index
            %get3A_501 = tpu.vector_load %arg8[%get3A_499, %get3A_500] {strides = array<i32>} : memref<1024x32xf32, #tpu.memory_space<vmem>>, vector<16xf32>,
            %add3A_502 = vector.broadcast %scan3A_492 : i32 to vector<16xi32>
            %add3A_503 = arith.addi %add3A_111, %add3A_502 : vector<16xi32>
            tpu.vector_store_idx %arg11[%add3A_503], %get3A_498 : memref<4096xf32, #tpu.memory_space<vmem>>[vector<16xi32>], vector<16xf32>,
            %add3A_504 = vector.broadcast %scan3A_492 : i32 to vector<16xi32>
            %add3A_505 = arith.addi %add3A_114, %add3A_504 : vector<16xi32>
            tpu.vector_store_idx %arg11[%add3A_505], %get3A_501 : memref<4096xf32, #tpu.memory_space<vmem>>[vector<16xi32>], vector<16xf32>,
            %scan3A_506 = arith.constant 0 : i32
            scf.yield %scan3A_506 : i32
          }
          %scan3A_326 = arith.constant 128 : i32
          %add3A_327 = arith.addi %mul3A_230, %add3A_311 : i32
          %add3A_328 = arith.constant 0 : i32
          %add3A_329 = arith.addi %add3A_328, %add3A : i32
          %dma_start3A_330 = arith.constant 0 : i32
          %dma_start3A_331 = tpu.memref_slice %arg11[%dma_start3A_330] : memref<4096xf32, #tpu.memory_space<vmem>> -> memref<1024xf32, #tpu.memory_space<vmem>>
          %dma_start3A_332 = arith.constant 0 : i32
          %dma_start3A_333 = tpu.memref_slice %arg4[%add3A_327, %add3A_329, %dma_start3A_332] : memref<200x128x1024xf32, #tpu.memory_space<hbm>> -> memref<1x1x1024xf32, #tpu.memory_space<hbm>>
          %dma_start3A_334 = tpu.memref_squeeze %dma_start3A_333 : memref<1x1x1024xf32, #tpu.memory_space<hbm>> -> memref<1024xf32, #tpu.memory_space<hbm>>
          %dma_start3A_335 = arith.constant 0 : i32
          %dma_start3A_336 = tpu.memref_slice %arg4[%add3A_327, %add3A_329, %dma_start3A_335] : memref<200x128x1024xf32, #tpu.memory_space<hbm>> -> memref<1x1x1024xf32, #tpu.memory_space<hbm>>
          %dma_start3A_337 = tpu.memref_squeeze %dma_start3A_336 : memref<1x1x1024xf32, #tpu.memory_space<hbm>> -> memref<1024xf32, #tpu.memory_space<hbm>>
          %dma_start3A_338 = arith.constant 0 : i32
          %dma_start3A_339 = tpu.memref_slice %arg11[%dma_start3A_338] : memref<4096xf32, #tpu.memory_space<vmem>> -> memref<1024xf32, #tpu.memory_space<vmem>>
          tpu.enqueue_dma source(%dma_start3A_339 : memref<1024xf32, #tpu.memory_space<vmem>>) target(%dma_start3A_337 : memref<1024xf32, #tpu.memory_space<hbm>>) target_semaphore(%arg16 : memref<!tpu.dma_semaphore, #tpu.memory_space<semaphore_mem>>)
          %add3A_340 = arith.addi %mul3A_230, %add3A_311 : i32
          %add3A_341 = arith.constant 32 : i32
          %add3A_342 = arith.addi %add3A_341, %add3A : i32
          %dma_start3A_343 = arith.constant 1024 : i32
          %dma_start3A_344 = tpu.memref_slice %arg11[%dma_start3A_343] : memref<4096xf32, #tpu.memory_space<vmem>> -> memref<1024xf32, #tpu.memory_space<vmem>>
          %dma_start3A_345 = arith.constant 0 : i32
          %dma_start3A_346 = tpu.memref_slice %arg4[%add3A_340, %add3A_342, %dma_start3A_345] : memref<200x128x1024xf32, #tpu.memory_space<hbm>> -> memref<1x1x1024xf32, #tpu.memory_space<hbm>>
          %dma_start3A_347 = tpu.memref_squeeze %dma_start3A_346 : memref<1x1x1024xf32, #tpu.memory_space<hbm>> -> memref<1024xf32, #tpu.memory_space<hbm>>
          %dma_start3A_348 = arith.constant 0 : i32
          %dma_start3A_349 = tpu.memref_slice %arg4[%add3A_340, %add3A_342, %dma_start3A_348] : memref<200x128x1024xf32, #tpu.memory_space<hbm>> -> memref<1x1x1024xf32, #tpu.memory_space<hbm>>
          %dma_start3A_350 = tpu.memref_squeeze %dma_start3A_349 : memref<1x1x1024xf32, #tpu.memory_space<hbm>> -> memref<1024xf32, #tpu.memory_space<hbm>>
          %dma_start3A_351 = arith.constant 1024 : i32
          %dma_start3A_352 = tpu.memref_slice %arg11[%dma_start3A_351] : memref<4096xf32, #tpu.memory_space<vmem>> -> memref<1024xf32, #tpu.memory_space<vmem>>
          tpu.enqueue_dma source(%dma_start3A_352 : memref<1024xf32, #tpu.memory_space<vmem>>) target(%dma_start3A_350 : memref<1024xf32, #tpu.memory_space<hbm>>) target_semaphore(%arg16 : memref<!tpu.dma_semaphore, #tpu.memory_space<semaphore_mem>>)
          %add3A_353 = arith.addi %mul3A_230, %add3A_311 : i32
          %add3A_354 = arith.constant 64 : i32
          %add3A_355 = arith.addi %add3A_354, %add3A : i32
          %dma_start3A_356 = arith.constant 2048 : i32
          %dma_start3A_357 = tpu.memref_slice %arg11[%dma_start3A_356] : memref<4096xf32, #tpu.memory_space<vmem>> -> memref<1024xf32, #tpu.memory_space<vmem>>
          %dma_start3A_358 = arith.constant 0 : i32
          %dma_start3A_359 = tpu.memref_slice %arg4[%add3A_353, %add3A_355, %dma_start3A_358] : memref<200x128x1024xf32, #tpu.memory_space<hbm>> -> memref<1x1x1024xf32, #tpu.memory_space<hbm>>
          %dma_start3A_360 = tpu.memref_squeeze %dma_start3A_359 : memref<1x1x1024xf32, #tpu.memory_space<hbm>> -> memref<1024xf32, #tpu.memory_space<hbm>>
          %dma_start3A_361 = arith.constant 0 : i32
          %dma_start3A_362 = tpu.memref_slice %arg4[%add3A_353, %add3A_355, %dma_start3A_361] : memref<200x128x1024xf32, #tpu.memory_space<hbm>> -> memref<1x1x1024xf32, #tpu.memory_space<hbm>>
          %dma_start3A_363 = tpu.memref_squeeze %dma_start3A_362 : memref<1x1x1024xf32, #tpu.memory_space<hbm>> -> memref<1024xf32, #tpu.memory_space<hbm>>
          %dma_start3A_364 = arith.constant 2048 : i32
          %dma_start3A_365 = tpu.memref_slice %arg11[%dma_start3A_364] : memref<4096xf32, #tpu.memory_space<vmem>> -> memref<1024xf32, #tpu.memory_space<vmem>>
          tpu.enqueue_dma source(%dma_start3A_365 : memref<1024xf32, #tpu.memory_space<vmem>>) target(%dma_start3A_363 : memref<1024xf32, #tpu.memory_space<hbm>>) target_semaphore(%arg16 : memref<!tpu.dma_semaphore, #tpu.memory_space<semaphore_mem>>)
          %add3A_366 = arith.addi %mul3A_230, %add3A_311 : i32
          %add3A_367 = arith.constant 96 : i32
          %add3A_368 = arith.addi %add3A_367, %add3A : i32
          %dma_start3A_369 = arith.constant 3072 : i32
          %dma_start3A_370 = tpu.memref_slice %arg11[%dma_start3A_369] : memref<4096xf32, #tpu.memory_space<vmem>> -> memref<1024xf32, #tpu.memory_space<vmem>>
          %dma_start3A_371 = arith.constant 0 : i32
          %dma_start3A_372 = tpu.memref_slice %arg4[%add3A_366, %add3A_368, %dma_start3A_371] : memref<200x128x1024xf32, #tpu.memory_space<hbm>> -> memref<1x1x1024xf32, #tpu.memory_space<hbm>>
          %dma_start3A_373 = tpu.memref_squeeze %dma_start3A_372 : memref<1x1x1024xf32, #tpu.memory_space<hbm>> -> memref<1024xf32, #tpu.memory_space<hbm>>
          %dma_start3A_374 = arith.constant 0 : i32
          %dma_start3A_375 = tpu.memref_slice %arg4[%add3A_366, %add3A_368, %dma_start3A_374] : memref<200x128x1024xf32, #tpu.memory_space<hbm>> -> memref<1x1x1024xf32, #tpu.memory_space<hbm>>
          %dma_start3A_376 = tpu.memref_squeeze %dma_start3A_375 : memref<1x1x1024xf32, #tpu.memory_space<hbm>> -> memref<1024xf32, #tpu.memory_space<hbm>>
          %dma_start3A_377 = arith.constant 3072 : i32
          %dma_start3A_378 = tpu.memref_slice %arg11[%dma_start3A_377] : memref<4096xf32, #tpu.memory_space<vmem>> -> memref<1024xf32, #tpu.memory_space<vmem>>
          tpu.enqueue_dma source(%dma_start3A_378 : memref<1024xf32, #tpu.memory_space<vmem>>) target(%dma_start3A_376 : memref<1024xf32, #tpu.memory_space<hbm>>) target_semaphore(%arg16 : memref<!tpu.dma_semaphore, #tpu.memory_space<semaphore_mem>>)
          %scan3A_379 = arith.constant 0 : i32
          scf.yield %scan3A_379 : i32
        }
        %scan3A_237 = arith.constant 4 : i32
      } else {
      }
      %mul3A_209 = arith.constant 2 : i32
      %mul3A_210 = arith.muli %scan3A_193, %mul3A_209 : i32
      %add3A_211 = arith.constant 1 : i32
      %add3A_212 = arith.addi %mul3A_210, %add3A_211 : i32
      %add3A_213 = arith.constant 1 : i32
      %add3A_214 = arith.addi %add3A_212, %add3A_213 : i32
      %lt3A_215 = arith.constant 25 : i32
      %lt3A_216 = arith.cmpi slt, %add3A_214, %lt3A_215 : i32
      %convert_element_type3A_217 = arith.extui %lt3A_216 : i1 to i32
      %cond3A_218 = arith.constant 0 : i32
      %cond3A_219 = arith.cmpi ne, %convert_element_type3A_217, %cond3A_218 : i32
      scf.if %cond3A_219 {
        %add3A_226 = arith.constant 1 : i32
        %add3A_227 = arith.addi %add3A_212, %add3A_226 : i32
        %mul3A_228 = arith.constant 8 : i32
        %mul3A_229 = arith.muli %add3A_227, %mul3A_228 : i32
        %scan3A_230 = arith.constant 0 : i32
        %scan3A_231 = arith.constant 0 : i32
        %scan3A_232 = arith.constant 64 : i32
        %scan3A_233 = arith.addi %scan3A_231, %scan3A_232 : i32
        %scan3A_234 = arith.constant 8 : i32
        %scan3A_235 = scf.for %scan3A_240 = %scan3A_231 to %scan3A_233 step %scan3A_234 iter_args(%scan3A_241 = %scan3A_230) -> (i32)  : i32 {
          %mul3A_242 = arith.constant 400 : i32
          %mul3A_243 = arith.muli %scan3A_240, %mul3A_242 : i32
          %add3A_244 = arith.addi %mul3A_243, %mul3A_229 : i32
          %add3A_245 = vector.broadcast %add3A_244 : i32 to vector<16xi32>
          %add3A_246 = arith.addi %add3A_51, %add3A_245 : vector<16xi32>
          %gather3A = tpu.vector_load_idx %arg5[%add3A_246] : memref<25600xi32, #tpu.memory_space<vmem>>[vector<16xi32>], vector<16xi32>,
          %mul3A_247 = arith.constant 16 : i32
          %mul3A_248 = arith.muli %scan3A_240, %mul3A_247 : i32
          %swap3A = arith.index_cast %mul3A_248 : i32 to index
          %swap3A_249 = tpu.vector_load %arg6[%swap3A] {strides = array<i32>} : memref<1024xi32, #tpu.memory_space<vmem>>, vector<16xi32>,
          tpu.vector_store %arg6[%swap3A], %gather3A {strides = array<i32>} : memref<1024xi32, #tpu.memory_space<vmem>>, vector<16xi32>,
          %scan3A_250 = arith.constant 0 : i32
          %scan3A_251 = arith.constant 1 : i32
          %scan3A_252 = arith.addi %scan3A_240, %scan3A_251 : i32
          %mul3A_253 = arith.constant 400 : i32
          %mul3A_254 = arith.muli %scan3A_252, %mul3A_253 : i32
          %add3A_255 = arith.addi %mul3A_254, %mul3A_229 : i32
          %add3A_256 = vector.broadcast %add3A_255 : i32 to vector<16xi32>
          %add3A_257 = arith.addi %add3A_51, %add3A_256 : vector<16xi32>
          %gather3A_258 = tpu.vector_load_idx %arg5[%add3A_257] : memref<25600xi32, #tpu.memory_space<vmem>>[vector<16xi32>], vector<16xi32>,
          %mul3A_259 = arith.constant 16 : i32
          %mul3A_260 = arith.muli %scan3A_252, %mul3A_259 : i32
          %swap3A_261 = arith.index_cast %mul3A_260 : i32 to index
          %swap3A_262 = tpu.vector_load %arg6[%swap3A_261] {strides = array<i32>} : memref<1024xi32, #tpu.memory_space<vmem>>, vector<16xi32>,
          tpu.vector_store %arg6[%swap3A_261], %gather3A_258 {strides = array<i32>} : memref<1024xi32, #tpu.memory_space<vmem>>, vector<16xi32>,
          %scan3A_263 = arith.constant 0 : i32
          %scan3A_264 = arith.constant 2 : i32
          %scan3A_265 = arith.addi %scan3A_240, %scan3A_264 : i32
          %mul3A_266 = arith.constant 400 : i32
          %mul3A_267 = arith.muli %scan3A_265, %mul3A_266 : i32
          %add3A_268 = arith.addi %mul3A_267, %mul3A_229 : i32
          %add3A_269 = vector.broadcast %add3A_268 : i32 to vector<16xi32>
          %add3A_270 = arith.addi %add3A_51, %add3A_269 : vector<16xi32>
          %gather3A_271 = tpu.vector_load_idx %arg5[%add3A_270] : memref<25600xi32, #tpu.memory_space<vmem>>[vector<16xi32>], vector<16xi32>,
          %mul3A_272 = arith.constant 16 : i32
          %mul3A_273 = arith.muli %scan3A_265, %mul3A_272 : i32
          %swap3A_274 = arith.index_cast %mul3A_273 : i32 to index
          %swap3A_275 = tpu.vector_load %arg6[%swap3A_274] {strides = array<i32>} : memref<1024xi32, #tpu.memory_space<vmem>>, vector<16xi32>,
          tpu.vector_store %arg6[%swap3A_274], %gather3A_271 {strides = array<i32>} : memref<1024xi32, #tpu.memory_space<vmem>>, vector<16xi32>,
          %scan3A_276 = arith.constant 0 : i32
          %scan3A_277 = arith.constant 3 : i32
          %scan3A_278 = arith.addi %scan3A_240, %scan3A_277 : i32
          %mul3A_279 = arith.constant 400 : i32
          %mul3A_280 = arith.muli %scan3A_278, %mul3A_279 : i32
          %add3A_281 = arith.addi %mul3A_280, %mul3A_229 : i32
          %add3A_282 = vector.broadcast %add3A_281 : i32 to vector<16xi32>
          %add3A_283 = arith.addi %add3A_51, %add3A_282 : vector<16xi32>
          %gather3A_284 = tpu.vector_load_idx %arg5[%add3A_283] : memref<25600xi32, #tpu.memory_space<vmem>>[vector<16xi32>], vector<16xi32>,
          %mul3A_285 = arith.constant 16 : i32
          %mul3A_286 = arith.muli %scan3A_278, %mul3A_285 : i32
          %swap3A_287 = arith.index_cast %mul3A_286 : i32 to index
          %swap3A_288 = tpu.vector_load %arg6[%swap3A_287] {strides = array<i32>} : memref<1024xi32, #tpu.memory_space<vmem>>, vector<16xi32>,
          tpu.vector_store %arg6[%swap3A_287], %gather3A_284 {strides = array<i32>} : memref<1024xi32, #tpu.memory_space<vmem>>, vector<16xi32>,
          %scan3A_289 = arith.constant 0 : i32
          %scan3A_290 = arith.constant 4 : i32
          %scan3A_291 = arith.addi %scan3A_240, %scan3A_290 : i32
          %mul3A_292 = arith.constant 400 : i32
          %mul3A_293 = arith.muli %scan3A_291, %mul3A_292 : i32
          %add3A_294 = arith.addi %mul3A_293, %mul3A_229 : i32
          %add3A_295 = vector.broadcast %add3A_294 : i32 to vector<16xi32>
          %add3A_296 = arith.addi %add3A_51, %add3A_295 : vector<16xi32>
          %gather3A_297 = tpu.vector_load_idx %arg5[%add3A_296] : memref<25600xi32, #tpu.memory_space<vmem>>[vector<16xi32>], vector<16xi32>,
          %mul3A_298 = arith.constant 16 : i32
          %mul3A_299 = arith.muli %scan3A_291, %mul3A_298 : i32
          %swap3A_300 = arith.index_cast %mul3A_299 : i32 to index
          %swap3A_301 = tpu.vector_load %arg6[%swap3A_300] {strides = array<i32>} : memref<1024xi32, #tpu.memory_space<vmem>>, vector<16xi32>,
          tpu.vector_store %arg6[%swap3A_300], %gather3A_297 {strides = array<i32>} : memref<1024xi32, #tpu.memory_space<vmem>>, vector<16xi32>,
          %scan3A_302 = arith.constant 0 : i32
          %scan3A_303 = arith.constant 5 : i32
          %scan3A_304 = arith.addi %scan3A_240, %scan3A_303 : i32
          %mul3A_305 = arith.constant 400 : i32
          %mul3A_306 = arith.muli %scan3A_304, %mul3A_305 : i32
          %add3A_307 = arith.addi %mul3A_306, %mul3A_229 : i32
          %add3A_308 = vector.broadcast %add3A_307 : i32 to vector<16xi32>
          %add3A_309 = arith.addi %add3A_51, %add3A_308 : vector<16xi32>
          %gather3A_310 = tpu.vector_load_idx %arg5[%add3A_309] : memref<25600xi32, #tpu.memory_space<vmem>>[vector<16xi32>], vector<16xi32>,
          %mul3A_311 = arith.constant 16 : i32
          %mul3A_312 = arith.muli %scan3A_304, %mul3A_311 : i32
          %swap3A_313 = arith.index_cast %mul3A_312 : i32 to index
          %swap3A_314 = tpu.vector_load %arg6[%swap3A_313] {strides = array<i32>} : memref<1024xi32, #tpu.memory_space<vmem>>, vector<16xi32>,
          tpu.vector_store %arg6[%swap3A_313], %gather3A_310 {strides = array<i32>} : memref<1024xi32, #tpu.memory_space<vmem>>, vector<16xi32>,
          %scan3A_315 = arith.constant 0 : i32
          %scan3A_316 = arith.constant 6 : i32
          %scan3A_317 = arith.addi %scan3A_240, %scan3A_316 : i32
          %mul3A_318 = arith.constant 400 : i32
          %mul3A_319 = arith.muli %scan3A_317, %mul3A_318 : i32
          %add3A_320 = arith.addi %mul3A_319, %mul3A_229 : i32
          %add3A_321 = vector.broadcast %add3A_320 : i32 to vector<16xi32>
          %add3A_322 = arith.addi %add3A_51, %add3A_321 : vector<16xi32>
          %gather3A_323 = tpu.vector_load_idx %arg5[%add3A_322] : memref<25600xi32, #tpu.memory_space<vmem>>[vector<16xi32>], vector<16xi32>,
          %mul3A_324 = arith.constant 16 : i32
          %mul3A_325 = arith.muli %scan3A_317, %mul3A_324 : i32
          %swap3A_326 = arith.index_cast %mul3A_325 : i32 to index
          %swap3A_327 = tpu.vector_load %arg6[%swap3A_326] {strides = array<i32>} : memref<1024xi32, #tpu.memory_space<vmem>>, vector<16xi32>,
          tpu.vector_store %arg6[%swap3A_326], %gather3A_323 {strides = array<i32>} : memref<1024xi32, #tpu.memory_space<vmem>>, vector<16xi32>,
          %scan3A_328 = arith.constant 0 : i32
          %scan3A_329 = arith.constant 7 : i32
          %scan3A_330 = arith.addi %scan3A_240, %scan3A_329 : i32
          %mul3A_331 = arith.constant 400 : i32
          %mul3A_332 = arith.muli %scan3A_330, %mul3A_331 : i32
          %add3A_333 = arith.addi %mul3A_332, %mul3A_229 : i32
          %add3A_334 = vector.broadcast %add3A_333 : i32 to vector<16xi32>
          %add3A_335 = arith.addi %add3A_51, %add3A_334 : vector<16xi32>
          %gather3A_336 = tpu.vector_load_idx %arg5[%add3A_335] : memref<25600xi32, #tpu.memory_space<vmem>>[vector<16xi32>], vector<16xi32>,
          %mul3A_337 = arith.constant 16 : i32
          %mul3A_338 = arith.muli %scan3A_330, %mul3A_337 : i32
          %swap3A_339 = arith.index_cast %mul3A_338 : i32 to index
          %swap3A_340 = tpu.vector_load %arg6[%swap3A_339] {strides = array<i32>} : memref<1024xi32, #tpu.memory_space<vmem>>, vector<16xi32>,
          tpu.vector_store %arg6[%swap3A_339], %gather3A_336 {strides = array<i32>} : memref<1024xi32, #tpu.memory_space<vmem>>, vector<16xi32>,
          %scan3A_341 = arith.constant 0 : i32
          scf.yield %scan3A_341 : i32
        }
        %scan3A_236 = arith.constant 64 : i32
        %dma_start3A_237 = arith.constant 0 : i32
        %dma_start3A_238 = arith.constant 0 : i32
        %dma_start3A_239 = tpu.memref_slice %arg3[%dma_start3A_237, %dma_start3A_238] : memref<1000000x32xf32, #tpu.memory_space<hbm>> -> memref<1000000x32xf32, #tpu.memory_space<hbm>>
        tpu.enqueue_indirect_dma source(%dma_start3A_239 : memref<1000000x32xf32, #tpu.memory_space<hbm>>) target(%arg8 : memref<1024x32xf32, #tpu.memory_space<vmem>>) offsets(%arg6 : memref<1024xi32, #tpu.memory_space<vmem>>) semaphore(%arg13 : memref<!tpu.dma_semaphore, #tpu.memory_space<semaphore_mem>>)
      } else {
      }
      %lt3A_220 = arith.constant 25 : i32
      %lt3A_221 = arith.cmpi slt, %add3A_212, %lt3A_220 : i32
      %convert_element_type3A_222 = arith.extui %lt3A_221 : i1 to i32
      %cond3A_223 = arith.constant 0 : i32
      %cond3A_224 = arith.cmpi ne, %convert_element_type3A_222, %cond3A_223 : i32
      scf.if %cond3A_224 {
        %dma_wait3A_226 = arith.constant 0 : i32
        %dma_wait3A_227 = arith.constant 0 : i32
        %dma_wait3A_228 = tpu.memref_slice %arg3[%dma_wait3A_226, %dma_wait3A_227] : memref<1000000x32xf32, #tpu.memory_space<hbm>> -> memref<1000000x32xf32, #tpu.memory_space<hbm>>
        tpu.wait_indirect_dma semaphore(%arg14 : memref<!tpu.dma_semaphore, #tpu.memory_space<semaphore_mem>>) src(%dma_wait3A_228 : memref<1000000x32xf32, #tpu.memory_space<hbm>>) dst(%arg9 : memref<1024x32xf32, #tpu.memory_space<vmem>>)
        %mul3A_229 = arith.constant 8 : i32
        %mul3A_230 = arith.muli %add3A_212, %mul3A_229 : i32
        %scan3A_231 = arith.constant 0 : i32
        %scan3A_232 = arith.constant 0 : i32
        %scan3A_233 = arith.constant 4 : i32
        %scan3A_234 = arith.addi %scan3A_232, %scan3A_233 : i32
        %scan3A_235 = arith.constant 1 : i32
        %scan3A_236 = scf.for %scan3A_238 = %scan3A_232 to %scan3A_234 step %scan3A_235 iter_args(%scan3A_239 = %scan3A_231) -> (i32)  : i32 {
          %mul3A_240 = arith.constant 2 : i32
          %mul3A_241 = arith.muli %scan3A_238, %mul3A_240 : i32
          %add3A_242 = arith.constant 0 : i32
          %add3A_243 = arith.addi %mul3A_241, %add3A_242 : i32
          %ge3A = arith.constant 2 : i32
          %ge3A_244 = arith.cmpi sge, %add3A_243, %ge3A : i32
          %gt3A = arith.constant 0 : i32
          %gt3A_245 = arith.cmpi sgt, %add3A_212, %gt3A : i32
          %or3A = arith.ori %ge3A_244, %gt3A_245 : i1
          %convert_element_type3A_246 = arith.extui %or3A : i1 to i32
          %cond3A_247 = arith.constant 0 : i32
          %cond3A_248 = arith.cmpi ne, %convert_element_type3A_246, %cond3A_247 : i32
          scf.if %cond3A_248 {
            %dma_wait3A_380 = arith.constant 0 : i32
            %dma_wait3A_381 = arith.constant 0 : i32
            %dma_wait3A_382 = arith.constant 0 : i32
            %dma_wait3A_383 = tpu.memref_slice %arg4[%dma_wait3A_380, %dma_wait3A_381, %dma_wait3A_382] : memref<200x128x1024xf32, #tpu.memory_space<hbm>> -> memref<1x1x1024xf32, #tpu.memory_space<hbm>>
            %dma_wait3A_384 = tpu.memref_squeeze %dma_wait3A_383 : memref<1x1x1024xf32, #tpu.memory_space<hbm>> -> memref<1024xf32, #tpu.memory_space<hbm>>
            %dma_wait3A_385 = arith.constant 0 : i32
            %dma_wait3A_386 = tpu.memref_slice %arg4[%dma_wait3A_380, %dma_wait3A_381, %dma_wait3A_385] : memref<200x128x1024xf32, #tpu.memory_space<hbm>> -> memref<1x1x1024xf32, #tpu.memory_space<hbm>>
            %dma_wait3A_387 = tpu.memref_squeeze %dma_wait3A_386 : memref<1x1x1024xf32, #tpu.memory_space<hbm>> -> memref<1024xf32, #tpu.memory_space<hbm>>
            tpu.wait_dma2 semaphore(%arg15 : memref<!tpu.dma_semaphore, #tpu.memory_space<semaphore_mem>>) src(%arg10 : memref<4096xf32, #tpu.memory_space<vmem>>) dst(%dma_wait3A_387 : memref<1024xf32, #tpu.memory_space<hbm>>)
            %dma_wait3A_388 = arith.constant 0 : i32
            %dma_wait3A_389 = arith.constant 0 : i32
            %dma_wait3A_390 = arith.constant 0 : i32
            %dma_wait3A_391 = tpu.memref_slice %arg4[%dma_wait3A_388, %dma_wait3A_389, %dma_wait3A_390] : memref<200x128x1024xf32, #tpu.memory_space<hbm>> -> memref<1x1x1024xf32, #tpu.memory_space<hbm>>
            %dma_wait3A_392 = tpu.memref_squeeze %dma_wait3A_391 : memref<1x1x1024xf32, #tpu.memory_space<hbm>> -> memref<1024xf32, #tpu.memory_space<hbm>>
            %dma_wait3A_393 = arith.constant 0 : i32
            %dma_wait3A_394 = tpu.memref_slice %arg4[%dma_wait3A_388, %dma_wait3A_389, %dma_wait3A_393] : memref<200x128x1024xf32, #tpu.memory_space<hbm>> -> memref<1x1x1024xf32, #tpu.memory_space<hbm>>
            %dma_wait3A_395 = tpu.memref_squeeze %dma_wait3A_394 : memref<1x1x1024xf32, #tpu.memory_space<hbm>> -> memref<1024xf32, #tpu.memory_space<hbm>>
            tpu.wait_dma2 semaphore(%arg15 : memref<!tpu.dma_semaphore, #tpu.memory_space<semaphore_mem>>) src(%arg10 : memref<4096xf32, #tpu.memory_space<vmem>>) dst(%dma_wait3A_395 : memref<1024xf32, #tpu.memory_space<hbm>>)
            %dma_wait3A_396 = arith.constant 0 : i32
            %dma_wait3A_397 = arith.constant 0 : i32
            %dma_wait3A_398 = arith.constant 0 : i32
            %dma_wait3A_399 = tpu.memref_slice %arg4[%dma_wait3A_396, %dma_wait3A_397, %dma_wait3A_398] : memref<200x128x1024xf32, #tpu.memory_space<hbm>> -> memref<1x1x1024xf32, #tpu.memory_space<hbm>>
            %dma_wait3A_400 = tpu.memref_squeeze %dma_wait3A_399 : memref<1x1x1024xf32, #tpu.memory_space<hbm>> -> memref<1024xf32, #tpu.memory_space<hbm>>
            %dma_wait3A_401 = arith.constant 0 : i32
            %dma_wait3A_402 = tpu.memref_slice %arg4[%dma_wait3A_396, %dma_wait3A_397, %dma_wait3A_401] : memref<200x128x1024xf32, #tpu.memory_space<hbm>> -> memref<1x1x1024xf32, #tpu.memory_space<hbm>>
            %dma_wait3A_403 = tpu.memref_squeeze %dma_wait3A_402 : memref<1x1x1024xf32, #tpu.memory_space<hbm>> -> memref<1024xf32, #tpu.memory_space<hbm>>
            tpu.wait_dma2 semaphore(%arg15 : memref<!tpu.dma_semaphore, #tpu.memory_space<semaphore_mem>>) src(%arg10 : memref<4096xf32, #tpu.memory_space<vmem>>) dst(%dma_wait3A_403 : memref<1024xf32, #tpu.memory_space<hbm>>)
            %dma_wait3A_404 = arith.constant 0 : i32
            %dma_wait3A_405 = arith.constant 0 : i32
            %dma_wait3A_406 = arith.constant 0 : i32
            %dma_wait3A_407 = tpu.memref_slice %arg4[%dma_wait3A_404, %dma_wait3A_405, %dma_wait3A_406] : memref<200x128x1024xf32, #tpu.memory_space<hbm>> -> memref<1x1x1024xf32, #tpu.memory_space<hbm>>
            %dma_wait3A_408 = tpu.memref_squeeze %dma_wait3A_407 : memref<1x1x1024xf32, #tpu.memory_space<hbm>> -> memref<1024xf32, #tpu.memory_space<hbm>>
            %dma_wait3A_409 = arith.constant 0 : i32
            %dma_wait3A_410 = tpu.memref_slice %arg4[%dma_wait3A_404, %dma_wait3A_405, %dma_wait3A_409] : memref<200x128x1024xf32, #tpu.memory_space<hbm>> -> memref<1x1x1024xf32, #tpu.memory_space<hbm>>
            %dma_wait3A_411 = tpu.memref_squeeze %dma_wait3A_410 : memref<1x1x1024xf32, #tpu.memory_space<hbm>> -> memref<1024xf32, #tpu.memory_space<hbm>>
            tpu.wait_dma2 semaphore(%arg15 : memref<!tpu.dma_semaphore, #tpu.memory_space<semaphore_mem>>) src(%arg10 : memref<4096xf32, #tpu.memory_space<vmem>>) dst(%dma_wait3A_411 : memref<1024xf32, #tpu.memory_space<hbm>>)
          } else {
          }
          %scan3A_249 = arith.constant 0 : i32
          %scan3A_250 = arith.constant 0 : i32
          %scan3A_251 = arith.constant 128 : i32
          %scan3A_252 = arith.addi %scan3A_250, %scan3A_251 : i32
          %scan3A_253 = arith.constant 8 : i32
          %scan3A_254 = scf.for %scan3A_380 = %scan3A_250 to %scan3A_252 step %scan3A_253 iter_args(%scan3A_381 = %scan3A_249) -> (i32)  : i32 {
            %mul3A_382 = arith.constant 8 : i32
            %mul3A_383 = arith.muli %scan3A_380, %mul3A_382 : i32
            %add3A_384 = arith.addi %mul3A_383, %add3A_243 : i32
            %get3A = arith.index_cast %add3A_384 : i32 to index
            %get3A_385 = arith.constant 0 : index
            %get3A_386 = tpu.vector_load %arg9[%get3A, %get3A_385] {strides = array<i32>} : memref<1024x32xf32, #tpu.memory_space<vmem>>, vector<16xf32>,
            %get3A_387 = arith.index_cast %add3A_384 : i32 to index
            %get3A_388 = arith.constant 16 : index
            %get3A_389 = tpu.vector_load %arg9[%get3A_387, %get3A_388] {strides = array<i32>} : memref<1024x32xf32, #tpu.memory_space<vmem>>, vector<16xf32>,
            %add3A_390 = vector.broadcast %scan3A_380 : i32 to vector<16xi32>
            %add3A_391 = arith.addi %add3A_111, %add3A_390 : vector<16xi32>
            tpu.vector_store_idx %arg10[%add3A_391], %get3A_386 : memref<4096xf32, #tpu.memory_space<vmem>>[vector<16xi32>], vector<16xf32>,
            %add3A_392 = vector.broadcast %scan3A_380 : i32 to vector<16xi32>
            %add3A_393 = arith.addi %add3A_114, %add3A_392 : vector<16xi32>
            tpu.vector_store_idx %arg10[%add3A_393], %get3A_389 : memref<4096xf32, #tpu.memory_space<vmem>>[vector<16xi32>], vector<16xf32>,
            %scan3A_394 = arith.constant 0 : i32
            %scan3A_395 = arith.constant 1 : i32
            %scan3A_396 = arith.addi %scan3A_380, %scan3A_395 : i32
            %mul3A_397 = arith.constant 8 : i32
            %mul3A_398 = arith.muli %scan3A_396, %mul3A_397 : i32
            %add3A_399 = arith.addi %mul3A_398, %add3A_243 : i32
            %get3A_400 = arith.index_cast %add3A_399 : i32 to index
            %get3A_401 = arith.constant 0 : index
            %get3A_402 = tpu.vector_load %arg9[%get3A_400, %get3A_401] {strides = array<i32>} : memref<1024x32xf32, #tpu.memory_space<vmem>>, vector<16xf32>,
            %get3A_403 = arith.index_cast %add3A_399 : i32 to index
            %get3A_404 = arith.constant 16 : index
            %get3A_405 = tpu.vector_load %arg9[%get3A_403, %get3A_404] {strides = array<i32>} : memref<1024x32xf32, #tpu.memory_space<vmem>>, vector<16xf32>,
            %add3A_406 = vector.broadcast %scan3A_396 : i32 to vector<16xi32>
            %add3A_407 = arith.addi %add3A_111, %add3A_406 : vector<16xi32>
            tpu.vector_store_idx %arg10[%add3A_407], %get3A_402 : memref<4096xf32, #tpu.memory_space<vmem>>[vector<16xi32>], vector<16xf32>,
            %add3A_408 = vector.broadcast %scan3A_396 : i32 to vector<16xi32>
            %add3A_409 = arith.addi %add3A_114, %add3A_408 : vector<16xi32>
            tpu.vector_store_idx %arg10[%add3A_409], %get3A_405 : memref<4096xf32, #tpu.memory_space<vmem>>[vector<16xi32>], vector<16xf32>,
            %scan3A_410 = arith.constant 0 : i32
            %scan3A_411 = arith.constant 2 : i32
            %scan3A_412 = arith.addi %scan3A_380, %scan3A_411 : i32
            %mul3A_413 = arith.constant 8 : i32
            %mul3A_414 = arith.muli %scan3A_412, %mul3A_413 : i32
            %add3A_415 = arith.addi %mul3A_414, %add3A_243 : i32
            %get3A_416 = arith.index_cast %add3A_415 : i32 to index
            %get3A_417 = arith.constant 0 : index
            %get3A_418 = tpu.vector_load %arg9[%get3A_416, %get3A_417] {strides = array<i32>} : memref<1024x32xf32, #tpu.memory_space<vmem>>, vector<16xf32>,
            %get3A_419 = arith.index_cast %add3A_415 : i32 to index
            %get3A_420 = arith.constant 16 : index
            %get3A_421 = tpu.vector_load %arg9[%get3A_419, %get3A_420] {strides = array<i32>} : memref<1024x32xf32, #tpu.memory_space<vmem>>, vector<16xf32>,
            %add3A_422 = vector.broadcast %scan3A_412 : i32 to vector<16xi32>
            %add3A_423 = arith.addi %add3A_111, %add3A_422 : vector<16xi32>
            tpu.vector_store_idx %arg10[%add3A_423], %get3A_418 : memref<4096xf32, #tpu.memory_space<vmem>>[vector<16xi32>], vector<16xf32>,
            %add3A_424 = vector.broadcast %scan3A_412 : i32 to vector<16xi32>
            %add3A_425 = arith.addi %add3A_114, %add3A_424 : vector<16xi32>
            tpu.vector_store_idx %arg10[%add3A_425], %get3A_421 : memref<4096xf32, #tpu.memory_space<vmem>>[vector<16xi32>], vector<16xf32>,
            %scan3A_426 = arith.constant 0 : i32
            %scan3A_427 = arith.constant 3 : i32
            %scan3A_428 = arith.addi %scan3A_380, %scan3A_427 : i32
            %mul3A_429 = arith.constant 8 : i32
            %mul3A_430 = arith.muli %scan3A_428, %mul3A_429 : i32
            %add3A_431 = arith.addi %mul3A_430, %add3A_243 : i32
            %get3A_432 = arith.index_cast %add3A_431 : i32 to index
            %get3A_433 = arith.constant 0 : index
            %get3A_434 = tpu.vector_load %arg9[%get3A_432, %get3A_433] {strides = array<i32>} : memref<1024x32xf32, #tpu.memory_space<vmem>>, vector<16xf32>,
            %get3A_435 = arith.index_cast %add3A_431 : i32 to index
            %get3A_436 = arith.constant 16 : index
            %get3A_437 = tpu.vector_load %arg9[%get3A_435, %get3A_436] {strides = array<i32>} : memref<1024x32xf32, #tpu.memory_space<vmem>>, vector<16xf32>,
            %add3A_438 = vector.broadcast %scan3A_428 : i32 to vector<16xi32>
            %add3A_439 = arith.addi %add3A_111, %add3A_438 : vector<16xi32>
            tpu.vector_store_idx %arg10[%add3A_439], %get3A_434 : memref<4096xf32, #tpu.memory_space<vmem>>[vector<16xi32>], vector<16xf32>,
            %add3A_440 = vector.broadcast %scan3A_428 : i32 to vector<16xi32>
            %add3A_441 = arith.addi %add3A_114, %add3A_440 : vector<16xi32>
            tpu.vector_store_idx %arg10[%add3A_441], %get3A_437 : memref<4096xf32, #tpu.memory_space<vmem>>[vector<16xi32>], vector<16xf32>,
            %scan3A_442 = arith.constant 0 : i32
            %scan3A_443 = arith.constant 4 : i32
            %scan3A_444 = arith.addi %scan3A_380, %scan3A_443 : i32
            %mul3A_445 = arith.constant 8 : i32
            %mul3A_446 = arith.muli %scan3A_444, %mul3A_445 : i32
            %add3A_447 = arith.addi %mul3A_446, %add3A_243 : i32
            %get3A_448 = arith.index_cast %add3A_447 : i32 to index
            %get3A_449 = arith.constant 0 : index
            %get3A_450 = tpu.vector_load %arg9[%get3A_448, %get3A_449] {strides = array<i32>} : memref<1024x32xf32, #tpu.memory_space<vmem>>, vector<16xf32>,
            %get3A_451 = arith.index_cast %add3A_447 : i32 to index
            %get3A_452 = arith.constant 16 : index
            %get3A_453 = tpu.vector_load %arg9[%get3A_451, %get3A_452] {strides = array<i32>} : memref<1024x32xf32, #tpu.memory_space<vmem>>, vector<16xf32>,
            %add3A_454 = vector.broadcast %scan3A_444 : i32 to vector<16xi32>
            %add3A_455 = arith.addi %add3A_111, %add3A_454 : vector<16xi32>
            tpu.vector_store_idx %arg10[%add3A_455], %get3A_450 : memref<4096xf32, #tpu.memory_space<vmem>>[vector<16xi32>], vector<16xf32>,
            %add3A_456 = vector.broadcast %scan3A_444 : i32 to vector<16xi32>
            %add3A_457 = arith.addi %add3A_114, %add3A_456 : vector<16xi32>
            tpu.vector_store_idx %arg10[%add3A_457], %get3A_453 : memref<4096xf32, #tpu.memory_space<vmem>>[vector<16xi32>], vector<16xf32>,
            %scan3A_458 = arith.constant 0 : i32
            %scan3A_459 = arith.constant 5 : i32
            %scan3A_460 = arith.addi %scan3A_380, %scan3A_459 : i32
            %mul3A_461 = arith.constant 8 : i32
            %mul3A_462 = arith.muli %scan3A_460, %mul3A_461 : i32
            %add3A_463 = arith.addi %mul3A_462, %add3A_243 : i32
            %get3A_464 = arith.index_cast %add3A_463 : i32 to index
            %get3A_465 = arith.constant 0 : index
            %get3A_466 = tpu.vector_load %arg9[%get3A_464, %get3A_465] {strides = array<i32>} : memref<1024x32xf32, #tpu.memory_space<vmem>>, vector<16xf32>,
            %get3A_467 = arith.index_cast %add3A_463 : i32 to index
            %get3A_468 = arith.constant 16 : index
            %get3A_469 = tpu.vector_load %arg9[%get3A_467, %get3A_468] {strides = array<i32>} : memref<1024x32xf32, #tpu.memory_space<vmem>>, vector<16xf32>,
            %add3A_470 = vector.broadcast %scan3A_460 : i32 to vector<16xi32>
            %add3A_471 = arith.addi %add3A_111, %add3A_470 : vector<16xi32>
            tpu.vector_store_idx %arg10[%add3A_471], %get3A_466 : memref<4096xf32, #tpu.memory_space<vmem>>[vector<16xi32>], vector<16xf32>,
            %add3A_472 = vector.broadcast %scan3A_460 : i32 to vector<16xi32>
            %add3A_473 = arith.addi %add3A_114, %add3A_472 : vector<16xi32>
            tpu.vector_store_idx %arg10[%add3A_473], %get3A_469 : memref<4096xf32, #tpu.memory_space<vmem>>[vector<16xi32>], vector<16xf32>,
            %scan3A_474 = arith.constant 0 : i32
            %scan3A_475 = arith.constant 6 : i32
            %scan3A_476 = arith.addi %scan3A_380, %scan3A_475 : i32
            %mul3A_477 = arith.constant 8 : i32
            %mul3A_478 = arith.muli %scan3A_476, %mul3A_477 : i32
            %add3A_479 = arith.addi %mul3A_478, %add3A_243 : i32
            %get3A_480 = arith.index_cast %add3A_479 : i32 to index
            %get3A_481 = arith.constant 0 : index
            %get3A_482 = tpu.vector_load %arg9[%get3A_480, %get3A_481] {strides = array<i32>} : memref<1024x32xf32, #tpu.memory_space<vmem>>, vector<16xf32>,
            %get3A_483 = arith.index_cast %add3A_479 : i32 to index
            %get3A_484 = arith.constant 16 : index
            %get3A_485 = tpu.vector_load %arg9[%get3A_483, %get3A_484] {strides = array<i32>} : memref<1024x32xf32, #tpu.memory_space<vmem>>, vector<16xf32>,
            %add3A_486 = vector.broadcast %scan3A_476 : i32 to vector<16xi32>
            %add3A_487 = arith.addi %add3A_111, %add3A_486 : vector<16xi32>
            tpu.vector_store_idx %arg10[%add3A_487], %get3A_482 : memref<4096xf32, #tpu.memory_space<vmem>>[vector<16xi32>], vector<16xf32>,
            %add3A_488 = vector.broadcast %scan3A_476 : i32 to vector<16xi32>
            %add3A_489 = arith.addi %add3A_114, %add3A_488 : vector<16xi32>
            tpu.vector_store_idx %arg10[%add3A_489], %get3A_485 : memref<4096xf32, #tpu.memory_space<vmem>>[vector<16xi32>], vector<16xf32>,
            %scan3A_490 = arith.constant 0 : i32
            %scan3A_491 = arith.constant 7 : i32
            %scan3A_492 = arith.addi %scan3A_380, %scan3A_491 : i32
            %mul3A_493 = arith.constant 8 : i32
            %mul3A_494 = arith.muli %scan3A_492, %mul3A_493 : i32
            %add3A_495 = arith.addi %mul3A_494, %add3A_243 : i32
            %get3A_496 = arith.index_cast %add3A_495 : i32 to index
            %get3A_497 = arith.constant 0 : index
            %get3A_498 = tpu.vector_load %arg9[%get3A_496, %get3A_497] {strides = array<i32>} : memref<1024x32xf32, #tpu.memory_space<vmem>>, vector<16xf32>,
            %get3A_499 = arith.index_cast %add3A_495 : i32 to index
            %get3A_500 = arith.constant 16 : index
            %get3A_501 = tpu.vector_load %arg9[%get3A_499, %get3A_500] {strides = array<i32>} : memref<1024x32xf32, #tpu.memory_space<vmem>>, vector<16xf32>,
            %add3A_502 = vector.broadcast %scan3A_492 : i32 to vector<16xi32>
            %add3A_503 = arith.addi %add3A_111, %add3A_502 : vector<16xi32>
            tpu.vector_store_idx %arg10[%add3A_503], %get3A_498 : memref<4096xf32, #tpu.memory_space<vmem>>[vector<16xi32>], vector<16xf32>,
            %add3A_504 = vector.broadcast %scan3A_492 : i32 to vector<16xi32>
            %add3A_505 = arith.addi %add3A_114, %add3A_504 : vector<16xi32>
            tpu.vector_store_idx %arg10[%add3A_505], %get3A_501 : memref<4096xf32, #tpu.memory_space<vmem>>[vector<16xi32>], vector<16xf32>,
            %scan3A_506 = arith.constant 0 : i32
            scf.yield %scan3A_506 : i32
          }
          %scan3A_255 = arith.constant 128 : i32
          %add3A_256 = arith.addi %mul3A_230, %add3A_243 : i32
          %add3A_257 = arith.constant 0 : i32
          %add3A_258 = arith.addi %add3A_257, %add3A : i32
          %dma_start3A_259 = arith.constant 0 : i32
          %dma_start3A_260 = tpu.memref_slice %arg10[%dma_start3A_259] : memref<4096xf32, #tpu.memory_space<vmem>> -> memref<1024xf32, #tpu.memory_space<vmem>>
          %dma_start3A_261 = arith.constant 0 : i32
          %dma_start3A_262 = tpu.memref_slice %arg4[%add3A_256, %add3A_258, %dma_start3A_261] : memref<200x128x1024xf32, #tpu.memory_space<hbm>> -> memref<1x1x1024xf32, #tpu.memory_space<hbm>>
          %dma_start3A_263 = tpu.memref_squeeze %dma_start3A_262 : memref<1x1x1024xf32, #tpu.memory_space<hbm>> -> memref<1024xf32, #tpu.memory_space<hbm>>
          %dma_start3A_264 = arith.constant 0 : i32
          %dma_start3A_265 = tpu.memref_slice %arg4[%add3A_256, %add3A_258, %dma_start3A_264] : memref<200x128x1024xf32, #tpu.memory_space<hbm>> -> memref<1x1x1024xf32, #tpu.memory_space<hbm>>
          %dma_start3A_266 = tpu.memref_squeeze %dma_start3A_265 : memref<1x1x1024xf32, #tpu.memory_space<hbm>> -> memref<1024xf32, #tpu.memory_space<hbm>>
          %dma_start3A_267 = arith.constant 0 : i32
          %dma_start3A_268 = tpu.memref_slice %arg10[%dma_start3A_267] : memref<4096xf32, #tpu.memory_space<vmem>> -> memref<1024xf32, #tpu.memory_space<vmem>>
          tpu.enqueue_dma source(%dma_start3A_268 : memref<1024xf32, #tpu.memory_space<vmem>>) target(%dma_start3A_266 : memref<1024xf32, #tpu.memory_space<hbm>>) target_semaphore(%arg15 : memref<!tpu.dma_semaphore, #tpu.memory_space<semaphore_mem>>)
          %add3A_269 = arith.addi %mul3A_230, %add3A_243 : i32
          %add3A_270 = arith.constant 32 : i32
          %add3A_271 = arith.addi %add3A_270, %add3A : i32
          %dma_start3A_272 = arith.constant 1024 : i32
          %dma_start3A_273 = tpu.memref_slice %arg10[%dma_start3A_272] : memref<4096xf32, #tpu.memory_space<vmem>> -> memref<1024xf32, #tpu.memory_space<vmem>>
          %dma_start3A_274 = arith.constant 0 : i32
          %dma_start3A_275 = tpu.memref_slice %arg4[%add3A_269, %add3A_271, %dma_start3A_274] : memref<200x128x1024xf32, #tpu.memory_space<hbm>> -> memref<1x1x1024xf32, #tpu.memory_space<hbm>>
          %dma_start3A_276 = tpu.memref_squeeze %dma_start3A_275 : memref<1x1x1024xf32, #tpu.memory_space<hbm>> -> memref<1024xf32, #tpu.memory_space<hbm>>
          %dma_start3A_277 = arith.constant 0 : i32
          %dma_start3A_278 = tpu.memref_slice %arg4[%add3A_269, %add3A_271, %dma_start3A_277] : memref<200x128x1024xf32, #tpu.memory_space<hbm>> -> memref<1x1x1024xf32, #tpu.memory_space<hbm>>
          %dma_start3A_279 = tpu.memref_squeeze %dma_start3A_278 : memref<1x1x1024xf32, #tpu.memory_space<hbm>> -> memref<1024xf32, #tpu.memory_space<hbm>>
          %dma_start3A_280 = arith.constant 1024 : i32
          %dma_start3A_281 = tpu.memref_slice %arg10[%dma_start3A_280] : memref<4096xf32, #tpu.memory_space<vmem>> -> memref<1024xf32, #tpu.memory_space<vmem>>
          tpu.enqueue_dma source(%dma_start3A_281 : memref<1024xf32, #tpu.memory_space<vmem>>) target(%dma_start3A_279 : memref<1024xf32, #tpu.memory_space<hbm>>) target_semaphore(%arg15 : memref<!tpu.dma_semaphore, #tpu.memory_space<semaphore_mem>>)
          %add3A_282 = arith.addi %mul3A_230, %add3A_243 : i32
          %add3A_283 = arith.constant 64 : i32
          %add3A_284 = arith.addi %add3A_283, %add3A : i32
          %dma_start3A_285 = arith.constant 2048 : i32
          %dma_start3A_286 = tpu.memref_slice %arg10[%dma_start3A_285] : memref<4096xf32, #tpu.memory_space<vmem>> -> memref<1024xf32, #tpu.memory_space<vmem>>
          %dma_start3A_287 = arith.constant 0 : i32
          %dma_start3A_288 = tpu.memref_slice %arg4[%add3A_282, %add3A_284, %dma_start3A_287] : memref<200x128x1024xf32, #tpu.memory_space<hbm>> -> memref<1x1x1024xf32, #tpu.memory_space<hbm>>
          %dma_start3A_289 = tpu.memref_squeeze %dma_start3A_288 : memref<1x1x1024xf32, #tpu.memory_space<hbm>> -> memref<1024xf32, #tpu.memory_space<hbm>>
          %dma_start3A_290 = arith.constant 0 : i32
          %dma_start3A_291 = tpu.memref_slice %arg4[%add3A_282, %add3A_284, %dma_start3A_290] : memref<200x128x1024xf32, #tpu.memory_space<hbm>> -> memref<1x1x1024xf32, #tpu.memory_space<hbm>>
          %dma_start3A_292 = tpu.memref_squeeze %dma_start3A_291 : memref<1x1x1024xf32, #tpu.memory_space<hbm>> -> memref<1024xf32, #tpu.memory_space<hbm>>
          %dma_start3A_293 = arith.constant 2048 : i32
          %dma_start3A_294 = tpu.memref_slice %arg10[%dma_start3A_293] : memref<4096xf32, #tpu.memory_space<vmem>> -> memref<1024xf32, #tpu.memory_space<vmem>>
          tpu.enqueue_dma source(%dma_start3A_294 : memref<1024xf32, #tpu.memory_space<vmem>>) target(%dma_start3A_292 : memref<1024xf32, #tpu.memory_space<hbm>>) target_semaphore(%arg15 : memref<!tpu.dma_semaphore, #tpu.memory_space<semaphore_mem>>)
          %add3A_295 = arith.addi %mul3A_230, %add3A_243 : i32
          %add3A_296 = arith.constant 96 : i32
          %add3A_297 = arith.addi %add3A_296, %add3A : i32
          %dma_start3A_298 = arith.constant 3072 : i32
          %dma_start3A_299 = tpu.memref_slice %arg10[%dma_start3A_298] : memref<4096xf32, #tpu.memory_space<vmem>> -> memref<1024xf32, #tpu.memory_space<vmem>>
          %dma_start3A_300 = arith.constant 0 : i32
          %dma_start3A_301 = tpu.memref_slice %arg4[%add3A_295, %add3A_297, %dma_start3A_300] : memref<200x128x1024xf32, #tpu.memory_space<hbm>> -> memref<1x1x1024xf32, #tpu.memory_space<hbm>>
          %dma_start3A_302 = tpu.memref_squeeze %dma_start3A_301 : memref<1x1x1024xf32, #tpu.memory_space<hbm>> -> memref<1024xf32, #tpu.memory_space<hbm>>
          %dma_start3A_303 = arith.constant 0 : i32
          %dma_start3A_304 = tpu.memref_slice %arg4[%add3A_295, %add3A_297, %dma_start3A_303] : memref<200x128x1024xf32, #tpu.memory_space<hbm>> -> memref<1x1x1024xf32, #tpu.memory_space<hbm>>
          %dma_start3A_305 = tpu.memref_squeeze %dma_start3A_304 : memref<1x1x1024xf32, #tpu.memory_space<hbm>> -> memref<1024xf32, #tpu.memory_space<hbm>>
          %dma_start3A_306 = arith.constant 3072 : i32
          %dma_start3A_307 = tpu.memref_slice %arg10[%dma_start3A_306] : memref<4096xf32, #tpu.memory_space<vmem>> -> memref<1024xf32, #tpu.memory_space<vmem>>
          tpu.enqueue_dma source(%dma_start3A_307 : memref<1024xf32, #tpu.memory_space<vmem>>) target(%dma_start3A_305 : memref<1024xf32, #tpu.memory_space<hbm>>) target_semaphore(%arg15 : memref<!tpu.dma_semaphore, #tpu.memory_space<semaphore_mem>>)
          %mul3A_308 = arith.constant 2 : i32
          %mul3A_309 = arith.muli %scan3A_238, %mul3A_308 : i32
          %add3A_310 = arith.constant 1 : i32
          %add3A_311 = arith.addi %mul3A_309, %add3A_310 : i32
          %ge3A_312 = arith.constant 2 : i32
          %ge3A_313 = arith.cmpi sge, %add3A_311, %ge3A_312 : i32
          %gt3A_314 = arith.constant 0 : i32
          %gt3A_315 = arith.cmpi sgt, %add3A_212, %gt3A_314 : i32
          %or3A_316 = arith.ori %ge3A_313, %gt3A_315 : i1
          %convert_element_type3A_317 = arith.extui %or3A_316 : i1 to i32
          %cond3A_318 = arith.constant 0 : i32
          %cond3A_319 = arith.cmpi ne, %convert_element_type3A_317, %cond3A_318 : i32
          scf.if %cond3A_319 {
            %dma_wait3A_380 = arith.constant 0 : i32
            %dma_wait3A_381 = arith.constant 0 : i32
            %dma_wait3A_382 = arith.constant 0 : i32
            %dma_wait3A_383 = tpu.memref_slice %arg4[%dma_wait3A_380, %dma_wait3A_381, %dma_wait3A_382] : memref<200x128x1024xf32, #tpu.memory_space<hbm>> -> memref<1x1x1024xf32, #tpu.memory_space<hbm>>
            %dma_wait3A_384 = tpu.memref_squeeze %dma_wait3A_383 : memref<1x1x1024xf32, #tpu.memory_space<hbm>> -> memref<1024xf32, #tpu.memory_space<hbm>>
            %dma_wait3A_385 = arith.constant 0 : i32
            %dma_wait3A_386 = tpu.memref_slice %arg4[%dma_wait3A_380, %dma_wait3A_381, %dma_wait3A_385] : memref<200x128x1024xf32, #tpu.memory_space<hbm>> -> memref<1x1x1024xf32, #tpu.memory_space<hbm>>
            %dma_wait3A_387 = tpu.memref_squeeze %dma_wait3A_386 : memref<1x1x1024xf32, #tpu.memory_space<hbm>> -> memref<1024xf32, #tpu.memory_space<hbm>>
            tpu.wait_dma2 semaphore(%arg16 : memref<!tpu.dma_semaphore, #tpu.memory_space<semaphore_mem>>) src(%arg11 : memref<4096xf32, #tpu.memory_space<vmem>>) dst(%dma_wait3A_387 : memref<1024xf32, #tpu.memory_space<hbm>>)
            %dma_wait3A_388 = arith.constant 0 : i32
            %dma_wait3A_389 = arith.constant 0 : i32
            %dma_wait3A_390 = arith.constant 0 : i32
            %dma_wait3A_391 = tpu.memref_slice %arg4[%dma_wait3A_388, %dma_wait3A_389, %dma_wait3A_390] : memref<200x128x1024xf32, #tpu.memory_space<hbm>> -> memref<1x1x1024xf32, #tpu.memory_space<hbm>>
            %dma_wait3A_392 = tpu.memref_squeeze %dma_wait3A_391 : memref<1x1x1024xf32, #tpu.memory_space<hbm>> -> memref<1024xf32, #tpu.memory_space<hbm>>
            %dma_wait3A_393 = arith.constant 0 : i32
            %dma_wait3A_394 = tpu.memref_slice %arg4[%dma_wait3A_388, %dma_wait3A_389, %dma_wait3A_393] : memref<200x128x1024xf32, #tpu.memory_space<hbm>> -> memref<1x1x1024xf32, #tpu.memory_space<hbm>>
            %dma_wait3A_395 = tpu.memref_squeeze %dma_wait3A_394 : memref<1x1x1024xf32, #tpu.memory_space<hbm>> -> memref<1024xf32, #tpu.memory_space<hbm>>
            tpu.wait_dma2 semaphore(%arg16 : memref<!tpu.dma_semaphore, #tpu.memory_space<semaphore_mem>>) src(%arg11 : memref<4096xf32, #tpu.memory_space<vmem>>) dst(%dma_wait3A_395 : memref<1024xf32, #tpu.memory_space<hbm>>)
            %dma_wait3A_396 = arith.constant 0 : i32
            %dma_wait3A_397 = arith.constant 0 : i32
            %dma_wait3A_398 = arith.constant 0 : i32
            %dma_wait3A_399 = tpu.memref_slice %arg4[%dma_wait3A_396, %dma_wait3A_397, %dma_wait3A_398] : memref<200x128x1024xf32, #tpu.memory_space<hbm>> -> memref<1x1x1024xf32, #tpu.memory_space<hbm>>
            %dma_wait3A_400 = tpu.memref_squeeze %dma_wait3A_399 : memref<1x1x1024xf32, #tpu.memory_space<hbm>> -> memref<1024xf32, #tpu.memory_space<hbm>>
            %dma_wait3A_401 = arith.constant 0 : i32
            %dma_wait3A_402 = tpu.memref_slice %arg4[%dma_wait3A_396, %dma_wait3A_397, %dma_wait3A_401] : memref<200x128x1024xf32, #tpu.memory_space<hbm>> -> memref<1x1x1024xf32, #tpu.memory_space<hbm>>
            %dma_wait3A_403 = tpu.memref_squeeze %dma_wait3A_402 : memref<1x1x1024xf32, #tpu.memory_space<hbm>> -> memref<1024xf32, #tpu.memory_space<hbm>>
            tpu.wait_dma2 semaphore(%arg16 : memref<!tpu.dma_semaphore, #tpu.memory_space<semaphore_mem>>) src(%arg11 : memref<4096xf32, #tpu.memory_space<vmem>>) dst(%dma_wait3A_403 : memref<1024xf32, #tpu.memory_space<hbm>>)
            %dma_wait3A_404 = arith.constant 0 : i32
            %dma_wait3A_405 = arith.constant 0 : i32
            %dma_wait3A_406 = arith.constant 0 : i32
            %dma_wait3A_407 = tpu.memref_slice %arg4[%dma_wait3A_404, %dma_wait3A_405, %dma_wait3A_406] : memref<200x128x1024xf32, #tpu.memory_space<hbm>> -> memref<1x1x1024xf32, #tpu.memory_space<hbm>>
            %dma_wait3A_408 = tpu.memref_squeeze %dma_wait3A_407 : memref<1x1x1024xf32, #tpu.memory_space<hbm>> -> memref<1024xf32, #tpu.memory_space<hbm>>
            %dma_wait3A_409 = arith.constant 0 : i32
            %dma_wait3A_410 = tpu.memref_slice %arg4[%dma_wait3A_404, %dma_wait3A_405, %dma_wait3A_409] : memref<200x128x1024xf32, #tpu.memory_space<hbm>> -> memref<1x1x1024xf32, #tpu.memory_space<hbm>>
            %dma_wait3A_411 = tpu.memref_squeeze %dma_wait3A_410 : memref<1x1x1024xf32, #tpu.memory_space<hbm>> -> memref<1024xf32, #tpu.memory_space<hbm>>
            tpu.wait_dma2 semaphore(%arg16 : memref<!tpu.dma_semaphore, #tpu.memory_space<semaphore_mem>>) src(%arg11 : memref<4096xf32, #tpu.memory_space<vmem>>) dst(%dma_wait3A_411 : memref<1024xf32, #tpu.memory_space<hbm>>)
          } else {
          }
          %scan3A_320 = arith.constant 0 : i32
          %scan3A_321 = arith.constant 0 : i32
          %scan3A_322 = arith.constant 128 : i32
          %scan3A_323 = arith.addi %scan3A_321, %scan3A_322 : i32
          %scan3A_324 = arith.constant 8 : i32
          %scan3A_325 = scf.for %scan3A_380 = %scan3A_321 to %scan3A_323 step %scan3A_324 iter_args(%scan3A_381 = %scan3A_320) -> (i32)  : i32 {
            %mul3A_382 = arith.constant 8 : i32
            %mul3A_383 = arith.muli %scan3A_380, %mul3A_382 : i32
            %add3A_384 = arith.addi %mul3A_383, %add3A_311 : i32
            %get3A = arith.index_cast %add3A_384 : i32 to index
            %get3A_385 = arith.constant 0 : index
            %get3A_386 = tpu.vector_load %arg9[%get3A, %get3A_385] {strides = array<i32>} : memref<1024x32xf32, #tpu.memory_space<vmem>>, vector<16xf32>,
            %get3A_387 = arith.index_cast %add3A_384 : i32 to index
            %get3A_388 = arith.constant 16 : index
            %get3A_389 = tpu.vector_load %arg9[%get3A_387, %get3A_388] {strides = array<i32>} : memref<1024x32xf32, #tpu.memory_space<vmem>>, vector<16xf32>,
            %add3A_390 = vector.broadcast %scan3A_380 : i32 to vector<16xi32>
            %add3A_391 = arith.addi %add3A_111, %add3A_390 : vector<16xi32>
            tpu.vector_store_idx %arg11[%add3A_391], %get3A_386 : memref<4096xf32, #tpu.memory_space<vmem>>[vector<16xi32>], vector<16xf32>,
            %add3A_392 = vector.broadcast %scan3A_380 : i32 to vector<16xi32>
            %add3A_393 = arith.addi %add3A_114, %add3A_392 : vector<16xi32>
            tpu.vector_store_idx %arg11[%add3A_393], %get3A_389 : memref<4096xf32, #tpu.memory_space<vmem>>[vector<16xi32>], vector<16xf32>,
            %scan3A_394 = arith.constant 0 : i32
            %scan3A_395 = arith.constant 1 : i32
            %scan3A_396 = arith.addi %scan3A_380, %scan3A_395 : i32
            %mul3A_397 = arith.constant 8 : i32
            %mul3A_398 = arith.muli %scan3A_396, %mul3A_397 : i32
            %add3A_399 = arith.addi %mul3A_398, %add3A_311 : i32
            %get3A_400 = arith.index_cast %add3A_399 : i32 to index
            %get3A_401 = arith.constant 0 : index
            %get3A_402 = tpu.vector_load %arg9[%get3A_400, %get3A_401] {strides = array<i32>} : memref<1024x32xf32, #tpu.memory_space<vmem>>, vector<16xf32>,
            %get3A_403 = arith.index_cast %add3A_399 : i32 to index
            %get3A_404 = arith.constant 16 : index
            %get3A_405 = tpu.vector_load %arg9[%get3A_403, %get3A_404] {strides = array<i32>} : memref<1024x32xf32, #tpu.memory_space<vmem>>, vector<16xf32>,
            %add3A_406 = vector.broadcast %scan3A_396 : i32 to vector<16xi32>
            %add3A_407 = arith.addi %add3A_111, %add3A_406 : vector<16xi32>
            tpu.vector_store_idx %arg11[%add3A_407], %get3A_402 : memref<4096xf32, #tpu.memory_space<vmem>>[vector<16xi32>], vector<16xf32>,
            %add3A_408 = vector.broadcast %scan3A_396 : i32 to vector<16xi32>
            %add3A_409 = arith.addi %add3A_114, %add3A_408 : vector<16xi32>
            tpu.vector_store_idx %arg11[%add3A_409], %get3A_405 : memref<4096xf32, #tpu.memory_space<vmem>>[vector<16xi32>], vector<16xf32>,
            %scan3A_410 = arith.constant 0 : i32
            %scan3A_411 = arith.constant 2 : i32
            %scan3A_412 = arith.addi %scan3A_380, %scan3A_411 : i32
            %mul3A_413 = arith.constant 8 : i32
            %mul3A_414 = arith.muli %scan3A_412, %mul3A_413 : i32
            %add3A_415 = arith.addi %mul3A_414, %add3A_311 : i32
            %get3A_416 = arith.index_cast %add3A_415 : i32 to index
            %get3A_417 = arith.constant 0 : index
            %get3A_418 = tpu.vector_load %arg9[%get3A_416, %get3A_417] {strides = array<i32>} : memref<1024x32xf32, #tpu.memory_space<vmem>>, vector<16xf32>,
            %get3A_419 = arith.index_cast %add3A_415 : i32 to index
            %get3A_420 = arith.constant 16 : index
            %get3A_421 = tpu.vector_load %arg9[%get3A_419, %get3A_420] {strides = array<i32>} : memref<1024x32xf32, #tpu.memory_space<vmem>>, vector<16xf32>,
            %add3A_422 = vector.broadcast %scan3A_412 : i32 to vector<16xi32>
            %add3A_423 = arith.addi %add3A_111, %add3A_422 : vector<16xi32>
            tpu.vector_store_idx %arg11[%add3A_423], %get3A_418 : memref<4096xf32, #tpu.memory_space<vmem>>[vector<16xi32>], vector<16xf32>,
            %add3A_424 = vector.broadcast %scan3A_412 : i32 to vector<16xi32>
            %add3A_425 = arith.addi %add3A_114, %add3A_424 : vector<16xi32>
            tpu.vector_store_idx %arg11[%add3A_425], %get3A_421 : memref<4096xf32, #tpu.memory_space<vmem>>[vector<16xi32>], vector<16xf32>,
            %scan3A_426 = arith.constant 0 : i32
            %scan3A_427 = arith.constant 3 : i32
            %scan3A_428 = arith.addi %scan3A_380, %scan3A_427 : i32
            %mul3A_429 = arith.constant 8 : i32
            %mul3A_430 = arith.muli %scan3A_428, %mul3A_429 : i32
            %add3A_431 = arith.addi %mul3A_430, %add3A_311 : i32
            %get3A_432 = arith.index_cast %add3A_431 : i32 to index
            %get3A_433 = arith.constant 0 : index
            %get3A_434 = tpu.vector_load %arg9[%get3A_432, %get3A_433] {strides = array<i32>} : memref<1024x32xf32, #tpu.memory_space<vmem>>, vector<16xf32>,
            %get3A_435 = arith.index_cast %add3A_431 : i32 to index
            %get3A_436 = arith.constant 16 : index
            %get3A_437 = tpu.vector_load %arg9[%get3A_435, %get3A_436] {strides = array<i32>} : memref<1024x32xf32, #tpu.memory_space<vmem>>, vector<16xf32>,
            %add3A_438 = vector.broadcast %scan3A_428 : i32 to vector<16xi32>
            %add3A_439 = arith.addi %add3A_111, %add3A_438 : vector<16xi32>
            tpu.vector_store_idx %arg11[%add3A_439], %get3A_434 : memref<4096xf32, #tpu.memory_space<vmem>>[vector<16xi32>], vector<16xf32>,
            %add3A_440 = vector.broadcast %scan3A_428 : i32 to vector<16xi32>
            %add3A_441 = arith.addi %add3A_114, %add3A_440 : vector<16xi32>
            tpu.vector_store_idx %arg11[%add3A_441], %get3A_437 : memref<4096xf32, #tpu.memory_space<vmem>>[vector<16xi32>], vector<16xf32>,
            %scan3A_442 = arith.constant 0 : i32
            %scan3A_443 = arith.constant 4 : i32
            %scan3A_444 = arith.addi %scan3A_380, %scan3A_443 : i32
            %mul3A_445 = arith.constant 8 : i32
            %mul3A_446 = arith.muli %scan3A_444, %mul3A_445 : i32
            %add3A_447 = arith.addi %mul3A_446, %add3A_311 : i32
            %get3A_448 = arith.index_cast %add3A_447 : i32 to index
            %get3A_449 = arith.constant 0 : index
            %get3A_450 = tpu.vector_load %arg9[%get3A_448, %get3A_449] {strides = array<i32>} : memref<1024x32xf32, #tpu.memory_space<vmem>>, vector<16xf32>,
            %get3A_451 = arith.index_cast %add3A_447 : i32 to index
            %get3A_452 = arith.constant 16 : index
            %get3A_453 = tpu.vector_load %arg9[%get3A_451, %get3A_452] {strides = array<i32>} : memref<1024x32xf32, #tpu.memory_space<vmem>>, vector<16xf32>,
            %add3A_454 = vector.broadcast %scan3A_444 : i32 to vector<16xi32>
            %add3A_455 = arith.addi %add3A_111, %add3A_454 : vector<16xi32>
            tpu.vector_store_idx %arg11[%add3A_455], %get3A_450 : memref<4096xf32, #tpu.memory_space<vmem>>[vector<16xi32>], vector<16xf32>,
            %add3A_456 = vector.broadcast %scan3A_444 : i32 to vector<16xi32>
            %add3A_457 = arith.addi %add3A_114, %add3A_456 : vector<16xi32>
            tpu.vector_store_idx %arg11[%add3A_457], %get3A_453 : memref<4096xf32, #tpu.memory_space<vmem>>[vector<16xi32>], vector<16xf32>,
            %scan3A_458 = arith.constant 0 : i32
            %scan3A_459 = arith.constant 5 : i32
            %scan3A_460 = arith.addi %scan3A_380, %scan3A_459 : i32
            %mul3A_461 = arith.constant 8 : i32
            %mul3A_462 = arith.muli %scan3A_460, %mul3A_461 : i32
            %add3A_463 = arith.addi %mul3A_462, %add3A_311 : i32
            %get3A_464 = arith.index_cast %add3A_463 : i32 to index
            %get3A_465 = arith.constant 0 : index
            %get3A_466 = tpu.vector_load %arg9[%get3A_464, %get3A_465] {strides = array<i32>} : memref<1024x32xf32, #tpu.memory_space<vmem>>, vector<16xf32>,
            %get3A_467 = arith.index_cast %add3A_463 : i32 to index
            %get3A_468 = arith.constant 16 : index
            %get3A_469 = tpu.vector_load %arg9[%get3A_467, %get3A_468] {strides = array<i32>} : memref<1024x32xf32, #tpu.memory_space<vmem>>, vector<16xf32>,
            %add3A_470 = vector.broadcast %scan3A_460 : i32 to vector<16xi32>
            %add3A_471 = arith.addi %add3A_111, %add3A_470 : vector<16xi32>
            tpu.vector_store_idx %arg11[%add3A_471], %get3A_466 : memref<4096xf32, #tpu.memory_space<vmem>>[vector<16xi32>], vector<16xf32>,
            %add3A_472 = vector.broadcast %scan3A_460 : i32 to vector<16xi32>
            %add3A_473 = arith.addi %add3A_114, %add3A_472 : vector<16xi32>
            tpu.vector_store_idx %arg11[%add3A_473], %get3A_469 : memref<4096xf32, #tpu.memory_space<vmem>>[vector<16xi32>], vector<16xf32>,
            %scan3A_474 = arith.constant 0 : i32
            %scan3A_475 = arith.constant 6 : i32
            %scan3A_476 = arith.addi %scan3A_380, %scan3A_475 : i32
            %mul3A_477 = arith.constant 8 : i32
            %mul3A_478 = arith.muli %scan3A_476, %mul3A_477 : i32
            %add3A_479 = arith.addi %mul3A_478, %add3A_311 : i32
            %get3A_480 = arith.index_cast %add3A_479 : i32 to index
            %get3A_481 = arith.constant 0 : index
            %get3A_482 = tpu.vector_load %arg9[%get3A_480, %get3A_481] {strides = array<i32>} : memref<1024x32xf32, #tpu.memory_space<vmem>>, vector<16xf32>,
            %get3A_483 = arith.index_cast %add3A_479 : i32 to index
            %get3A_484 = arith.constant 16 : index
            %get3A_485 = tpu.vector_load %arg9[%get3A_483, %get3A_484] {strides = array<i32>} : memref<1024x32xf32, #tpu.memory_space<vmem>>, vector<16xf32>,
            %add3A_486 = vector.broadcast %scan3A_476 : i32 to vector<16xi32>
            %add3A_487 = arith.addi %add3A_111, %add3A_486 : vector<16xi32>
            tpu.vector_store_idx %arg11[%add3A_487], %get3A_482 : memref<4096xf32, #tpu.memory_space<vmem>>[vector<16xi32>], vector<16xf32>,
            %add3A_488 = vector.broadcast %scan3A_476 : i32 to vector<16xi32>
            %add3A_489 = arith.addi %add3A_114, %add3A_488 : vector<16xi32>
            tpu.vector_store_idx %arg11[%add3A_489], %get3A_485 : memref<4096xf32, #tpu.memory_space<vmem>>[vector<16xi32>], vector<16xf32>,
            %scan3A_490 = arith.constant 0 : i32
            %scan3A_491 = arith.constant 7 : i32
            %scan3A_492 = arith.addi %scan3A_380, %scan3A_491 : i32
            %mul3A_493 = arith.constant 8 : i32
            %mul3A_494 = arith.muli %scan3A_492, %mul3A_493 : i32
            %add3A_495 = arith.addi %mul3A_494, %add3A_311 : i32
            %get3A_496 = arith.index_cast %add3A_495 : i32 to index
            %get3A_497 = arith.constant 0 : index
            %get3A_498 = tpu.vector_load %arg9[%get3A_496, %get3A_497] {strides = array<i32>} : memref<1024x32xf32, #tpu.memory_space<vmem>>, vector<16xf32>,
            %get3A_499 = arith.index_cast %add3A_495 : i32 to index
            %get3A_500 = arith.constant 16 : index
            %get3A_501 = tpu.vector_load %arg9[%get3A_499, %get3A_500] {strides = array<i32>} : memref<1024x32xf32, #tpu.memory_space<vmem>>, vector<16xf32>,
            %add3A_502 = vector.broadcast %scan3A_492 : i32 to vector<16xi32>
            %add3A_503 = arith.addi %add3A_111, %add3A_502 : vector<16xi32>
            tpu.vector_store_idx %arg11[%add3A_503], %get3A_498 : memref<4096xf32, #tpu.memory_space<vmem>>[vector<16xi32>], vector<16xf32>,
            %add3A_504 = vector.broadcast %scan3A_492 : i32 to vector<16xi32>
            %add3A_505 = arith.addi %add3A_114, %add3A_504 : vector<16xi32>
            tpu.vector_store_idx %arg11[%add3A_505], %get3A_501 : memref<4096xf32, #tpu.memory_space<vmem>>[vector<16xi32>], vector<16xf32>,
            %scan3A_506 = arith.constant 0 : i32
            scf.yield %scan3A_506 : i32
          }
          %scan3A_326 = arith.constant 128 : i32
          %add3A_327 = arith.addi %mul3A_230, %add3A_311 : i32
          %add3A_328 = arith.constant 0 : i32
          %add3A_329 = arith.addi %add3A_328, %add3A : i32
          %dma_start3A_330 = arith.constant 0 : i32
          %dma_start3A_331 = tpu.memref_slice %arg11[%dma_start3A_330] : memref<4096xf32, #tpu.memory_space<vmem>> -> memref<1024xf32, #tpu.memory_space<vmem>>
          %dma_start3A_332 = arith.constant 0 : i32
          %dma_start3A_333 = tpu.memref_slice %arg4[%add3A_327, %add3A_329, %dma_start3A_332] : memref<200x128x1024xf32, #tpu.memory_space<hbm>> -> memref<1x1x1024xf32, #tpu.memory_space<hbm>>
          %dma_start3A_334 = tpu.memref_squeeze %dma_start3A_333 : memref<1x1x1024xf32, #tpu.memory_space<hbm>> -> memref<1024xf32, #tpu.memory_space<hbm>>
          %dma_start3A_335 = arith.constant 0 : i32
          %dma_start3A_336 = tpu.memref_slice %arg4[%add3A_327, %add3A_329, %dma_start3A_335] : memref<200x128x1024xf32, #tpu.memory_space<hbm>> -> memref<1x1x1024xf32, #tpu.memory_space<hbm>>
          %dma_start3A_337 = tpu.memref_squeeze %dma_start3A_336 : memref<1x1x1024xf32, #tpu.memory_space<hbm>> -> memref<1024xf32, #tpu.memory_space<hbm>>
          %dma_start3A_338 = arith.constant 0 : i32
          %dma_start3A_339 = tpu.memref_slice %arg11[%dma_start3A_338] : memref<4096xf32, #tpu.memory_space<vmem>> -> memref<1024xf32, #tpu.memory_space<vmem>>
          tpu.enqueue_dma source(%dma_start3A_339 : memref<1024xf32, #tpu.memory_space<vmem>>) target(%dma_start3A_337 : memref<1024xf32, #tpu.memory_space<hbm>>) target_semaphore(%arg16 : memref<!tpu.dma_semaphore, #tpu.memory_space<semaphore_mem>>)
          %add3A_340 = arith.addi %mul3A_230, %add3A_311 : i32
          %add3A_341 = arith.constant 32 : i32
          %add3A_342 = arith.addi %add3A_341, %add3A : i32
          %dma_start3A_343 = arith.constant 1024 : i32
          %dma_start3A_344 = tpu.memref_slice %arg11[%dma_start3A_343] : memref<4096xf32, #tpu.memory_space<vmem>> -> memref<1024xf32, #tpu.memory_space<vmem>>
          %dma_start3A_345 = arith.constant 0 : i32
          %dma_start3A_346 = tpu.memref_slice %arg4[%add3A_340, %add3A_342, %dma_start3A_345] : memref<200x128x1024xf32, #tpu.memory_space<hbm>> -> memref<1x1x1024xf32, #tpu.memory_space<hbm>>
          %dma_start3A_347 = tpu.memref_squeeze %dma_start3A_346 : memref<1x1x1024xf32, #tpu.memory_space<hbm>> -> memref<1024xf32, #tpu.memory_space<hbm>>
          %dma_start3A_348 = arith.constant 0 : i32
          %dma_start3A_349 = tpu.memref_slice %arg4[%add3A_340, %add3A_342, %dma_start3A_348] : memref<200x128x1024xf32, #tpu.memory_space<hbm>> -> memref<1x1x1024xf32, #tpu.memory_space<hbm>>
          %dma_start3A_350 = tpu.memref_squeeze %dma_start3A_349 : memref<1x1x1024xf32, #tpu.memory_space<hbm>> -> memref<1024xf32, #tpu.memory_space<hbm>>
          %dma_start3A_351 = arith.constant 1024 : i32
          %dma_start3A_352 = tpu.memref_slice %arg11[%dma_start3A_351] : memref<4096xf32, #tpu.memory_space<vmem>> -> memref<1024xf32, #tpu.memory_space<vmem>>
          tpu.enqueue_dma source(%dma_start3A_352 : memref<1024xf32, #tpu.memory_space<vmem>>) target(%dma_start3A_350 : memref<1024xf32, #tpu.memory_space<hbm>>) target_semaphore(%arg16 : memref<!tpu.dma_semaphore, #tpu.memory_space<semaphore_mem>>)
          %add3A_353 = arith.addi %mul3A_230, %add3A_311 : i32
          %add3A_354 = arith.constant 64 : i32
          %add3A_355 = arith.addi %add3A_354, %add3A : i32
          %dma_start3A_356 = arith.constant 2048 : i32
          %dma_start3A_357 = tpu.memref_slice %arg11[%dma_start3A_356] : memref<4096xf32, #tpu.memory_space<vmem>> -> memref<1024xf32, #tpu.memory_space<vmem>>
          %dma_start3A_358 = arith.constant 0 : i32
          %dma_start3A_359 = tpu.memref_slice %arg4[%add3A_353, %add3A_355, %dma_start3A_358] : memref<200x128x1024xf32, #tpu.memory_space<hbm>> -> memref<1x1x1024xf32, #tpu.memory_space<hbm>>
          %dma_start3A_360 = tpu.memref_squeeze %dma_start3A_359 : memref<1x1x1024xf32, #tpu.memory_space<hbm>> -> memref<1024xf32, #tpu.memory_space<hbm>>
          %dma_start3A_361 = arith.constant 0 : i32
          %dma_start3A_362 = tpu.memref_slice %arg4[%add3A_353, %add3A_355, %dma_start3A_361] : memref<200x128x1024xf32, #tpu.memory_space<hbm>> -> memref<1x1x1024xf32, #tpu.memory_space<hbm>>
          %dma_start3A_363 = tpu.memref_squeeze %dma_start3A_362 : memref<1x1x1024xf32, #tpu.memory_space<hbm>> -> memref<1024xf32, #tpu.memory_space<hbm>>
          %dma_start3A_364 = arith.constant 2048 : i32
          %dma_start3A_365 = tpu.memref_slice %arg11[%dma_start3A_364] : memref<4096xf32, #tpu.memory_space<vmem>> -> memref<1024xf32, #tpu.memory_space<vmem>>
          tpu.enqueue_dma source(%dma_start3A_365 : memref<1024xf32, #tpu.memory_space<vmem>>) target(%dma_start3A_363 : memref<1024xf32, #tpu.memory_space<hbm>>) target_semaphore(%arg16 : memref<!tpu.dma_semaphore, #tpu.memory_space<semaphore_mem>>)
          %add3A_366 = arith.addi %mul3A_230, %add3A_311 : i32
          %add3A_367 = arith.constant 96 : i32
          %add3A_368 = arith.addi %add3A_367, %add3A : i32
          %dma_start3A_369 = arith.constant 3072 : i32
          %dma_start3A_370 = tpu.memref_slice %arg11[%dma_start3A_369] : memref<4096xf32, #tpu.memory_space<vmem>> -> memref<1024xf32, #tpu.memory_space<vmem>>
          %dma_start3A_371 = arith.constant 0 : i32
          %dma_start3A_372 = tpu.memref_slice %arg4[%add3A_366, %add3A_368, %dma_start3A_371] : memref<200x128x1024xf32, #tpu.memory_space<hbm>> -> memref<1x1x1024xf32, #tpu.memory_space<hbm>>
          %dma_start3A_373 = tpu.memref_squeeze %dma_start3A_372 : memref<1x1x1024xf32, #tpu.memory_space<hbm>> -> memref<1024xf32, #tpu.memory_space<hbm>>
          %dma_start3A_374 = arith.constant 0 : i32
          %dma_start3A_375 = tpu.memref_slice %arg4[%add3A_366, %add3A_368, %dma_start3A_374] : memref<200x128x1024xf32, #tpu.memory_space<hbm>> -> memref<1x1x1024xf32, #tpu.memory_space<hbm>>
          %dma_start3A_376 = tpu.memref_squeeze %dma_start3A_375 : memref<1x1x1024xf32, #tpu.memory_space<hbm>> -> memref<1024xf32, #tpu.memory_space<hbm>>
          %dma_start3A_377 = arith.constant 3072 : i32
          %dma_start3A_378 = tpu.memref_slice %arg11[%dma_start3A_377] : memref<4096xf32, #tpu.memory_space<vmem>> -> memref<1024xf32, #tpu.memory_space<vmem>>
          tpu.enqueue_dma source(%dma_start3A_378 : memref<1024xf32, #tpu.memory_space<vmem>>) target(%dma_start3A_376 : memref<1024xf32, #tpu.memory_space<hbm>>) target_semaphore(%arg16 : memref<!tpu.dma_semaphore, #tpu.memory_space<semaphore_mem>>)
          %scan3A_379 = arith.constant 0 : i32
          scf.yield %scan3A_379 : i32
        }
        %scan3A_237 = arith.constant 4 : i32
      } else {
      }
      %scan3A_225 = arith.constant 0 : i32
      scf.yield %scan3A_225 : i32
    }
    %scan3A_129 = arith.constant 13 : i32
    %dma_wait3A = arith.constant 0 : i32
    %dma_wait3A_130 = arith.constant 0 : i32
    %dma_wait3A_131 = arith.constant 0 : i32
    %dma_wait3A_132 = tpu.memref_slice %arg4[%dma_wait3A, %dma_wait3A_130, %dma_wait3A_131] : memref<200x128x1024xf32, #tpu.memory_space<hbm>> -> memref<1x1x1024xf32, #tpu.memory_space<hbm>>
    %dma_wait3A_133 = tpu.memref_squeeze %dma_wait3A_132 : memref<1x1x1024xf32, #tpu.memory_space<hbm>> -> memref<1024xf32, #tpu.memory_space<hbm>>
    %dma_wait3A_134 = arith.constant 0 : i32
    %dma_wait3A_135 = tpu.memref_slice %arg4[%dma_wait3A, %dma_wait3A_130, %dma_wait3A_134] : memref<200x128x1024xf32, #tpu.memory_space<hbm>> -> memref<1x1x1024xf32, #tpu.memory_space<hbm>>
    %dma_wait3A_136 = tpu.memref_squeeze %dma_wait3A_135 : memref<1x1x1024xf32, #tpu.memory_space<hbm>> -> memref<1024xf32, #tpu.memory_space<hbm>>
    tpu.wait_dma2 semaphore(%arg15 : memref<!tpu.dma_semaphore, #tpu.memory_space<semaphore_mem>>) src(%arg10 : memref<4096xf32, #tpu.memory_space<vmem>>) dst(%dma_wait3A_136 : memref<1024xf32, #tpu.memory_space<hbm>>)
    %dma_wait3A_137 = arith.constant 0 : i32
    %dma_wait3A_138 = arith.constant 0 : i32
    %dma_wait3A_139 = arith.constant 0 : i32
    %dma_wait3A_140 = tpu.memref_slice %arg4[%dma_wait3A_137, %dma_wait3A_138, %dma_wait3A_139] : memref<200x128x1024xf32, #tpu.memory_space<hbm>> -> memref<1x1x1024xf32, #tpu.memory_space<hbm>>
    %dma_wait3A_141 = tpu.memref_squeeze %dma_wait3A_140 : memref<1x1x1024xf32, #tpu.memory_space<hbm>> -> memref<1024xf32, #tpu.memory_space<hbm>>
    %dma_wait3A_142 = arith.constant 0 : i32
    %dma_wait3A_143 = tpu.memref_slice %arg4[%dma_wait3A_137, %dma_wait3A_138, %dma_wait3A_142] : memref<200x128x1024xf32, #tpu.memory_space<hbm>> -> memref<1x1x1024xf32, #tpu.memory_space<hbm>>
    %dma_wait3A_144 = tpu.memref_squeeze %dma_wait3A_143 : memref<1x1x1024xf32, #tpu.memory_space<hbm>> -> memref<1024xf32, #tpu.memory_space<hbm>>
    tpu.wait_dma2 semaphore(%arg15 : memref<!tpu.dma_semaphore, #tpu.memory_space<semaphore_mem>>) src(%arg10 : memref<4096xf32, #tpu.memory_space<vmem>>) dst(%dma_wait3A_144 : memref<1024xf32, #tpu.memory_space<hbm>>)
    %dma_wait3A_145 = arith.constant 0 : i32
    %dma_wait3A_146 = arith.constant 0 : i32
    %dma_wait3A_147 = arith.constant 0 : i32
    %dma_wait3A_148 = tpu.memref_slice %arg4[%dma_wait3A_145, %dma_wait3A_146, %dma_wait3A_147] : memref<200x128x1024xf32, #tpu.memory_space<hbm>> -> memref<1x1x1024xf32, #tpu.memory_space<hbm>>
    %dma_wait3A_149 = tpu.memref_squeeze %dma_wait3A_148 : memref<1x1x1024xf32, #tpu.memory_space<hbm>> -> memref<1024xf32, #tpu.memory_space<hbm>>
    %dma_wait3A_150 = arith.constant 0 : i32
    %dma_wait3A_151 = tpu.memref_slice %arg4[%dma_wait3A_145, %dma_wait3A_146, %dma_wait3A_150] : memref<200x128x1024xf32, #tpu.memory_space<hbm>> -> memref<1x1x1024xf32, #tpu.memory_space<hbm>>
    %dma_wait3A_152 = tpu.memref_squeeze %dma_wait3A_151 : memref<1x1x1024xf32, #tpu.memory_space<hbm>> -> memref<1024xf32, #tpu.memory_space<hbm>>
    tpu.wait_dma2 semaphore(%arg15 : memref<!tpu.dma_semaphore, #tpu.memory_space<semaphore_mem>>) src(%arg10 : memref<4096xf32, #tpu.memory_space<vmem>>) dst(%dma_wait3A_152 : memref<1024xf32, #tpu.memory_space<hbm>>)
    %dma_wait3A_153 = arith.constant 0 : i32
    %dma_wait3A_154 = arith.constant 0 : i32
    %dma_wait3A_155 = arith.constant 0 : i32
    %dma_wait3A_156 = tpu.memref_slice %arg4[%dma_wait3A_153, %dma_wait3A_154, %dma_wait3A_155] : memref<200x128x1024xf32, #tpu.memory_space<hbm>> -> memref<1x1x1024xf32, #tpu.memory_space<hbm>>
    %dma_wait3A_157 = tpu.memref_squeeze %dma_wait3A_156 : memref<1x1x1024xf32, #tpu.memory_space<hbm>> -> memref<1024xf32, #tpu.memory_space<hbm>>
    %dma_wait3A_158 = arith.constant 0 : i32
    %dma_wait3A_159 = tpu.memref_slice %arg4[%dma_wait3A_153, %dma_wait3A_154, %dma_wait3A_158] : memref<200x128x1024xf32, #tpu.memory_space<hbm>> -> memref<1x1x1024xf32, #tpu.memory_space<hbm>>
    %dma_wait3A_160 = tpu.memref_squeeze %dma_wait3A_159 : memref<1x1x1024xf32, #tpu.memory_space<hbm>> -> memref<1024xf32, #tpu.memory_space<hbm>>
    tpu.wait_dma2 semaphore(%arg15 : memref<!tpu.dma_semaphore, #tpu.memory_space<semaphore_mem>>) src(%arg10 : memref<4096xf32, #tpu.memory_space<vmem>>) dst(%dma_wait3A_160 : memref<1024xf32, #tpu.memory_space<hbm>>)
    %dma_wait3A_161 = arith.constant 0 : i32
    %dma_wait3A_162 = arith.constant 0 : i32
    %dma_wait3A_163 = arith.constant 0 : i32
    %dma_wait3A_164 = tpu.memref_slice %arg4[%dma_wait3A_161, %dma_wait3A_162, %dma_wait3A_163] : memref<200x128x1024xf32, #tpu.memory_space<hbm>> -> memref<1x1x1024xf32, #tpu.memory_space<hbm>>
    %dma_wait3A_165 = tpu.memref_squeeze %dma_wait3A_164 : memref<1x1x1024xf32, #tpu.memory_space<hbm>> -> memref<1024xf32, #tpu.memory_space<hbm>>
    %dma_wait3A_166 = arith.constant 0 : i32
    %dma_wait3A_167 = tpu.memref_slice %arg4[%dma_wait3A_161, %dma_wait3A_162, %dma_wait3A_166] : memref<200x128x1024xf32, #tpu.memory_space<hbm>> -> memref<1x1x1024xf32, #tpu.memory_space<hbm>>
    %dma_wait3A_168 = tpu.memref_squeeze %dma_wait3A_167 : memref<1x1x1024xf32, #tpu.memory_space<hbm>> -> memref<1024xf32, #tpu.memory_space<hbm>>
    tpu.wait_dma2 semaphore(%arg16 : memref<!tpu.dma_semaphore, #tpu.memory_space<semaphore_mem>>) src(%arg11 : memref<4096xf32, #tpu.memory_space<vmem>>) dst(%dma_wait3A_168 : memref<1024xf32, #tpu.memory_space<hbm>>)
    %dma_wait3A_169 = arith.constant 0 : i32
    %dma_wait3A_170 = arith.constant 0 : i32
    %dma_wait3A_171 = arith.constant 0 : i32
    %dma_wait3A_172 = tpu.memref_slice %arg4[%dma_wait3A_169, %dma_wait3A_170, %dma_wait3A_171] : memref<200x128x1024xf32, #tpu.memory_space<hbm>> -> memref<1x1x1024xf32, #tpu.memory_space<hbm>>
    %dma_wait3A_173 = tpu.memref_squeeze %dma_wait3A_172 : memref<1x1x1024xf32, #tpu.memory_space<hbm>> -> memref<1024xf32, #tpu.memory_space<hbm>>
    %dma_wait3A_174 = arith.constant 0 : i32
    %dma_wait3A_175 = tpu.memref_slice %arg4[%dma_wait3A_169, %dma_wait3A_170, %dma_wait3A_174] : memref<200x128x1024xf32, #tpu.memory_space<hbm>> -> memref<1x1x1024xf32, #tpu.memory_space<hbm>>
    %dma_wait3A_176 = tpu.memref_squeeze %dma_wait3A_175 : memref<1x1x1024xf32, #tpu.memory_space<hbm>> -> memref<1024xf32, #tpu.memory_space<hbm>>
    tpu.wait_dma2 semaphore(%arg16 : memref<!tpu.dma_semaphore, #tpu.memory_space<semaphore_mem>>) src(%arg11 : memref<4096xf32, #tpu.memory_space<vmem>>) dst(%dma_wait3A_176 : memref<1024xf32, #tpu.memory_space<hbm>>)
    %dma_wait3A_177 = arith.constant 0 : i32
    %dma_wait3A_178 = arith.constant 0 : i32
    %dma_wait3A_179 = arith.constant 0 : i32
    %dma_wait3A_180 = tpu.memref_slice %arg4[%dma_wait3A_177, %dma_wait3A_178, %dma_wait3A_179] : memref<200x128x1024xf32, #tpu.memory_space<hbm>> -> memref<1x1x1024xf32, #tpu.memory_space<hbm>>
    %dma_wait3A_181 = tpu.memref_squeeze %dma_wait3A_180 : memref<1x1x1024xf32, #tpu.memory_space<hbm>> -> memref<1024xf32, #tpu.memory_space<hbm>>
    %dma_wait3A_182 = arith.constant 0 : i32
    %dma_wait3A_183 = tpu.memref_slice %arg4[%dma_wait3A_177, %dma_wait3A_178, %dma_wait3A_182] : memref<200x128x1024xf32, #tpu.memory_space<hbm>> -> memref<1x1x1024xf32, #tpu.memory_space<hbm>>
    %dma_wait3A_184 = tpu.memref_squeeze %dma_wait3A_183 : memref<1x1x1024xf32, #tpu.memory_space<hbm>> -> memref<1024xf32, #tpu.memory_space<hbm>>
    tpu.wait_dma2 semaphore(%arg16 : memref<!tpu.dma_semaphore, #tpu.memory_space<semaphore_mem>>) src(%arg11 : memref<4096xf32, #tpu.memory_space<vmem>>) dst(%dma_wait3A_184 : memref<1024xf32, #tpu.memory_space<hbm>>)
    %dma_wait3A_185 = arith.constant 0 : i32
    %dma_wait3A_186 = arith.constant 0 : i32
    %dma_wait3A_187 = arith.constant 0 : i32
    %dma_wait3A_188 = tpu.memref_slice %arg4[%dma_wait3A_185, %dma_wait3A_186, %dma_wait3A_187] : memref<200x128x1024xf32, #tpu.memory_space<hbm>> -> memref<1x1x1024xf32, #tpu.memory_space<hbm>>
    %dma_wait3A_189 = tpu.memref_squeeze %dma_wait3A_188 : memref<1x1x1024xf32, #tpu.memory_space<hbm>> -> memref<1024xf32, #tpu.memory_space<hbm>>
    %dma_wait3A_190 = arith.constant 0 : i32
    %dma_wait3A_191 = tpu.memref_slice %arg4[%dma_wait3A_185, %dma_wait3A_186, %dma_wait3A_190] : memref<200x128x1024xf32, #tpu.memory_space<hbm>> -> memref<1x1x1024xf32, #tpu.memory_space<hbm>>
    %dma_wait3A_192 = tpu.memref_squeeze %dma_wait3A_191 : memref<1x1x1024xf32, #tpu.memory_space<hbm>> -> memref<1024xf32, #tpu.memory_space<hbm>>
    tpu.wait_dma2 semaphore(%arg16 : memref<!tpu.dma_semaphore, #tpu.memory_space<semaphore_mem>>) src(%arg11 : memref<4096xf32, #tpu.memory_space<vmem>>) dst(%dma_wait3A_192 : memref<1024xf32, #tpu.memory_space<hbm>>)
    return
  }
}

</mosaic_0001>

<sc_bundles>
// kernel: kernel.3.cloned.1.call-start
scs
__scs_entry_jumppad:
0x0: {  	(pc) =	sbr.rel $0x88, $3  }
0x1: {  	(tag) =	ssettag $0x0;
	lr =	simm.s32 $0x1  }
0x2: {  	[smem:$0x3F9F] =	sst lr;
	_ =	strace $0xD0000000  }
0x3: {  	_ = 	snop  }
0x4: {  	_ = 	snop  }
0x5: {  	_ = 	snop  }
0x6: {  	_ = 	snop  }
0x7: {  	_ = 	snop  }
__scs_overlays_trampoline_lowered:
0x8: {  	[smem:$0x3FAE] =	sst s0  }
0x9: {  	[smem:$0x3FAF] =	sst s1  }
0xa: {  	[smem:$0x3FB0] =	sst s2  }
0xb: {  	[smem:$0x3FB1] =	sst s3  }
0xc: {  	[smem:$0x3FB2] =	sst s4  }
0xd: {  	[smem:$0x3FB3] =	sst s5  }
0xe: {  	[smem:$0x3FB4] =	sst s6  }
0xf: {  	[smem:$0x3FB5] =	sst s7  }
0x10: {  	[smem:$0x3FB6] =	sst s8  }
0x11: {  	[smem:$0x3FB7] =	sst s9;
	s0 =	simm.s32 @!p0 $0x0  }
0x12: {  	s1 =	sld [smem:$0x3F9D];
	s0 =	simm.s32 @p0 $0x1  }
0x13: {  	[smem:$0x3FB8] =	sst s0;
	s0 =	simm.s32 @!p1 $0x0  }
0x14: {  	s2 =	sld [smem:$0x3F9C];
	s0 =	simm.s32 @p1 $0x1  }
0x15: {  	[smem:$0x3FB9] =	sst s0;
	s0 =	simm.s32 @!p2 $0x0  }
0x16: {  	s3 =	sld [smem:$0x3FDB];
	s0 =	simm.s32 @p2 $0x1  }
0x17: {  	s4 =	simm.s32 $0x1BF5;
	[smem:$0x3FBB] =	sst s0  }
0x18: {  	s0 =	sld [smem:$0x3F9E];
	_ =	swait.ge [sflag:s4], $0x0  }
0x19: {  	s7 =	sld [smem:$0x3F9F]  }
0x1a: {  	s8 =	sadd.s32 $0xFFFFE003, lr  }
0x1b: {  	s9 =	sadd.s32 $0xFFFFFEF7, lr;
	s5 =	simm.s32 $0xFFFFFFFF;
	p2 =	slt.u32 s8, $0xFFFFF086  }
0x1c: {  	p1 =	slt.u32 s9, $0xF7A;
	s5 =	simm.s32 @!p2 $0x0  }
0x1d: {  	s5 =	simm.s32 @p1 $0x1;
	p0 =	seq.s32 s7, s2  }
0x1e: {  	s7 =	smul.u32 @!p0 $0xF7A, s2;
	p2 =	seq.s32 @!p0 s5, $0x0  }
0x1f: {  	s9 =	smul.u32 $0xF7A, s1;
	s8 =	simm.s32 @!p0 $0x1BF5;
	p2 =	por !p2, p0  }
0x20: {  	[sflag:s8] =	ssyncset.s32 @!p0 $0xFFFFF086;
	s6 =	sadd.s32 @!p0 s3, s7;
	s7 =	simm.s32 @!p0 $0x108  }
0x21: {  	s3 =	sadd.s32 s3, s9;
	s6 =	sadd.s32 @!p0 $0x88, s6;
	s7 =	simm.s32 @p2 $0x1082  }
0x22: {  	[simem:s7], [sflag:s8] =	dma.local @!p0 [hbm:s6], $0xF7A  }
0x23: {  	s9 =	sor.u32 $0xD0000000, s2;
	s6 =	simm.s32 $0x108;
	_ =	swait.ge @!p0 [sflag:s8], $0x0  }
0x24: {  	s3 =	sadd.s32 $0x88, s3;
	s6 =	simm.s32 @!p1 $0x1082;
	[sflag:s4] =	ssyncset.s32 $0xFFFFF086  }
0x25: {  	[simem:s6], [sflag:s4] =	dma.local [hbm:s3], $0xF7A  }
0x26: {  	[smem:$0x3F9F] =	sst s1;
	(tag) =	ssettag s2;
	_ =	strace s9  }
0x27: {  	s1 =	sld [smem:$0x3FAF]  }
0x28: {  	s2 =	sld [smem:$0x3FB0]  }
0x29: {  	s4 =	sld [smem:$0x3FB2]  }
0x2a: {  	p0 =	seq.s32 s5, $0x0;
	s5 =	sld [smem:$0x3FB3]  }
0x2b: {  	s6 =	sld [smem:$0x3FB4]  }
0x2c: {  	s7 =	sld [smem:$0x3FB5]  }
0x2d: {  	s3 =	simm.s32 $0x108;
	s8 =	sld [smem:$0x3FB6]  }
0x2e: {  	s3 =	simm.s32 @!p0 $0x1082;
	s9 =	sld [smem:$0x3FB7]  }
0x2f: {  	lr =	sadd.s32 s0, s3;
	s0 =	sld [smem:$0x3FAE]  }
0x30: {  	s3 =	sld [smem:$0x3FB1]  }
0x31: {  	[smem:$0x3FBA] =	sst s10  }
0x32: {  	s10 =	sld [smem:$0x3FB8];
	_ =	sdelay $0x3  }
0x33: {  	p0 =	seq.s32 s10, $0x1;
	s10 =	sld [smem:$0x3FBA];
	_ =	sdelay $0x3  }
0x34: {  	[smem:$0x3FBA] =	sst s10  }
0x35: {  	s10 =	sld [smem:$0x3FB9];
	_ =	sdelay $0x3  }
0x36: {  	p1 =	seq.s32 s10, $0x1;
	s10 =	sld [smem:$0x3FBA];
	_ =	sdelay $0x3  }
0x37: {  	[smem:$0x3FBA] =	sst s10  }
0x38: {  	s10 =	sld [smem:$0x3FBB]  }
0x39: {  	_ = 	snop;
	(pc) =	sbr.ind lr, $3  }
0x3a: {  	_ = 	snop  }
0x3b: {  	_ = 	snop  }
0x3c: {  	p2 =	seq.s32 s10, $0x1;
	s10 =	sld [smem:$0x3FBA]  }
0x3d: {  	_ =	shalt  }
0x3e: {  	_ =	shalt  }
0x3f: {  	_ =	shalt  }
0x40: {  	_ =	shalt  }
0x41: {  	_ =	shalt  }
0x42: {  	_ =	shalt  }
0x43: {  	_ =	shalt  }
0x44: {  	_ =	shalt  }
0x45: {  	_ =	shalt  }
0x46: {  	_ =	shalt  }
0x47: {  	_ =	shalt  }
0x48: {  	_ =	shalt  }
0x49: {  	_ =	shalt  }
0x4a: {  	_ =	shalt  }
0x4b: {  	_ =	shalt  }
0x4c: {  	_ =	shalt  }
0x4d: {  	_ =	shalt  }
0x4e: {  	_ =	shalt  }
0x4f: {  	_ =	shalt  }
0x50: {  	_ =	shalt  }
0x51: {  	_ =	shalt  }
0x52: {  	_ =	shalt  }
0x53: {  	_ =	shalt  }
0x54: {  	_ =	shalt  }
0x55: {  	_ =	shalt  }
0x56: {  	_ =	shalt  }
0x57: {  	_ =	shalt  }
0x58: {  	_ =	shalt  }
0x59: {  	_ =	shalt  }
0x5a: {  	_ =	shalt  }
0x5b: {  	_ =	shalt  }
0x5c: {  	_ =	shalt  }
0x5d: {  	_ =	shalt  }
0x5e: {  	_ =	shalt  }
0x5f: {  	_ =	shalt  }
0x60: {  	_ =	shalt  }
0x61: {  	_ =	shalt  }
0x62: {  	_ =	shalt  }
0x63: {  	_ =	shalt  }
0x64: {  	_ =	shalt  }
0x65: {  	_ =	shalt  }
0x66: {  	_ =	shalt  }
0x67: {  	_ =	shalt  }
0x68: {  	_ =	shalt  }
0x69: {  	_ =	shalt  }
0x6a: {  	_ =	shalt  }
0x6b: {  	_ =	shalt  }
0x6c: {  	_ =	shalt  }
0x6d: {  	_ =	shalt  }
0x6e: {  	_ =	shalt  }
0x6f: {  	_ =	shalt  }
0x70: {  	_ =	shalt  }
0x71: {  	_ =	shalt  }
0x72: {  	_ =	shalt  }
0x73: {  	_ =	shalt  }
0x74: {  	_ =	shalt  }
0x75: {  	_ =	shalt  }
0x76: {  	_ =	shalt  }
0x77: {  	_ =	shalt  }
0x78: {  	_ =	shalt  }
0x79: {  	_ =	shalt  }
0x7a: {  	_ =	shalt  }
0x7b: {  	_ =	shalt  }
0x7c: {  	_ =	shalt  }
0x7d: {  	_ =	shalt  }
0x7e: {  	_ =	shalt  }
0x7f: {  	_ =	shalt  }
0x80: {  	_ =	shalt  }
0x81: {  	_ =	shalt  }
0x82: {  	_ =	shalt  }
0x83: {  	_ =	shalt  }
0x84: {  	_ =	shalt  }
0x85: {  	_ =	shalt  }
0x86: {  	_ =	shalt  }
0x87: {  	_ =	shalt  }
.Lfunc_end0:
.L_simem_size_0:
called_computation_lowered:
.L_overlay_start_0:
0x88: {  	s2 =	sld [smem:$0x3FD9]  }
0x89: {  	s3 =	sld [smem:$0x3FFE];
	_ =	sdelay $0x1  }
0x8a: {  	s1 =	srdreg.scid  }
0x8b: {  	s0 =	sand.u32 $0x1, s1  }
0x8c: {  	s17 =	sshll.u32 s0, $0xA;
	s2 =	sadd.s32 s3, s2  }
0x8d: {  	s2 =	sadd.s32 s2, s17  }
0x8e: {  	[smem:$0x3FC6] =	sst s2  }
0x8f: {  	_ = 	snop  }
0x90: {  	s2 =	sld [smem:$0x3FD0];
	(tm) =	ssettm $0x1  }
0x91: {  	s18 =	sld [smem:$0x3FFB];
	_ =	sdelay $0x3  }
0x92: {  	_ =	strace s18  }
0x93: {  	s3 =	sld [smem:$0x3FFC];
	_ =	sdelay $0x3  }
0x94: {  	_ =	strace s3  }
0x95: {  	s3 =	sld [smem:$0x3FFD];
	_ =	sdelay $0x3  }
0x96: {  	_ =	strace s3  }
0x97: {  	_ =	strace $0x8FFFFFFF  }
0x98: {  	s19 =	sld [smem:$0x3FDB];
	_ =	sdelay $0x1  }
0x99: {  	s4 =	simm.s32 $_scs_section_size  }
0x9a: {  	s5 =	simm.s32 $_size__tile_overlayer_lowered;
	s6 =	simm.s32 $_tile_overlayer_lowered  }
0x9b: {  	s22 =	simm.s32 $0x1BFF;
	s21 =	sshll.u32 s6, $0x1;
	s3 =	sadd.s32 s4, s19  }
0x9c: {  	s7 =	simm.s32 $0x0;
	s20 =	sshll.u32 s5, $0x1;
	s5 =	sadd.s32 s21, s3  }
0x9d: {  	[timem:s7], [sflag:s22] =	dma.local [hbm:s5], s20  }
0x9e: {  	_ =	swait.ge [sflag:s22], s20  }
0x9f: {  	s4 =	ssub.s32 $0x0, s20;
	[sflag:s22] =	ssyncset.done $0x0  }
0xa0: {  	[sflag:s22] =	ssyncadd.s32 s4;
	_ =	sdelay $0x1  }
0xa1: {  	s23 =	simm.s32 $0x1B8B  }
0xa2: {  	_ =	swait.ge [sflag:s23], $0x1  }
0xa3: {  	[sflag:s23] =	ssyncset.done $0x0  }
0xa4: {  	s25 =	simm.s32 $0x1B8E;
	s24 =	sld [smem:$0x3FFE];
	[sflag:s23] =	ssyncadd.s32 $0xFFFFFFFF  }
0xa5: {  	s26 =	simm.s32 $execute0_lowered;
	[smem:$0x3FD2] =	sst s25  }
0xa6: {  	s5 =	sshll.u32 s26, $0x1;
	_ =	strace $0x80000046;
	[dreg:$0x1] =	wrdreg $0xFFFFFFFF  }
0xa7: {  	s28 =	simm.s32 $_size_execute0_lowered;
	s3 =	sadd.s32 s3, s5;
	[dreg:$0x0] =	wrdreg $0x0  }
0xa8: {  	s5 =	sshll.u32 s28, $0x1;
	[dreg:$0x2] =	wrdreg s3  }
0xa9: {  	[dreg:$0x3] =	wrdreg s5  }
0xaa: {  	[dreg:$0x4] =	wrdreg $0xC0  }
0xab: {  	_ =	task [dreg:s7], $0x5FFFF  }
0xac: {  	[dreg:$0x1] =	wrdreg $0xFFFFFFFF  }
0xad: {  	[dreg:$0x0] =	wrdreg $0x60  }
0xae: {  	[dreg:$0x2] =	wrdreg s24  }
0xaf: {  	[dreg:$0x3] =	wrdreg s2  }
0xb0: {  	[dreg:$0x4] =	wrdreg $0x9  }
0xb1: {  	_ =	task.clear_ibuf [dreg:s7], $0x5FFFF;
	_ =	strace $0x90000046  }
0xb2: {  	s29 =	simm.s32 $0x9;
	_ =	strace $0x80000048  }
0xb3: {  	_ =	swait.ge [sflag:s29], $0x1  }
0xb4: {  	[sflag:s29] =	ssyncadd.s32 $0xFFFFFFFF  }
0xb5: {  	_ =	strace $0x90000048  }
0xb6: {  	_ =	sfence  }
0xb7: {  	s30 =	sld [smem:$0x0];
	_ =	sdelay $0x2  }
0xb8: {  	s31 =	sshll.u32 s1, $0xD;
	s1 =	sshrl.u32 s1, $0x2  }
0xb9: {  	s3 =	sand.u32 $0x4000, s31;
	s1 =	sadd.s32 s1, s30  }
0xba: {  	s0 =	sor.u32 s3, s0;
	s1 =	sshll.u32 s1, $0x11  }
0xbb: {  	s0 =	sor.u32 s1, s0  }
0xbc: {  	s0 =	sadd.s32 $0x8F2B, s0  }
0xbd: {  	[sflag:s0] =	ssyncadd.remote.s32 $0x1  }
0xbe: {  	_ =	sfence.sel $0xFFFF  }
0xbf: {  	[dreg:$0x0] =	wrdreg $0xFFFFFFFF;
	(pc) =	sbr.abs _section_cstart, $3  }
0xc0: {  	[dreg:$0x1] =	wrdreg $0xFFFFFFFF  }
0xc1: {  	_ =	task.clear_ibuf [dreg:s7], $0x2FFFF;
	_ =	strace $0x9FFFFFFF  }
0xc2: {  	(tm) =	ssettm $0x7FFFFFFF  }
0xc3: {  	_ =	shalt  }
tec
execute0_lowered:
.L_overlay_start_1:
0x0: {  	(tag) =	ssettag $0x1  }
0x1: {  	s0 =	srdreg.scid;
	s2 =	stileid.u32  }
0x2: {  	s1 =	rddreg [dreg:$0x0];
	s17 =	simm.s32 $0x1;
	s18 =	simm.s32 $0x16C00  }
0x3: {  	s19 =	simm.s32 $0x17000;
	s20 =	simm.s32 $0x17400;
	s21 =	simm.s32 $0x17800  }
0x4: {  	s22 =	simm.s32 $0x17C00;
	s23 =	simm.s32 $0x18000;
	s24 =	simm.s32 $0x18400  }
0x5: {  	s25 =	simm.s32 $0x18800;
	s28 =	simm.s32 $0x3;
	s29 =	simm.s32 $0x4  }
0x6: {  	v0 =	vimm.s32 $0x76543210;
	s0 =	sand.u32 $0x1, s0;
	s3 =	sshll.u32 s2, $0x1;
	s2 =	rddreg [dreg:$0x1]  }
0x7: {  	v1 =	vimm.s32 $0xCBCAC9C8;
	v2 =	vimm.s32 $0xCFCECDCC;
	v0 =	vunpack.c.l.s4.s8 v0;
	s5 =	sor.u32 s0, s3;
	s3 =	simm.s32 $0x0;
	s0 =	ssub.s32 $0x2, s0  }
0x8: {  	v1 =	vunpack.c.0.s8.s32 v1;
	v2 =	vunpack.c.0.s8.s32 v2;
	s4 =	smul.u32 $0xC80, s5;
	[smem:$0x7FF] =	sst s3;
	s7 =	sshrl.u32 s0, $0x1  }
.Ltmp0:
0x9: {  	vm0 =	vcmask $0x1F10;
	s5 =	sshll.u32 s5, $0xA;
	v0 =	vunpack.c.0.s8.s32 v0;
	_ =	strace $0x80000047;
	(pc) =	sbr.rel .LBB2_1-.Ltmp0, $4  }
0xa: {  	v1 =	vsel vm0, v2, v1;
	v2 =	vlaneseq.u32;
	s0 =	ssub.s32 s0, s7;
	s6 =	sadd.s32 s4, s1;
	s1 =	sadd.s32 $0xF42A00, s1  }
0xb: {  	s7 =	sor.u32 $0x8000, s5;
	s0 =	smax.u32 s0, $0x1;
	v1 =	vcombine.low v0, v1;
	v0 =	vmul.u32 $0x80, v2;
	[dreg:$0x3] =	wrdreg s1  }
0xc: {  	s8 =	sor.u32 $0x10000, s5;
	s31 =	sadd.s32 $0x600, s6;
	[dreg:$0x5] =	wrdreg s0  }
0xd: {  	s9 =	sor.u32 $0x18000, s5;
	v2 =	vand.u32 $0x7, v2;
	s1 =	simm.s32 $0x0;
	[dreg:$0x4] =	wrdreg s31;
	v1 =	vand.u32 $0xFF, v1;
	v3 =	vor.u32 $0x800, v0  }
.LBB2_26:
0xe: {  	_ =	swait.ge [sflag:s28], $0x400  }
0xf: {  	[sflag:s28] =	ssyncset.done $0x0  }
0x10: {  	[sflag:s28] =	ssyncadd.s32 $0xFFFFFC00  }
0x11: {  	_ =	swait.ge [sflag:s28], $0x400  }
0x12: {  	[sflag:s28] =	ssyncset.done $0x0  }
0x13: {  	[sflag:s28] =	ssyncadd.s32 $0xFFFFFC00  }
0x14: {  	_ =	swait.ge [sflag:s28], $0x400  }
0x15: {  	[sflag:s28] =	ssyncset.done $0x0  }
0x16: {  	[sflag:s28] =	ssyncadd.s32 $0xFFFFFC00  }
0x17: {  	_ =	swait.ge [sflag:s28], $0x400  }
0x18: {  	[sflag:s28] =	ssyncset.done $0x0  }
0x19: {  	[sflag:s28] =	ssyncadd.s32 $0xFFFFFC00  }
0x1a: {  	_ =	swait.ge [sflag:s29], $0x400  }
0x1b: {  	[sflag:s29] =	ssyncset.done $0x0  }
0x1c: {  	[sflag:s29] =	ssyncadd.s32 $0xFFFFFC00  }
0x1d: {  	_ =	swait.ge [sflag:s29], $0x400  }
0x1e: {  	[sflag:s29] =	ssyncset.done $0x0  }
0x1f: {  	[sflag:s29] =	ssyncadd.s32 $0xFFFFFC00  }
0x20: {  	_ =	swait.ge [sflag:s29], $0x400  }
0x21: {  	[sflag:s29] =	ssyncset.done $0x0  }
0x22: {  	[sflag:s29] =	ssyncadd.s32 $0xFFFFFC00  }
0x23: {  	_ =	swait.ge [sflag:s29], $0x400  }
0x24: {  	s1 =	rddreg [dreg:$0x6]  }
0x25: {  	s0 =	rddreg [dreg:$0x5];
	s1 =	sadd.s32 $0x1, s1  }
0x26: {  	p0 =	sne.s32 s1, s0  }
.Ltmp1:
0x27: {  	_ = 	snop;
	(pc) =	sbr.rel @!p0 .LBB2_27-.Ltmp1, $3  }
0x28: {  	_ =	sdelay $0x1  }
0x29: {  	[sflag:s29] =	ssyncset.done $0x0  }
0x2a: {  	[sflag:s29] =	ssyncadd.s32 $0xFFFFFC00  }
.LBB2_1:
0x2b: {  	v4 =	vadd.s32 s3, v1  }
0x2c: {  	[dreg:$0x6] =	wrdreg s1;
	v4 =	vand.u32 $0xFFC8, v4  }
0x2d: {  	s0 =	rddreg [dreg:$0x4];
	s12 =	simm.s32 $0x5;
	v4 =	vor.u32 v2, v4  }
0x2e: {  	[tilespmem:s3], [sflag:$0x5] =	stream.linear.gather [hbm4b:s0+s3], $0x6400, $0x38;
	[tilespmem:$0x18C00] =	vst v63  }
0x2f: {  	_ =	swait.ge [sflag:s12], $0x6400  }
0x30: {  	s13 =	simm.s32 $0x190;
	[sflag:s12] =	ssyncset.done $0x0  }
0x31: {  	v5 =	vadd.s32 s13, v1;
	[sflag:s12] =	ssyncadd.s32 $0xFFFF9C00  }
0x32: {  	v5 =	vand.u32 $0xFFD8, v5;
	v4 =	vld.idx.msk [tilespmem:v4+s3+$0x0], $0xffff  }
0x33: {  	v5 =	vor.u32 v2, v5;
	_ =	sdelay $0x2  }
0x34: {  	s14 =	simm.s32 $0x320;
	s0 =	simm.s32 $0x6440  }
0x35: {  	[tilespmem:s0+$0xFFFFFFC0] =	vst v4;
	v4 =	vadd.s32 s14, v1  }
0x36: {  	v5 =	vld.idx.msk [tilespmem:v5+s3+$0x0], $0xffff;
	v4 =	vand.u32 $0xFFE8, v4  }
0x37: {  	v4 =	vor.u32 v2, v4;
	_ =	sdelay $0x2  }
0x38: {  	s15 =	simm.s32 $0x4B0  }
0x39: {  	[tilespmem:s0+$0xFFFFFFD0] =	vst v5;
	v5 =	vadd.s32 s15, v1  }
0x3a: {  	v4 =	vld.idx.msk [tilespmem:v4+s3+$0x0], $0xffff;
	v5 =	vand.u32 $0xFFF8, v5  }
0x3b: {  	v5 =	vor.u32 v2, v5;
	_ =	sdelay $0x2  }
0x3c: {  	s16 =	simm.s32 $0x640  }
0x3d: {  	[tilespmem:s0+$0xFFFFFFE0] =	vst v4;
	v4 =	vadd.s32 s16, v1  }
0x3e: {  	v5 =	vld.idx.msk [tilespmem:v5+s3+$0x0], $0xffff;
	v4 =	vand.u32 $0xFFC8, v4  }
0x3f: {  	v4 =	vor.u32 v2, v4;
	_ =	sdelay $0x2  }
0x40: {  	s26 =	simm.s32 $0x7D0  }
0x41: {  	[tilespmem:s0+$0xFFFFFFF0] =	vst v5;
	v5 =	vadd.s32 s26, v1  }
0x42: {  	v4 =	vld.idx.msk [tilespmem:v4+s3+$0x0], $0xffff;
	v5 =	vand.u32 $0xFFD8, v5  }
0x43: {  	v5 =	vor.u32 v2, v5;
	_ =	sdelay $0x2  }
0x44: {  	s30 =	simm.s32 $0x960  }
0x45: {  	[tilespmem:s0+$0x0] =	vst v4;
	v4 =	vadd.s32 s30, v1  }
0x46: {  	v5 =	vld.idx.msk [tilespmem:v5+s3+$0x0], $0xffff;
	v4 =	vand.u32 $0xFFE8, v4  }
0x47: {  	v4 =	vor.u32 v2, v4;
	_ =	sdelay $0x3  }
0x48: {  	s31 =	simm.s32 $0xAF0;
	[tilespmem:s0+$0x10] =	vst v5  }
0x49: {  	v5 =	vld.idx.msk [tilespmem:v4+s3+$0x0], $0xffff;
	v4 =	vadd.s32 s31, v1  }
0x4a: {  	v4 =	vand.u32 $0xFFF8, v4  }
0x4b: {  	v4 =	vor.u32 v2, v4;
	_ =	sdelay $0x3  }
0x4c: {  	s1 =	simm.s32 $0x0;
	s6 =	simm.s32 $0xC80;
	[tilespmem:s0+$0x20] =	vst v5  }
.LBB2_2:
0x4d: {  	v5 =	vadd.s32 s6, v1;
	s1 =	sadd.s32 $0x8, s1;
	v4 =	vld.idx.msk [tilespmem:v4+s3+$0x0], $0xffff  }
0x4e: {  	v5 =	vand.u32 $0xFFC8, v5;
	p0 =	slt.u32 s1, $0x38  }
0x4f: {  	v5 =	vor.u32 v2, v5;
	_ =	sdelay $0x3  }
0x50: {  	s10 =	sadd.s32 $0x190, s6;
	[tilespmem:s0+$0x30] =	vst v4  }
0x51: {  	v4 =	vld.idx.msk [tilespmem:v5+s3+$0x0], $0xffff;
	v5 =	vadd.s32 s10, v1  }
0x52: {  	v5 =	vand.u32 $0xFFD8, v5  }
0x53: {  	v5 =	vor.u32 v2, v5;
	_ =	sdelay $0x2  }
0x54: {  	s0 =	sadd.s32 $0x80, s0  }
0x55: {  	s10 =	sadd.s32 $0x320, s6;
	[tilespmem:s0+$0xFFFFFFC0] =	vst v4  }
0x56: {  	v4 =	vld.idx.msk [tilespmem:v5+s3+$0x0], $0xffff;
	v5 =	vadd.s32 s10, v1  }
0x57: {  	v5 =	vand.u32 $0xFFE8, v5  }
0x58: {  	v5 =	vor.u32 v2, v5;
	_ =	sdelay $0x3  }
0x59: {  	s10 =	sadd.s32 $0x4B0, s6;
	[tilespmem:s0+$0xFFFFFFD0] =	vst v4  }
0x5a: {  	v4 =	vld.idx.msk [tilespmem:v5+s3+$0x0], $0xffff;
	v5 =	vadd.s32 s10, v1  }
0x5b: {  	v5 =	vand.u32 $0xFFF8, v5  }
0x5c: {  	v5 =	vor.u32 v2, v5;
	_ =	sdelay $0x3  }
0x5d: {  	s10 =	sadd.s32 $0x640, s6;
	[tilespmem:s0+$0xFFFFFFE0] =	vst v4  }
0x5e: {  	v4 =	vld.idx.msk [tilespmem:v5+s3+$0x0], $0xffff;
	v5 =	vadd.s32 s10, v1  }
0x5f: {  	v5 =	vand.u32 $0xFFC8, v5  }
0x60: {  	v5 =	vor.u32 v2, v5;
	_ =	sdelay $0x3  }
0x61: {  	s10 =	sadd.s32 $0x7D0, s6;
	[tilespmem:s0+$0xFFFFFFF0] =	vst v4  }
0x62: {  	v4 =	vld.idx.msk [tilespmem:v5+s3+$0x0], $0xffff;
	v5 =	vadd.s32 s10, v1  }
0x63: {  	v5 =	vand.u32 $0xFFD8, v5  }
0x64: {  	v5 =	vor.u32 v2, v5;
	_ =	sdelay $0x3  }
0x65: {  	s10 =	sadd.s32 $0x960, s6;
	[tilespmem:s0+$0x0] =	vst v4  }
0x66: {  	v4 =	vld.idx.msk [tilespmem:v5+s3+$0x0], $0xffff;
	v5 =	vadd.s32 s10, v1  }
0x67: {  	v5 =	vand.u32 $0xFFE8, v5  }
0x68: {  	v5 =	vor.u32 v2, v5;
	_ =	sdelay $0x3  }
0x69: {  	s10 =	sadd.s32 $0xAF0, s6;
	[tilespmem:s0+$0x10] =	vst v4  }
0x6a: {  	v4 =	vadd.s32 s10, v1;
	v5 =	vld.idx.msk [tilespmem:v5+s3+$0x0], $0xffff  }
0x6b: {  	v4 =	vand.u32 $0xFFF8, v4  }
.Ltmp2:
0x6c: {  	v4 =	vor.u32 v2, v4;
	(pc) =	sbr.rel @p0 .LBB2_2-.Ltmp2, $2  }
0x6d: {  	_ =	sdelay $0x2  }
0x6e: {  	s6 =	sadd.s32 $0xC80, s6;
	[tilespmem:s0+$0x20] =	vst v5  }
0x6f: {  	_ =	sdelay $0x3  }
0x70: {  	v4 =	vld.idx.msk [tilespmem:v4+s3+$0x0], $0xffff;
	_ =	sdelay $0x2  }
.Ltmp3:
0x71: {  	_ = 	snop;
	(pc) =	sbr.rel .LBB2_4-.Ltmp3, $4  }
0x72: {  	s30 =	rddreg [dreg:$0x3]  }
0x73: {  	s1 =	simm.s32 $0x400;
	s4 =	simm.s32 $0x6400;
	s6 =	simm.s32 $0x6C00;
	[tilespmem:s0+$0x30] =	vst v4  }
0x74: {  	[tilespmem:s6], [sflag:$0x1] =	stream.indirect.gather [hbm4b:s30+s1], $0x20, s4, s1, $0xb8;
	[tilespmem:$0x18C00] =	vst v63  }
0x75: {  	s31 =	simm.s32 $0x0;
	s0 =	simm.s32 $0xB00;
	s1 =	simm.s32 $0xAF8  }
.LBB2_25:
0x76: {  	s31 =	sadd.s32 $0x1, s31  }
0x77: {  	p0 =	sne.s32 s31, $0xD  }
.Ltmp4:
0x78: {  	_ = 	snop;
	(pc) =	sbr.rel @!p0 .LBB2_26-.Ltmp4, $2  }
0x79: {  	_ =	sdelay $0x2  }
0x7a: {  	s1 =	sadd.s32 $0x10, s1;
	s0 =	sadd.s32 $0x10, s0  }
.LBB2_4:
0x7b: {  	s6 =	sshllo.u32 s31, $0x1  }
0x7c: {  	p0 =	sgt.u32 s6, $0x18  }
.Ltmp5:
0x7d: {  	_ = 	snop;
	(pc) =	sbr.rel @p0 .LBB2_8-.Ltmp5, $1  }
0x7e: {  	_ =	sdelay $0x3  }
0x7f: {  	s10 =	sadd.s32 $0xFFFFF510, s1  }
0x80: {  	v4 =	vadd.s32 s10, v1  }
0x81: {  	v4 =	vand.u32 $0x1FFF8, v4  }
0x82: {  	v4 =	vor.u32 v2, v4;
	_ =	sdelay $0x2  }
0x83: {  	s14 =	sadd.s32 $0xFFFFF6A0, s1  }
0x84: {  	v5 =	vadd.s32 s14, v1  }
0x85: {  	v5 =	vand.u32 $0x7FFFFFF8, v5;
	v4 =	vld.idx.msk [tilespmem:v4+s3+$0x0], $0xffff  }
0x86: {  	v5 =	vor.u32 v2, v5;
	_ =	sdelay $0x2  }
0x87: {  	s11 =	sadd.s32 $0xFFFFF830, s1;
	s10 =	simm.s32 $0x6840  }
0x88: {  	[tilespmem:s10+$0xFFFFFFC0] =	vst v4;
	v4 =	vadd.s32 s11, v1  }
0x89: {  	v5 =	vld.idx.msk [tilespmem:v5+s3+$0x0], $0xffff;
	v4 =	vand.u32 $0x7FFFFFF8, v4  }
0x8a: {  	v4 =	vor.u32 v2, v4;
	_ =	sdelay $0x2  }
0x8b: {  	s15 =	sadd.s32 $0xFFFFF9C0, s1  }
0x8c: {  	[tilespmem:s10+$0xFFFFFFD0] =	vst v5;
	v5 =	vadd.s32 s15, v1  }
0x8d: {  	v4 =	vld.idx.msk [tilespmem:v4+s3+$0x0], $0xffff;
	v5 =	vand.u32 $0x7FFFFFF8, v5  }
0x8e: {  	v5 =	vor.u32 v2, v5;
	_ =	sdelay $0x2  }
0x8f: {  	s16 =	sadd.s32 $0xFFFFFB50, s1  }
0x90: {  	[tilespmem:s10+$0xFFFFFFE0] =	vst v4;
	v4 =	vadd.s32 s16, v1  }
0x91: {  	v5 =	vld.idx.msk [tilespmem:v5+s3+$0x0], $0xffff;
	v4 =	vand.u32 $0x7FFFFFF8, v4  }
0x92: {  	v4 =	vor.u32 v2, v4;
	_ =	sdelay $0x2  }
0x93: {  	s26 =	sadd.s32 $0xFFFFFCE0, s1  }
0x94: {  	[tilespmem:s10+$0xFFFFFFF0] =	vst v5;
	v5 =	vadd.s32 s26, v1  }
0x95: {  	v4 =	vld.idx.msk [tilespmem:v4+s3+$0x0], $0xffff;
	v5 =	vand.u32 $0x7FFFFFF8, v5  }
0x96: {  	v5 =	vor.u32 v2, v5;
	_ =	sdelay $0x2  }
0x97: {  	s30 =	sadd.s32 $0xFFFFFE70, s1  }
0x98: {  	[tilespmem:s10+$0x0] =	vst v4;
	v4 =	vadd.s32 s30, v1  }
0x99: {  	v5 =	vld.idx.msk [tilespmem:v5+s3+$0x0], $0xffff;
	v4 =	vand.u32 $0x7FFFFFF8, v4  }
0x9a: {  	v4 =	vor.u32 v2, v4;
	_ =	sdelay $0x3  }
0x9b: {  	v6 =	vadd.s32 s1, v1;
	[tilespmem:s10+$0x10] =	vst v5  }
0x9c: {  	v5 =	vand.u32 $0x7FFFFFF8, v6;
	v4 =	vld.idx.msk [tilespmem:v4+s3+$0x0], $0xffff  }
0x9d: {  	v5 =	vor.u32 v2, v5;
	_ =	sdelay $0x2  }
0x9e: {  	s12 =	sadd.s32 $0xC80, s1;
	s11 =	simm.s32 $0x0  }
.LBB2_6:
0x9f: {  	s13 =	sadd.s32 $0xFFFFF510, s12;
	s11 =	sadd.s32 $0x8, s11;
	[tilespmem:s10+$0x20] =	vst v4  }
0xa0: {  	v4 =	vadd.s32 s13, v1;
	p1 =	slt.u32 s11, $0x38;
	v5 =	vld.idx.msk [tilespmem:v5+s3+$0x0], $0xffff  }
0xa1: {  	v4 =	vand.u32 $0x1FFF8, v4  }
0xa2: {  	v4 =	vor.u32 v2, v4;
	_ =	sdelay $0x3  }
0xa3: {  	s13 =	sadd.s32 $0xFFFFF6A0, s12;
	[tilespmem:s10+$0x30] =	vst v5  }
0xa4: {  	v5 =	vadd.s32 s13, v1;
	v4 =	vld.idx.msk [tilespmem:v4+s3+$0x0], $0xffff  }
0xa5: {  	v5 =	vand.u32 $0x7FFFFFF8, v5  }
0xa6: {  	v5 =	vor.u32 v2, v5;
	_ =	sdelay $0x2  }
0xa7: {  	s10 =	sadd.s32 $0x80, s10  }
0xa8: {  	s13 =	sadd.s32 $0xFFFFF830, s12;
	[tilespmem:s10+$0xFFFFFFC0] =	vst v4  }
0xa9: {  	v4 =	vld.idx.msk [tilespmem:v5+s3+$0x0], $0xffff;
	v5 =	vadd.s32 s13, v1  }
0xaa: {  	v5 =	vand.u32 $0x7FFFFFF8, v5  }
0xab: {  	v5 =	vor.u32 v2, v5;
	_ =	sdelay $0x3  }
0xac: {  	s13 =	sadd.s32 $0xFFFFF9C0, s12;
	[tilespmem:s10+$0xFFFFFFD0] =	vst v4  }
0xad: {  	v4 =	vld.idx.msk [tilespmem:v5+s3+$0x0], $0xffff;
	v5 =	vadd.s32 s13, v1  }
0xae: {  	v5 =	vand.u32 $0x7FFFFFF8, v5  }
0xaf: {  	v5 =	vor.u32 v2, v5;
	_ =	sdelay $0x3  }
0xb0: {  	s13 =	sadd.s32 $0xFFFFFB50, s12;
	[tilespmem:s10+$0xFFFFFFE0] =	vst v4  }
0xb1: {  	v4 =	vld.idx.msk [tilespmem:v5+s3+$0x0], $0xffff;
	v5 =	vadd.s32 s13, v1  }
0xb2: {  	v5 =	vand.u32 $0x7FFFFFF8, v5  }
0xb3: {  	v5 =	vor.u32 v2, v5;
	_ =	sdelay $0x3  }
0xb4: {  	s13 =	sadd.s32 $0xFFFFFCE0, s12;
	[tilespmem:s10+$0xFFFFFFF0] =	vst v4  }
0xb5: {  	v4 =	vld.idx.msk [tilespmem:v5+s3+$0x0], $0xffff;
	v5 =	vadd.s32 s13, v1  }
0xb6: {  	v5 =	vand.u32 $0x7FFFFFF8, v5  }
0xb7: {  	v5 =	vor.u32 v2, v5;
	_ =	sdelay $0x3  }
0xb8: {  	s13 =	sadd.s32 $0xFFFFFE70, s12;
	[tilespmem:s10+$0x0] =	vst v4  }
0xb9: {  	v4 =	vld.idx.msk [tilespmem:v5+s3+$0x0], $0xffff;
	v5 =	vadd.s32 s13, v1  }
0xba: {  	v5 =	vand.u32 $0x7FFFFFF8, v5  }
0xbb: {  	v5 =	vor.u32 v2, v5;
	_ =	sdelay $0x3  }
0xbc: {  	[tilespmem:s10+$0x10] =	vst v4  }
0xbd: {  	v4 =	vld.idx.msk [tilespmem:v5+s3+$0x0], $0xffff;
	v5 =	vadd.s32 s12, v1  }
.Ltmp6:
0xbe: {  	v5 =	vand.u32 $0x7FFFFFF8, v5;
	(pc) =	sbr.rel @p1 .LBB2_6-.Ltmp6, $2  }
0xbf: {  	v5 =	vor.u32 v2, v5;
	_ =	sdelay $0x2  }
0xc0: {  	s12 =	sadd.s32 $0xC80, s12  }
0xc1: {  	_ =	sdelay $0x2  }
0xc2: {  	[tilespmem:s10+$0x20] =	vst v4  }
0xc3: {  	v4 =	vld.idx.msk [tilespmem:v5+s3+$0x0], $0xffff;
	_ =	sdelay $0x3  }
0xc4: {  	s4 =	rddreg [dreg:$0x3]  }
0xc5: {  	s30 =	simm.s32 $0x400;
	s11 =	simm.s32 $0x6800;
	s12 =	simm.s32 $0xEC00;
	[tilespmem:s10+$0x30] =	vst v4  }
0xc6: {  	[tilespmem:s12], [sflag:$0x2] =	stream.indirect.gather [hbm4b:s4+s30], $0x20, s11, s30, $0xb8;
	[tilespmem:$0x18C00] =	vst v63  }
.LBB2_8:
0xc7: {  	_ =	swait.ge [sflag:s17], $0x8000;
	s10 =	sshll.u32 s31, $0x4  }
0xc8: {  	s11 =	simm.s32 $0x0;
	s12 =	simm.s32 $0x7000;
	[sflag:s17] =	ssyncset.done $0x0  }
0xc9: {  	s15 =	simm.s32 $0x7020;
	s16 =	simm.s32 $0x0;
	[sflag:s17] =	ssyncadd.s32 $0xFFFF8000  }
.LBB2_9:
0xca: {  	s13 =	sor.u32 s31, s16  }
0xcb: {  	p1 =	seq.s32 s13, $0x0  }
0xcc: {  	s13 =	simm.s32 @!p1 $0x3  }
0xcd: {  	_ =	swait.ge @!p1 [sflag:s13], $0x400  }
0xce: {  	[sflag:s13] =	ssyncset.done @!p1 $0x0  }
0xcf: {  	[sflag:s13] =	ssyncadd.s32 @!p1 $0xFFFFFC00  }
0xd0: {  	_ =	swait.ge @!p1 [sflag:s13], $0x400  }
0xd1: {  	[sflag:s13] =	ssyncset.done @!p1 $0x0  }
0xd2: {  	[sflag:s13] =	ssyncadd.s32 @!p1 $0xFFFFFC00  }
0xd3: {  	_ =	swait.ge @!p1 [sflag:s13], $0x400  }
0xd4: {  	[sflag:s13] =	ssyncset.done @!p1 $0x0  }
0xd5: {  	[sflag:s13] =	ssyncadd.s32 @!p1 $0xFFFFFC00  }
0xd6: {  	_ =	swait.ge @!p1 [sflag:s13], $0x400  }
0xd7: {  	[sflag:s13] =	ssyncset.done @!p1 $0x0  }
0xd8: {  	[sflag:s13] =	ssyncadd.s32 @!p1 $0xFFFFFC00  }
0xd9: {  	v5 =	vor.u32 s11, v0;
	v4 =	vld [tilespmem:s12+$0xFFFFFC00]  }
0xda: {  	v7 =	vor.u32 s11, v3;
	v6 =	vld [tilespmem:s12+$0xFFFFFC10];
	_ =	sdelay $0x3  }
0xdb: {  	[tilespmem:v5+s18+$0x0] =	vst.idx.msk $0xffff, v4  }
0xdc: {  	s4 =	simm.s32 $0x1;
	[tilespmem:v7+s18+$0x0] =	vst.idx.msk $0xffff, v6  }
0xdd: {  	v5 =	vor.u32 s4, v0;
	v4 =	vld [tilespmem:s12+$0xFFFFFD00]  }
0xde: {  	v7 =	vor.u32 s4, v3;
	v6 =	vld [tilespmem:s12+$0xFFFFFD10];
	_ =	sdelay $0x3  }
0xdf: {  	[tilespmem:v5+s18+$0x0] =	vst.idx.msk $0xffff, v4  }
0xe0: {  	s14 =	simm.s32 $0x2;
	[tilespmem:v7+s18+$0x0] =	vst.idx.msk $0xffff, v6  }
0xe1: {  	v5 =	vor.u32 s14, v0;
	v4 =	vld [tilespmem:s12+$0xFFFFFE00]  }
0xe2: {  	v7 =	vor.u32 s14, v3;
	v6 =	vld [tilespmem:s12+$0xFFFFFE10];
	_ =	sdelay $0x3  }
0xe3: {  	[tilespmem:v5+s18+$0x0] =	vst.idx.msk $0xffff, v4  }
0xe4: {  	s26 =	simm.s32 $0x3;
	[tilespmem:v7+s18+$0x0] =	vst.idx.msk $0xffff, v6  }
0xe5: {  	v5 =	vor.u32 s26, v0;
	v4 =	vld [tilespmem:s12+$0xFFFFFF00]  }
0xe6: {  	v7 =	vor.u32 s26, v3;
	v6 =	vld [tilespmem:s12+$0xFFFFFF10];
	_ =	sdelay $0x3  }
0xe7: {  	[tilespmem:v5+s18+$0x0] =	vst.idx.msk $0xffff, v4  }
0xe8: {  	s4 =	simm.s32 $0x4;
	[tilespmem:v7+s18+$0x0] =	vst.idx.msk $0xffff, v6  }
0xe9: {  	v5 =	vor.u32 s4, v0;
	v4 =	vld [tilespmem:s12+$0x0]  }
0xea: {  	v7 =	vor.u32 s4, v3;
	v6 =	vld [tilespmem:s12+$0x10];
	_ =	sdelay $0x3  }
0xeb: {  	[tilespmem:v5+s18+$0x0] =	vst.idx.msk $0xffff, v4  }
0xec: {  	s14 =	simm.s32 $0x5;
	[tilespmem:v7+s18+$0x0] =	vst.idx.msk $0xffff, v6  }
0xed: {  	v5 =	vor.u32 s14, v0;
	v4 =	vld [tilespmem:s12+$0x100]  }
0xee: {  	v7 =	vor.u32 s14, v3;
	v6 =	vld [tilespmem:s12+$0x110];
	_ =	sdelay $0x3  }
0xef: {  	[tilespmem:v5+s18+$0x0] =	vst.idx.msk $0xffff, v4  }
0xf0: {  	s26 =	simm.s32 $0x6;
	[tilespmem:v7+s18+$0x0] =	vst.idx.msk $0xffff, v6  }
0xf1: {  	v5 =	vor.u32 s26, v0;
	v4 =	vld [tilespmem:s12+$0x200]  }
0xf2: {  	v7 =	vor.u32 s26, v3;
	v6 =	vld [tilespmem:s12+$0x210];
	_ =	sdelay $0x3  }
0xf3: {  	[tilespmem:v5+s18+$0x0] =	vst.idx.msk $0xffff, v4  }
0xf4: {  	s26 =	simm.s32 $0x7;
	[tilespmem:v7+s18+$0x0] =	vst.idx.msk $0xffff, v6  }
0xf5: {  	v7 =	vor.u32 s26, v0;
	v6 =	vld [tilespmem:s12+$0x300];
	_ =	sdelay $0x1  }
0xf6: {  	v5 =	vor.u32 s26, v3;
	v4 =	vld [tilespmem:s12+$0x310];
	_ =	sdelay $0x2  }
0xf7: {  	s30 =	smov.u32 s12;
	s13 =	sshll.u32 s16, $0x1;
	s14 =	simm.s32 $0x8;
	[tilespmem:v7+s18+$0x0] =	vst.idx.msk $0xffff, v6  }
.LBB2_10:
0xf8: {  	p2 =	slt.u32 s14, $0x78  }
0xf9: {  	[tilespmem:v5+s18+$0x0] =	vst.idx.msk $0xffff, v4;
	s30 =	sadd.s32 $0x800, s30;
	s26 =	smov.u32 s14;
	s14 =	sadd.s32 $0x8, s14  }
0xfa: {  	v4 =	vld [tilespmem:s30+$0xFFFFFC00];
	v5 =	vor.u32 s26, v0  }
0xfb: {  	v7 =	vor.u32 s26, v3;
	v6 =	vld [tilespmem:s30+$0xFFFFFC10];
	_ =	sdelay $0x3  }
0xfc: {  	[tilespmem:v5+s18+$0x0] =	vst.idx.msk $0xffff, v4  }
0xfd: {  	s4 =	sadd.s32 $0x1, s26;
	[tilespmem:v7+s18+$0x0] =	vst.idx.msk $0xffff, v6  }
0xfe: {  	v5 =	vor.u32 s4, v0;
	v4 =	vld [tilespmem:s30+$0xFFFFFD00]  }
0xff: {  	v7 =	vor.u32 s4, v3;
	v6 =	vld [tilespmem:s30+$0xFFFFFD10];
	_ =	sdelay $0x3  }
0x100: {  	[tilespmem:v5+s18+$0x0] =	vst.idx.msk $0xffff, v4  }
0x101: {  	s4 =	sadd.s32 $0x2, s26;
	[tilespmem:v7+s18+$0x0] =	vst.idx.msk $0xffff, v6  }
0x102: {  	v5 =	vor.u32 s4, v0;
	v4 =	vld [tilespmem:s30+$0xFFFFFE00]  }
0x103: {  	v7 =	vor.u32 s4, v3;
	v6 =	vld [tilespmem:s30+$0xFFFFFE10];
	_ =	sdelay $0x3  }
0x104: {  	[tilespmem:v5+s18+$0x0] =	vst.idx.msk $0xffff, v4  }
0x105: {  	s4 =	sadd.s32 $0x3, s26;
	[tilespmem:v7+s18+$0x0] =	vst.idx.msk $0xffff, v6  }
0x106: {  	v5 =	vor.u32 s4, v0;
	v4 =	vld [tilespmem:s30+$0xFFFFFF00]  }
0x107: {  	v7 =	vor.u32 s4, v3;
	v6 =	vld [tilespmem:s30+$0xFFFFFF10];
	_ =	sdelay $0x3  }
0x108: {  	[tilespmem:v5+s18+$0x0] =	vst.idx.msk $0xffff, v4  }
0x109: {  	s4 =	sadd.s32 $0x4, s26;
	[tilespmem:v7+s18+$0x0] =	vst.idx.msk $0xffff, v6  }
0x10a: {  	v5 =	vor.u32 s4, v0;
	v4 =	vld [tilespmem:s30+$0x0]  }
0x10b: {  	v7 =	vor.u32 s4, v3;
	v6 =	vld [tilespmem:s30+$0x10];
	_ =	sdelay $0x3  }
0x10c: {  	[tilespmem:v5+s18+$0x0] =	vst.idx.msk $0xffff, v4  }
0x10d: {  	s4 =	sadd.s32 $0x5, s26;
	[tilespmem:v7+s18+$0x0] =	vst.idx.msk $0xffff, v6  }
0x10e: {  	v5 =	vor.u32 s4, v0;
	v4 =	vld [tilespmem:s30+$0x100]  }
0x10f: {  	v7 =	vor.u32 s4, v3;
	v6 =	vld [tilespmem:s30+$0x110];
	_ =	sdelay $0x3  }
0x110: {  	[tilespmem:v5+s18+$0x0] =	vst.idx.msk $0xffff, v4  }
0x111: {  	s4 =	sadd.s32 $0x6, s26;
	[tilespmem:v7+s18+$0x0] =	vst.idx.msk $0xffff, v6  }
0x112: {  	v5 =	vor.u32 s4, v0;
	v4 =	vld [tilespmem:s30+$0x200]  }
0x113: {  	v7 =	vor.u32 s4, v3;
	v6 =	vld [tilespmem:s30+$0x210];
	_ =	sdelay $0x3  }
0x114: {  	[tilespmem:v5+s18+$0x0] =	vst.idx.msk $0xffff, v4  }
0x115: {  	s4 =	sadd.s32 $0x7, s26;
	[tilespmem:v7+s18+$0x0] =	vst.idx.msk $0xffff, v6  }
0x116: {  	v7 =	vor.u32 s4, v0;
	v6 =	vld [tilespmem:s30+$0x300]  }
.Ltmp7:
0x117: {  	v5 =	vor.u32 s4, v3;
	v4 =	vld [tilespmem:s30+$0x310];
	(pc) =	sbr.rel @p2 .LBB2_10-.Ltmp7, $2  }
0x118: {  	_ =	sdelay $0x2  }
0x119: {  	[tilespmem:v7+s18+$0x0] =	vst.idx.msk $0xffff, v6  }
0x11a: {  	s4 =	sor.u32 s10, s13  }
0x11b: {  	s4 =	sshll.u32 s4, $0x11  }
0x11c: {  	s14 =	sor.u32 s5, s4  }
0x11d: {  	s14 =	sshrl.u32 s14, $0x3  }
0x11e: {  	[tilespmem:v5+s18+$0x0] =	vst.idx.msk $0xffff, v4;
	s26 =	sor.u32 s7, s4;
	s14 =	sadd.s32 s2, s14  }
0x11f: {  	[hbm4b:s14+s3] =	stream.linear.scatter [tilespmem:s18], [sflag:$0x3], $0x400, $0x38;
	[tilespmem:$0x18C00] =	vst v63  }
0x120: {  	s14 =	sshrl.u32 s26, $0x3  }
0x121: {  	s26 =	sor.u32 s8, s4;
	s14 =	sadd.s32 s2, s14  }
0x122: {  	[hbm4b:s14+s3] =	stream.linear.scatter [tilespmem:s19], [sflag:$0x3], $0x400, $0x38;
	[tilespmem:$0x18C00] =	vst v63  }
0x123: {  	s4 =	sor.u32 s9, s4;
	s14 =	sshrl.u32 s26, $0x3  }
0x124: {  	s4 =	sshrl.u32 s4, $0x3;
	s14 =	sadd.s32 s2, s14  }
0x125: {  	[hbm4b:s14+s3] =	stream.linear.scatter [tilespmem:s20], [sflag:$0x3], $0x400, $0x38;
	[tilespmem:$0x18C00] =	vst v63  }
0x126: {  	s4 =	sadd.s32 s2, s4  }
0x127: {  	[hbm4b:s4+s3] =	stream.linear.scatter [tilespmem:s21], [sflag:$0x3], $0x400, $0x38;
	[tilespmem:$0x18C00] =	vst v63  }
0x128: {  	s4 =	simm.s32 @!p1 $0x4  }
0x129: {  	_ =	swait.ge @!p1 [sflag:s4], $0x400  }
0x12a: {  	[sflag:s4] =	ssyncset.done @!p1 $0x0  }
0x12b: {  	[sflag:s4] =	ssyncadd.s32 @!p1 $0xFFFFFC00  }
0x12c: {  	_ =	swait.ge @!p1 [sflag:s4], $0x400  }
0x12d: {  	[sflag:s4] =	ssyncset.done @!p1 $0x0  }
0x12e: {  	[sflag:s4] =	ssyncadd.s32 @!p1 $0xFFFFFC00  }
0x12f: {  	_ =	swait.ge @!p1 [sflag:s4], $0x400  }
0x130: {  	[sflag:s4] =	ssyncset.done @!p1 $0x0  }
0x131: {  	[sflag:s4] =	ssyncadd.s32 @!p1 $0xFFFFFC00  }
0x132: {  	_ =	swait.ge @!p1 [sflag:s4], $0x400  }
0x133: {  	[sflag:s4] =	ssyncset.done @!p1 $0x0  }
0x134: {  	s14 =	simm.s32 $0x0;
	[sflag:s4] =	ssyncadd.s32 @!p1 $0xFFFFFC00  }
0x135: {  	v5 =	vor.u32 s14, v0;
	v4 =	vld [tilespmem:s15+$0xFFFFFC00]  }
0x136: {  	v7 =	vor.u32 s14, v3;
	v6 =	vld [tilespmem:s15+$0xFFFFFC10];
	_ =	sdelay $0x3  }
0x137: {  	[tilespmem:v5+s22+$0x0] =	vst.idx.msk $0xffff, v4  }
0x138: {  	s26 =	simm.s32 $0x1;
	[tilespmem:v7+s22+$0x0] =	vst.idx.msk $0xffff, v6  }
0x139: {  	v5 =	vor.u32 s26, v0;
	v4 =	vld [tilespmem:s15+$0xFFFFFD00]  }
0x13a: {  	v7 =	vor.u32 s26, v3;
	v6 =	vld [tilespmem:s15+$0xFFFFFD10];
	_ =	sdelay $0x3  }
0x13b: {  	[tilespmem:v5+s22+$0x0] =	vst.idx.msk $0xffff, v4  }
0x13c: {  	s14 =	simm.s32 $0x2;
	[tilespmem:v7+s22+$0x0] =	vst.idx.msk $0xffff, v6  }
0x13d: {  	v5 =	vor.u32 s14, v0;
	v4 =	vld [tilespmem:s15+$0xFFFFFE00]  }
0x13e: {  	v7 =	vor.u32 s14, v3;
	v6 =	vld [tilespmem:s15+$0xFFFFFE10];
	_ =	sdelay $0x3  }
0x13f: {  	[tilespmem:v5+s22+$0x0] =	vst.idx.msk $0xffff, v4  }
0x140: {  	s26 =	simm.s32 $0x3;
	[tilespmem:v7+s22+$0x0] =	vst.idx.msk $0xffff, v6  }
0x141: {  	v5 =	vor.u32 s26, v0;
	v4 =	vld [tilespmem:s15+$0xFFFFFF00]  }
0x142: {  	v7 =	vor.u32 s26, v3;
	v6 =	vld [tilespmem:s15+$0xFFFFFF10];
	_ =	sdelay $0x3  }
0x143: {  	[tilespmem:v5+s22+$0x0] =	vst.idx.msk $0xffff, v4  }
0x144: {  	s14 =	simm.s32 $0x4;
	[tilespmem:v7+s22+$0x0] =	vst.idx.msk $0xffff, v6  }
0x145: {  	v5 =	vor.u32 s14, v0;
	v4 =	vld [tilespmem:s15+$0x0]  }
0x146: {  	v7 =	vor.u32 s14, v3;
	v6 =	vld [tilespmem:s15+$0x10];
	_ =	sdelay $0x3  }
0x147: {  	[tilespmem:v5+s22+$0x0] =	vst.idx.msk $0xffff, v4  }
0x148: {  	s26 =	simm.s32 $0x5;
	[tilespmem:v7+s22+$0x0] =	vst.idx.msk $0xffff, v6  }
0x149: {  	v5 =	vor.u32 s26, v0;
	v4 =	vld [tilespmem:s15+$0x100]  }
0x14a: {  	v7 =	vor.u32 s26, v3;
	v6 =	vld [tilespmem:s15+$0x110];
	_ =	sdelay $0x3  }
0x14b: {  	[tilespmem:v5+s22+$0x0] =	vst.idx.msk $0xffff, v4  }
0x14c: {  	s14 =	simm.s32 $0x6;
	[tilespmem:v7+s22+$0x0] =	vst.idx.msk $0xffff, v6  }
0x14d: {  	v5 =	vor.u32 s14, v0;
	v4 =	vld [tilespmem:s15+$0x200]  }
0x14e: {  	v7 =	vor.u32 s14, v3;
	v6 =	vld [tilespmem:s15+$0x210];
	_ =	sdelay $0x3  }
0x14f: {  	[tilespmem:v5+s22+$0x0] =	vst.idx.msk $0xffff, v4  }
0x150: {  	s26 =	simm.s32 $0x7;
	[tilespmem:v7+s22+$0x0] =	vst.idx.msk $0xffff, v6  }
0x151: {  	v7 =	vor.u32 s26, v0;
	v6 =	vld [tilespmem:s15+$0x300];
	_ =	sdelay $0x1  }
0x152: {  	v5 =	vor.u32 s26, v3;
	v4 =	vld [tilespmem:s15+$0x310];
	_ =	sdelay $0x2  }
0x153: {  	s13 =	sor.u32 $0x1, s13;
	s30 =	smov.u32 s15;
	s14 =	simm.s32 $0x8;
	[tilespmem:v7+s22+$0x0] =	vst.idx.msk $0xffff, v6  }
.LBB2_12:
0x154: {  	p1 =	slt.u32 s14, $0x78  }
0x155: {  	[tilespmem:v5+s22+$0x0] =	vst.idx.msk $0xffff, v4;
	s30 =	sadd.s32 $0x800, s30;
	s26 =	smov.u32 s14;
	s14 =	sadd.s32 $0x8, s14  }
0x156: {  	v4 =	vld [tilespmem:s30+$0xFFFFFC00];
	v5 =	vor.u32 s26, v0  }
0x157: {  	v7 =	vor.u32 s26, v3;
	v6 =	vld [tilespmem:s30+$0xFFFFFC10];
	_ =	sdelay $0x3  }
0x158: {  	[tilespmem:v5+s22+$0x0] =	vst.idx.msk $0xffff, v4  }
0x159: {  	s4 =	sadd.s32 $0x1, s26;
	[tilespmem:v7+s22+$0x0] =	vst.idx.msk $0xffff, v6  }
0x15a: {  	v5 =	vor.u32 s4, v0;
	v4 =	vld [tilespmem:s30+$0xFFFFFD00]  }
0x15b: {  	v7 =	vor.u32 s4, v3;
	v6 =	vld [tilespmem:s30+$0xFFFFFD10];
	_ =	sdelay $0x3  }
0x15c: {  	[tilespmem:v5+s22+$0x0] =	vst.idx.msk $0xffff, v4  }
0x15d: {  	s4 =	sadd.s32 $0x2, s26;
	[tilespmem:v7+s22+$0x0] =	vst.idx.msk $0xffff, v6  }
0x15e: {  	v5 =	vor.u32 s4, v0;
	v4 =	vld [tilespmem:s30+$0xFFFFFE00]  }
0x15f: {  	v7 =	vor.u32 s4, v3;
	v6 =	vld [tilespmem:s30+$0xFFFFFE10];
	_ =	sdelay $0x3  }
0x160: {  	[tilespmem:v5+s22+$0x0] =	vst.idx.msk $0xffff, v4  }
0x161: {  	s4 =	sadd.s32 $0x3, s26;
	[tilespmem:v7+s22+$0x0] =	vst.idx.msk $0xffff, v6  }
0x162: {  	v5 =	vor.u32 s4, v0;
	v4 =	vld [tilespmem:s30+$0xFFFFFF00]  }
0x163: {  	v7 =	vor.u32 s4, v3;
	v6 =	vld [tilespmem:s30+$0xFFFFFF10];
	_ =	sdelay $0x3  }
0x164: {  	[tilespmem:v5+s22+$0x0] =	vst.idx.msk $0xffff, v4  }
0x165: {  	s4 =	sadd.s32 $0x4, s26;
	[tilespmem:v7+s22+$0x0] =	vst.idx.msk $0xffff, v6  }
0x166: {  	v5 =	vor.u32 s4, v0;
	v4 =	vld [tilespmem:s30+$0x0]  }
0x167: {  	v7 =	vor.u32 s4, v3;
	v6 =	vld [tilespmem:s30+$0x10];
	_ =	sdelay $0x3  }
0x168: {  	[tilespmem:v5+s22+$0x0] =	vst.idx.msk $0xffff, v4  }
0x169: {  	s4 =	sadd.s32 $0x5, s26;
	[tilespmem:v7+s22+$0x0] =	vst.idx.msk $0xffff, v6  }
0x16a: {  	v5 =	vor.u32 s4, v0;
	v4 =	vld [tilespmem:s30+$0x100]  }
0x16b: {  	v7 =	vor.u32 s4, v3;
	v6 =	vld [tilespmem:s30+$0x110];
	_ =	sdelay $0x3  }
0x16c: {  	[tilespmem:v5+s22+$0x0] =	vst.idx.msk $0xffff, v4  }
0x16d: {  	s4 =	sadd.s32 $0x6, s26;
	[tilespmem:v7+s22+$0x0] =	vst.idx.msk $0xffff, v6  }
0x16e: {  	v5 =	vor.u32 s4, v0;
	v4 =	vld [tilespmem:s30+$0x200]  }
0x16f: {  	v7 =	vor.u32 s4, v3;
	v6 =	vld [tilespmem:s30+$0x210];
	_ =	sdelay $0x3  }
0x170: {  	[tilespmem:v5+s22+$0x0] =	vst.idx.msk $0xffff, v4  }
0x171: {  	s4 =	sadd.s32 $0x7, s26;
	[tilespmem:v7+s22+$0x0] =	vst.idx.msk $0xffff, v6  }
0x172: {  	v7 =	vor.u32 s4, v0;
	v6 =	vld [tilespmem:s30+$0x300]  }
.Ltmp8:
0x173: {  	v5 =	vor.u32 s4, v3;
	v4 =	vld [tilespmem:s30+$0x310];
	(pc) =	sbr.rel @p1 .LBB2_12-.Ltmp8, $2  }
0x174: {  	_ =	sdelay $0x2  }
0x175: {  	[tilespmem:v7+s22+$0x0] =	vst.idx.msk $0xffff, v6  }
0x176: {  	s4 =	sor.u32 s10, s13  }
0x177: {  	s4 =	sshll.u32 s4, $0x11  }
0x178: {  	s14 =	sor.u32 s5, s4  }
0x179: {  	s13 =	sshrl.u32 s14, $0x3  }
0x17a: {  	[tilespmem:v5+s22+$0x0] =	vst.idx.msk $0xffff, v4;
	s26 =	sor.u32 s7, s4;
	s13 =	sadd.s32 s2, s13  }
0x17b: {  	[hbm4b:s13+s3] =	stream.linear.scatter [tilespmem:s22], [sflag:$0x4], $0x400, $0x38;
	[tilespmem:$0x18C00] =	vst v63  }
0x17c: {  	s16 =	sadd.s32 $0x1, s16;
	s13 =	sshrl.u32 s26, $0x3  }
0x17d: {  	p1 =	sne.s32 s16, $0x4;
	s30 =	sor.u32 s8, s4;
	s13 =	sadd.s32 s2, s13  }
0x17e: {  	[hbm4b:s13+s3] =	stream.linear.scatter [tilespmem:s23], [sflag:$0x4], $0x400, $0x38;
	[tilespmem:$0x18C00] =	vst v63  }
.Ltmp9:
0x17f: {  	s4 =	sor.u32 s9, s4;
	s13 =	sshrl.u32 s30, $0x3;
	(pc) =	sbr.rel @p1 .LBB2_9-.Ltmp9, $4  }
0x180: {  	s4 =	sshrl.u32 s4, $0x3;
	s13 =	sadd.s32 s2, s13  }
0x181: {  	[hbm4b:s13+s3] =	stream.linear.scatter [tilespmem:s24], [sflag:$0x4], $0x400, $0x38;
	[tilespmem:$0x18C00] =	vst v63  }
0x182: {  	s12 =	sadd.s32 $0x40, s12;
	s15 =	sadd.s32 $0x40, s15;
	s4 =	sadd.s32 s2, s4  }
0x183: {  	[hbm4b:s4+s3] =	stream.linear.scatter [tilespmem:s25], [sflag:$0x4], $0x400, $0x38;
	[tilespmem:$0x18C00] =	vst v63  }
0x184: {  	p1 =	seq.s32 s31, $0xC  }
.Ltmp10:
0x185: {  	_ = 	snop;
	(pc) =	sbr.rel @p1 .LBB2_18-.Ltmp10, $1  }
0x186: {  	_ =	sdelay $0x3  }
0x187: {  	s4 =	sadd.s32 $0xFFFFF510, s0  }
0x188: {  	v4 =	vadd.s32 s4, v1  }
0x189: {  	v4 =	vand.u32 $0x7FFFFFF8, v4  }
0x18a: {  	v4 =	vor.u32 v2, v4;
	_ =	sdelay $0x2  }
0x18b: {  	s13 =	sadd.s32 $0xFFFFF6A0, s0  }
0x18c: {  	v5 =	vadd.s32 s13, v1  }
0x18d: {  	v5 =	vand.u32 $0x7FFFFFF8, v5;
	v4 =	vld.idx.msk [tilespmem:v4+s3+$0x0], $0xffff  }
0x18e: {  	v5 =	vor.u32 v2, v5;
	_ =	sdelay $0x2  }
0x18f: {  	s10 =	simm.s32 $0x6440;
	s14 =	sadd.s32 $0xFFFFF830, s0  }
0x190: {  	[tilespmem:s10+$0xFFFFFFC0] =	vst v4;
	v4 =	vadd.s32 s14, v1  }
0x191: {  	v5 =	vld.idx.msk [tilespmem:v5+s3+$0x0], $0xffff;
	v4 =	vand.u32 $0x7FFFFFF8, v4  }
0x192: {  	v4 =	vor.u32 v2, v4;
	_ =	sdelay $0x2  }
0x193: {  	s15 =	sadd.s32 $0xFFFFF9C0, s0  }
0x194: {  	[tilespmem:s10+$0xFFFFFFD0] =	vst v5;
	v5 =	vadd.s32 s15, v1  }
0x195: {  	v4 =	vld.idx.msk [tilespmem:v4+s3+$0x0], $0xffff;
	v5 =	vand.u32 $0x7FFFFFF8, v5  }
0x196: {  	v5 =	vor.u32 v2, v5;
	_ =	sdelay $0x2  }
0x197: {  	s16 =	sadd.s32 $0xFFFFFB50, s0  }
0x198: {  	[tilespmem:s10+$0xFFFFFFE0] =	vst v4;
	v4 =	vadd.s32 s16, v1  }
0x199: {  	v5 =	vld.idx.msk [tilespmem:v5+s3+$0x0], $0xffff;
	v4 =	vand.u32 $0x7FFFFFF8, v4  }
0x19a: {  	v4 =	vor.u32 v2, v4;
	_ =	sdelay $0x2  }
0x19b: {  	s26 =	sadd.s32 $0xFFFFFCE0, s0  }
0x19c: {  	[tilespmem:s10+$0xFFFFFFF0] =	vst v5;
	v5 =	vadd.s32 s26, v1  }
0x19d: {  	v4 =	vld.idx.msk [tilespmem:v4+s3+$0x0], $0xffff;
	v5 =	vand.u32 $0x7FFFFFF8, v5  }
0x19e: {  	v5 =	vor.u32 v2, v5;
	_ =	sdelay $0x2  }
0x19f: {  	s30 =	sadd.s32 $0xFFFFFE70, s0  }
0x1a0: {  	[tilespmem:s10+$0x0] =	vst v4;
	v4 =	vadd.s32 s30, v1  }
0x1a1: {  	v5 =	vld.idx.msk [tilespmem:v5+s3+$0x0], $0xffff;
	v4 =	vand.u32 $0x7FFFFFF8, v4  }
0x1a2: {  	v4 =	vor.u32 v2, v4;
	_ =	sdelay $0x3  }
0x1a3: {  	v6 =	vadd.s32 s0, v1;
	[tilespmem:s10+$0x10] =	vst v5  }
0x1a4: {  	v5 =	vand.u32 $0x7FFFFFF8, v6;
	v4 =	vld.idx.msk [tilespmem:v4+s3+$0x0], $0xffff  }
0x1a5: {  	v5 =	vor.u32 v2, v5;
	_ =	sdelay $0x2  }
0x1a6: {  	s11 =	simm.s32 $0x0;
	s12 =	sadd.s32 $0xC80, s0  }
.LBB2_16:
0x1a7: {  	s4 =	sadd.s32 $0xFFFFF510, s12;
	s11 =	sadd.s32 $0x8, s11;
	[tilespmem:s10+$0x20] =	vst v4  }
0x1a8: {  	v4 =	vadd.s32 s4, v1;
	p1 =	slt.u32 s11, $0x38;
	v5 =	vld.idx.msk [tilespmem:v5+s3+$0x0], $0xffff  }
0x1a9: {  	v4 =	vand.u32 $0x7FFFFFF8, v4  }
0x1aa: {  	v4 =	vor.u32 v2, v4;
	_ =	sdelay $0x3  }
0x1ab: {  	s4 =	sadd.s32 $0xFFFFF6A0, s12;
	[tilespmem:s10+$0x30] =	vst v5  }
0x1ac: {  	v5 =	vadd.s32 s4, v1;
	v4 =	vld.idx.msk [tilespmem:v4+s3+$0x0], $0xffff  }
0x1ad: {  	v5 =	vand.u32 $0x7FFFFFF8, v5  }
0x1ae: {  	v5 =	vor.u32 v2, v5;
	_ =	sdelay $0x2  }
0x1af: {  	s10 =	sadd.s32 $0x80, s10  }
0x1b0: {  	s4 =	sadd.s32 $0xFFFFF830, s12;
	[tilespmem:s10+$0xFFFFFFC0] =	vst v4  }
0x1b1: {  	v4 =	vld.idx.msk [tilespmem:v5+s3+$0x0], $0xffff;
	v5 =	vadd.s32 s4, v1  }
0x1b2: {  	v5 =	vand.u32 $0x7FFFFFF8, v5  }
0x1b3: {  	v5 =	vor.u32 v2, v5;
	_ =	sdelay $0x3  }
0x1b4: {  	s4 =	sadd.s32 $0xFFFFF9C0, s12;
	[tilespmem:s10+$0xFFFFFFD0] =	vst v4  }
0x1b5: {  	v4 =	vld.idx.msk [tilespmem:v5+s3+$0x0], $0xffff;
	v5 =	vadd.s32 s4, v1  }
0x1b6: {  	v5 =	vand.u32 $0x7FFFFFF8, v5  }
0x1b7: {  	v5 =	vor.u32 v2, v5;
	_ =	sdelay $0x3  }
0x1b8: {  	s4 =	sadd.s32 $0xFFFFFB50, s12;
	[tilespmem:s10+$0xFFFFFFE0] =	vst v4  }
0x1b9: {  	v4 =	vld.idx.msk [tilespmem:v5+s3+$0x0], $0xffff;
	v5 =	vadd.s32 s4, v1  }
0x1ba: {  	v5 =	vand.u32 $0x7FFFFFF8, v5  }
0x1bb: {  	v5 =	vor.u32 v2, v5;
	_ =	sdelay $0x3  }
0x1bc: {  	s4 =	sadd.s32 $0xFFFFFCE0, s12;
	[tilespmem:s10+$0xFFFFFFF0] =	vst v4  }
0x1bd: {  	v4 =	vld.idx.msk [tilespmem:v5+s3+$0x0], $0xffff;
	v5 =	vadd.s32 s4, v1  }
0x1be: {  	v5 =	vand.u32 $0x7FFFFFF8, v5  }
0x1bf: {  	v5 =	vor.u32 v2, v5;
	_ =	sdelay $0x3  }
0x1c0: {  	s4 =	sadd.s32 $0xFFFFFE70, s12;
	[tilespmem:s10+$0x0] =	vst v4  }
0x1c1: {  	v4 =	vld.idx.msk [tilespmem:v5+s3+$0x0], $0xffff;
	v5 =	vadd.s32 s4, v1  }
0x1c2: {  	v5 =	vand.u32 $0x7FFFFFF8, v5  }
0x1c3: {  	v5 =	vor.u32 v2, v5;
	_ =	sdelay $0x3  }
0x1c4: {  	[tilespmem:s10+$0x10] =	vst v4  }
0x1c5: {  	v4 =	vld.idx.msk [tilespmem:v5+s3+$0x0], $0xffff;
	v5 =	vadd.s32 s12, v1  }
.Ltmp11:
0x1c6: {  	v5 =	vand.u32 $0x7FFFFFF8, v5;
	(pc) =	sbr.rel @p1 .LBB2_16-.Ltmp11, $2  }
0x1c7: {  	v5 =	vor.u32 v2, v5;
	_ =	sdelay $0x2  }
0x1c8: {  	s12 =	sadd.s32 $0xC80, s12  }
0x1c9: {  	_ =	sdelay $0x2  }
0x1ca: {  	[tilespmem:s10+$0x20] =	vst v4  }
0x1cb: {  	v4 =	vld.idx.msk [tilespmem:v5+s3+$0x0], $0xffff;
	_ =	sdelay $0x3  }
0x1cc: {  	s4 =	rddreg [dreg:$0x3]  }
0x1cd: {  	s30 =	simm.s32 $0x400;
	s11 =	simm.s32 $0x6400;
	s12 =	simm.s32 $0x6C00;
	[tilespmem:s10+$0x30] =	vst v4  }
0x1ce: {  	[tilespmem:s12], [sflag:$0x1] =	stream.indirect.gather [hbm4b:s4+s30], $0x20, s11, s30, $0xb8;
	[tilespmem:$0x18C00] =	vst v63  }
.LBB2_18:
.Ltmp12:
0x1cf: {  	(pc) =	sbr.rel @p0 .LBB2_25-.Ltmp12, $1  }
0x1d0: {  	_ =	sdelay $0x3  }
0x1d1: {  	s4 =	simm.s32 $0x2  }
0x1d2: {  	s6 =	sshll.u32 s6, $0x3;
	_ =	swait.ge [sflag:s4], $0x8000  }
0x1d3: {  	s10 =	simm.s32 $0x0;
	s11 =	simm.s32 $0xF000;
	[sflag:s4] =	ssyncset.done $0x0  }
0x1d4: {  	s15 =	simm.s32 $0xF020;
	s16 =	simm.s32 $0x0;
	[sflag:s4] =	ssyncadd.s32 $0xFFFF8000  }
.LBB2_20:
0x1d5: {  	_ =	swait.ge [sflag:s28], $0x400  }
0x1d6: {  	[sflag:s28] =	ssyncset.done $0x0  }
0x1d7: {  	[sflag:s28] =	ssyncadd.s32 $0xFFFFFC00  }
0x1d8: {  	_ =	swait.ge [sflag:s28], $0x400  }
0x1d9: {  	[sflag:s28] =	ssyncset.done $0x0  }
0x1da: {  	[sflag:s28] =	ssyncadd.s32 $0xFFFFFC00  }
0x1db: {  	_ =	swait.ge [sflag:s28], $0x400  }
0x1dc: {  	[sflag:s28] =	ssyncset.done $0x0  }
0x1dd: {  	[sflag:s28] =	ssyncadd.s32 $0xFFFFFC00  }
0x1de: {  	_ =	swait.ge [sflag:s28], $0x400  }
0x1df: {  	[sflag:s28] =	ssyncset.done $0x0  }
0x1e0: {  	[sflag:s28] =	ssyncadd.s32 $0xFFFFFC00  }
0x1e1: {  	v5 =	vor.u32 s10, v0;
	v4 =	vld [tilespmem:s11+$0xFFFFFC00]  }
0x1e2: {  	v7 =	vor.u32 s10, v3;
	v6 =	vld [tilespmem:s11+$0xFFFFFC10];
	_ =	sdelay $0x3  }
0x1e3: {  	[tilespmem:v5+s18+$0x0] =	vst.idx.msk $0xffff, v4  }
0x1e4: {  	s4 =	simm.s32 $0x1;
	[tilespmem:v7+s18+$0x0] =	vst.idx.msk $0xffff, v6  }
0x1e5: {  	v5 =	vor.u32 s4, v0;
	v4 =	vld [tilespmem:s11+$0xFFFFFD00]  }
0x1e6: {  	v7 =	vor.u32 s4, v3;
	v6 =	vld [tilespmem:s11+$0xFFFFFD10];
	_ =	sdelay $0x3  }
0x1e7: {  	[tilespmem:v5+s18+$0x0] =	vst.idx.msk $0xffff, v4  }
0x1e8: {  	s30 =	simm.s32 $0x2;
	[tilespmem:v7+s18+$0x0] =	vst.idx.msk $0xffff, v6  }
0x1e9: {  	v5 =	vor.u32 s30, v0;
	v4 =	vld [tilespmem:s11+$0xFFFFFE00]  }
0x1ea: {  	v7 =	vor.u32 s30, v3;
	v6 =	vld [tilespmem:s11+$0xFFFFFE10];
	_ =	sdelay $0x3  }
0x1eb: {  	[tilespmem:v5+s18+$0x0] =	vst.idx.msk $0xffff, v4  }
0x1ec: {  	s12 =	simm.s32 $0x3;
	[tilespmem:v7+s18+$0x0] =	vst.idx.msk $0xffff, v6  }
0x1ed: {  	v5 =	vor.u32 s12, v0;
	v4 =	vld [tilespmem:s11+$0xFFFFFF00]  }
0x1ee: {  	v7 =	vor.u32 s12, v3;
	v6 =	vld [tilespmem:s11+$0xFFFFFF10];
	_ =	sdelay $0x3  }
0x1ef: {  	[tilespmem:v5+s18+$0x0] =	vst.idx.msk $0xffff, v4  }
0x1f0: {  	s13 =	simm.s32 $0x4;
	[tilespmem:v7+s18+$0x0] =	vst.idx.msk $0xffff, v6  }
0x1f1: {  	v5 =	vor.u32 s13, v0;
	v4 =	vld [tilespmem:s11+$0x0]  }
0x1f2: {  	v7 =	vor.u32 s13, v3;
	v6 =	vld [tilespmem:s11+$0x10];
	_ =	sdelay $0x3  }
0x1f3: {  	[tilespmem:v5+s18+$0x0] =	vst.idx.msk $0xffff, v4  }
0x1f4: {  	s14 =	simm.s32 $0x5;
	[tilespmem:v7+s18+$0x0] =	vst.idx.msk $0xffff, v6  }
0x1f5: {  	v5 =	vor.u32 s14, v0;
	v4 =	vld [tilespmem:s11+$0x100]  }
0x1f6: {  	v7 =	vor.u32 s14, v3;
	v6 =	vld [tilespmem:s11+$0x110];
	_ =	sdelay $0x3  }
0x1f7: {  	[tilespmem:v5+s18+$0x0] =	vst.idx.msk $0xffff, v4  }
0x1f8: {  	s26 =	simm.s32 $0x6;
	[tilespmem:v7+s18+$0x0] =	vst.idx.msk $0xffff, v6  }
0x1f9: {  	v5 =	vor.u32 s26, v0;
	v4 =	vld [tilespmem:s11+$0x200]  }
0x1fa: {  	v7 =	vor.u32 s26, v3;
	v6 =	vld [tilespmem:s11+$0x210];
	_ =	sdelay $0x3  }
0x1fb: {  	[tilespmem:v5+s18+$0x0] =	vst.idx.msk $0xffff, v4  }
0x1fc: {  	s30 =	simm.s32 $0x7;
	[tilespmem:v7+s18+$0x0] =	vst.idx.msk $0xffff, v6  }
0x1fd: {  	v7 =	vor.u32 s30, v0;
	v6 =	vld [tilespmem:s11+$0x300];
	_ =	sdelay $0x1  }
0x1fe: {  	v5 =	vor.u32 s30, v3;
	v4 =	vld [tilespmem:s11+$0x310];
	_ =	sdelay $0x2  }
0x1ff: {  	s12 =	smov.u32 s11;
	s13 =	simm.s32 $0x8;
	[tilespmem:v7+s18+$0x0] =	vst.idx.msk $0xffff, v6  }
.LBB2_21:
0x200: {  	p0 =	slt.u32 s13, $0x78  }
0x201: {  	[tilespmem:v5+s18+$0x0] =	vst.idx.msk $0xffff, v4;
	s12 =	sadd.s32 $0x800, s12;
	s14 =	smov.u32 s13;
	s13 =	sadd.s32 $0x8, s13  }
0x202: {  	v4 =	vld [tilespmem:s12+$0xFFFFFC00];
	v5 =	vor.u32 s14, v0  }
0x203: {  	v7 =	vor.u32 s14, v3;
	v6 =	vld [tilespmem:s12+$0xFFFFFC10];
	_ =	sdelay $0x3  }
0x204: {  	[tilespmem:v5+s18+$0x0] =	vst.idx.msk $0xffff, v4  }
0x205: {  	s4 =	sadd.s32 $0x1, s14;
	[tilespmem:v7+s18+$0x0] =	vst.idx.msk $0xffff, v6  }
0x206: {  	v5 =	vor.u32 s4, v0;
	v4 =	vld [tilespmem:s12+$0xFFFFFD00]  }
0x207: {  	v7 =	vor.u32 s4, v3;
	v6 =	vld [tilespmem:s12+$0xFFFFFD10];
	_ =	sdelay $0x3  }
0x208: {  	[tilespmem:v5+s18+$0x0] =	vst.idx.msk $0xffff, v4  }
0x209: {  	s4 =	sadd.s32 $0x2, s14;
	[tilespmem:v7+s18+$0x0] =	vst.idx.msk $0xffff, v6  }
0x20a: {  	v5 =	vor.u32 s4, v0;
	v4 =	vld [tilespmem:s12+$0xFFFFFE00]  }
0x20b: {  	v7 =	vor.u32 s4, v3;
	v6 =	vld [tilespmem:s12+$0xFFFFFE10];
	_ =	sdelay $0x3  }
0x20c: {  	[tilespmem:v5+s18+$0x0] =	vst.idx.msk $0xffff, v4  }
0x20d: {  	s4 =	sadd.s32 $0x3, s14;
	[tilespmem:v7+s18+$0x0] =	vst.idx.msk $0xffff, v6  }
0x20e: {  	v5 =	vor.u32 s4, v0;
	v4 =	vld [tilespmem:s12+$0xFFFFFF00]  }
0x20f: {  	v7 =	vor.u32 s4, v3;
	v6 =	vld [tilespmem:s12+$0xFFFFFF10];
	_ =	sdelay $0x3  }
0x210: {  	[tilespmem:v5+s18+$0x0] =	vst.idx.msk $0xffff, v4  }
0x211: {  	s4 =	sadd.s32 $0x4, s14;
	[tilespmem:v7+s18+$0x0] =	vst.idx.msk $0xffff, v6  }
0x212: {  	v5 =	vor.u32 s4, v0;
	v4 =	vld [tilespmem:s12+$0x0]  }
0x213: {  	v7 =	vor.u32 s4, v3;
	v6 =	vld [tilespmem:s12+$0x10];
	_ =	sdelay $0x3  }
0x214: {  	[tilespmem:v5+s18+$0x0] =	vst.idx.msk $0xffff, v4  }
0x215: {  	s4 =	sadd.s32 $0x5, s14;
	[tilespmem:v7+s18+$0x0] =	vst.idx.msk $0xffff, v6  }
0x216: {  	v5 =	vor.u32 s4, v0;
	v4 =	vld [tilespmem:s12+$0x100]  }
0x217: {  	v7 =	vor.u32 s4, v3;
	v6 =	vld [tilespmem:s12+$0x110];
	_ =	sdelay $0x3  }
0x218: {  	[tilespmem:v5+s18+$0x0] =	vst.idx.msk $0xffff, v4  }
0x219: {  	s4 =	sadd.s32 $0x6, s14;
	[tilespmem:v7+s18+$0x0] =	vst.idx.msk $0xffff, v6  }
0x21a: {  	v5 =	vor.u32 s4, v0;
	v4 =	vld [tilespmem:s12+$0x200]  }
0x21b: {  	v7 =	vor.u32 s4, v3;
	v6 =	vld [tilespmem:s12+$0x210];
	_ =	sdelay $0x3  }
0x21c: {  	[tilespmem:v5+s18+$0x0] =	vst.idx.msk $0xffff, v4  }
0x21d: {  	s4 =	sadd.s32 $0x7, s14;
	[tilespmem:v7+s18+$0x0] =	vst.idx.msk $0xffff, v6  }
0x21e: {  	v7 =	vor.u32 s4, v0;
	v6 =	vld [tilespmem:s12+$0x300]  }
.Ltmp13:
0x21f: {  	v5 =	vor.u32 s4, v3;
	v4 =	vld [tilespmem:s12+$0x310];
	(pc) =	sbr.rel @p0 .LBB2_21-.Ltmp13, $2  }
0x220: {  	_ =	sdelay $0x2  }
0x221: {  	[tilespmem:v7+s18+$0x0] =	vst.idx.msk $0xffff, v6  }
0x222: {  	s4 =	sshll.u32 s16, $0x1  }
0x223: {  	s4 =	sor.u32 s6, s4  }
0x224: {  	s4 =	sshll.u32 s4, $0x11  }
0x225: {  	s12 =	sor.u32 s5, s4  }
0x226: {  	s12 =	sshrl.u32 s12, $0x3  }
0x227: {  	[tilespmem:v5+s18+$0x0] =	vst.idx.msk $0xffff, v4;
	s13 =	simm.s32 $0x0;
	s30 =	sor.u32 s7, s4;
	s12 =	sadd.s32 s2, s12  }
0x228: {  	[hbm4b:s12+s13] =	stream.linear.scatter [tilespmem:s18], [sflag:$0x3], $0x400, $0x38;
	[tilespmem:$0x18C00] =	vst v63  }
0x229: {  	s12 =	sshrl.u32 s30, $0x3  }
0x22a: {  	s14 =	sor.u32 s8, s4;
	s12 =	sadd.s32 s2, s12  }
0x22b: {  	[hbm4b:s12+s13] =	stream.linear.scatter [tilespmem:s19], [sflag:$0x3], $0x400, $0x38;
	[tilespmem:$0x18C00] =	vst v63  }
0x22c: {  	s4 =	sor.u32 s9, s4;
	s12 =	sshrl.u32 s14, $0x3  }
0x22d: {  	s4 =	sshrl.u32 s4, $0x3;
	s12 =	sadd.s32 s2, s12  }
0x22e: {  	[hbm4b:s12+s13] =	stream.linear.scatter [tilespmem:s20], [sflag:$0x3], $0x400, $0x38;
	[tilespmem:$0x18C00] =	vst v63  }
0x22f: {  	s4 =	sadd.s32 s2, s4  }
0x230: {  	[hbm4b:s4+s13] =	stream.linear.scatter [tilespmem:s21], [sflag:$0x3], $0x400, $0x38;
	[tilespmem:$0x18C00] =	vst v63  }
0x231: {  	_ =	swait.ge [sflag:s29], $0x400  }
0x232: {  	[sflag:s29] =	ssyncset.done $0x0  }
0x233: {  	[sflag:s29] =	ssyncadd.s32 $0xFFFFFC00  }
0x234: {  	_ =	swait.ge [sflag:s29], $0x400  }
0x235: {  	[sflag:s29] =	ssyncset.done $0x0  }
0x236: {  	[sflag:s29] =	ssyncadd.s32 $0xFFFFFC00  }
0x237: {  	_ =	swait.ge [sflag:s29], $0x400  }
0x238: {  	[sflag:s29] =	ssyncset.done $0x0  }
0x239: {  	[sflag:s29] =	ssyncadd.s32 $0xFFFFFC00  }
0x23a: {  	_ =	swait.ge [sflag:s29], $0x400  }
0x23b: {  	[sflag:s29] =	ssyncset.done $0x0  }
0x23c: {  	[sflag:s29] =	ssyncadd.s32 $0xFFFFFC00  }
0x23d: {  	v5 =	vor.u32 s13, v0;
	v4 =	vld [tilespmem:s15+$0xFFFFFC00]  }
0x23e: {  	v7 =	vor.u32 s13, v3;
	v6 =	vld [tilespmem:s15+$0xFFFFFC10];
	_ =	sdelay $0x3  }
0x23f: {  	[tilespmem:v5+s22+$0x0] =	vst.idx.msk $0xffff, v4  }
0x240: {  	s26 =	simm.s32 $0x1;
	[tilespmem:v7+s22+$0x0] =	vst.idx.msk $0xffff, v6  }
0x241: {  	v5 =	vor.u32 s26, v0;
	v4 =	vld [tilespmem:s15+$0xFFFFFD00]  }
0x242: {  	v7 =	vor.u32 s26, v3;
	v6 =	vld [tilespmem:s15+$0xFFFFFD10];
	_ =	sdelay $0x3  }
0x243: {  	[tilespmem:v5+s22+$0x0] =	vst.idx.msk $0xffff, v4  }
0x244: {  	s30 =	simm.s32 $0x2;
	[tilespmem:v7+s22+$0x0] =	vst.idx.msk $0xffff, v6  }
0x245: {  	v5 =	vor.u32 s30, v0;
	v4 =	vld [tilespmem:s15+$0xFFFFFE00]  }
0x246: {  	v7 =	vor.u32 s30, v3;
	v6 =	vld [tilespmem:s15+$0xFFFFFE10];
	_ =	sdelay $0x3  }
0x247: {  	[tilespmem:v5+s22+$0x0] =	vst.idx.msk $0xffff, v4  }
0x248: {  	s12 =	simm.s32 $0x3;
	[tilespmem:v7+s22+$0x0] =	vst.idx.msk $0xffff, v6  }
0x249: {  	v5 =	vor.u32 s12, v0;
	v4 =	vld [tilespmem:s15+$0xFFFFFF00]  }
0x24a: {  	v7 =	vor.u32 s12, v3;
	v6 =	vld [tilespmem:s15+$0xFFFFFF10];
	_ =	sdelay $0x3  }
0x24b: {  	[tilespmem:v5+s22+$0x0] =	vst.idx.msk $0xffff, v4  }
0x24c: {  	s13 =	simm.s32 $0x4;
	[tilespmem:v7+s22+$0x0] =	vst.idx.msk $0xffff, v6  }
0x24d: {  	v5 =	vor.u32 s13, v0;
	v4 =	vld [tilespmem:s15+$0x0]  }
0x24e: {  	v7 =	vor.u32 s13, v3;
	v6 =	vld [tilespmem:s15+$0x10];
	_ =	sdelay $0x3  }
0x24f: {  	[tilespmem:v5+s22+$0x0] =	vst.idx.msk $0xffff, v4  }
0x250: {  	s14 =	simm.s32 $0x5;
	[tilespmem:v7+s22+$0x0] =	vst.idx.msk $0xffff, v6  }
0x251: {  	v5 =	vor.u32 s14, v0;
	v4 =	vld [tilespmem:s15+$0x100]  }
0x252: {  	v7 =	vor.u32 s14, v3;
	v6 =	vld [tilespmem:s15+$0x110];
	_ =	sdelay $0x3  }
0x253: {  	[tilespmem:v5+s22+$0x0] =	vst.idx.msk $0xffff, v4  }
0x254: {  	s26 =	simm.s32 $0x6;
	[tilespmem:v7+s22+$0x0] =	vst.idx.msk $0xffff, v6  }
0x255: {  	v5 =	vor.u32 s26, v0;
	v4 =	vld [tilespmem:s15+$0x200]  }
0x256: {  	v7 =	vor.u32 s26, v3;
	v6 =	vld [tilespmem:s15+$0x210];
	_ =	sdelay $0x3  }
0x257: {  	[tilespmem:v5+s22+$0x0] =	vst.idx.msk $0xffff, v4  }
0x258: {  	s30 =	simm.s32 $0x7;
	[tilespmem:v7+s22+$0x0] =	vst.idx.msk $0xffff, v6  }
0x259: {  	v7 =	vor.u32 s30, v0;
	v6 =	vld [tilespmem:s15+$0x300];
	_ =	sdelay $0x1  }
0x25a: {  	v5 =	vor.u32 s30, v3;
	v4 =	vld [tilespmem:s15+$0x310];
	_ =	sdelay $0x2  }
0x25b: {  	s12 =	smov.u32 s15;
	s13 =	sshllo.u32 s16, $0x1;
	s14 =	simm.s32 $0x8;
	[tilespmem:v7+s22+$0x0] =	vst.idx.msk $0xffff, v6  }
.LBB2_23:
0x25c: {  	p0 =	slt.u32 s14, $0x78  }
0x25d: {  	[tilespmem:v5+s22+$0x0] =	vst.idx.msk $0xffff, v4;
	s12 =	sadd.s32 $0x800, s12;
	s26 =	smov.u32 s14;
	s14 =	sadd.s32 $0x8, s14  }
0x25e: {  	v4 =	vld [tilespmem:s12+$0xFFFFFC00];
	v5 =	vor.u32 s26, v0  }
0x25f: {  	v7 =	vor.u32 s26, v3;
	v6 =	vld [tilespmem:s12+$0xFFFFFC10];
	_ =	sdelay $0x3  }
0x260: {  	[tilespmem:v5+s22+$0x0] =	vst.idx.msk $0xffff, v4  }
0x261: {  	s4 =	sadd.s32 $0x1, s26;
	[tilespmem:v7+s22+$0x0] =	vst.idx.msk $0xffff, v6  }
0x262: {  	v5 =	vor.u32 s4, v0;
	v4 =	vld [tilespmem:s12+$0xFFFFFD00]  }
0x263: {  	v7 =	vor.u32 s4, v3;
	v6 =	vld [tilespmem:s12+$0xFFFFFD10];
	_ =	sdelay $0x3  }
0x264: {  	[tilespmem:v5+s22+$0x0] =	vst.idx.msk $0xffff, v4  }
0x265: {  	s4 =	sadd.s32 $0x2, s26;
	[tilespmem:v7+s22+$0x0] =	vst.idx.msk $0xffff, v6  }
0x266: {  	v5 =	vor.u32 s4, v0;
	v4 =	vld [tilespmem:s12+$0xFFFFFE00]  }
0x267: {  	v7 =	vor.u32 s4, v3;
	v6 =	vld [tilespmem:s12+$0xFFFFFE10];
	_ =	sdelay $0x3  }
0x268: {  	[tilespmem:v5+s22+$0x0] =	vst.idx.msk $0xffff, v4  }
0x269: {  	s4 =	sadd.s32 $0x3, s26;
	[tilespmem:v7+s22+$0x0] =	vst.idx.msk $0xffff, v6  }
0x26a: {  	v5 =	vor.u32 s4, v0;
	v4 =	vld [tilespmem:s12+$0xFFFFFF00]  }
0x26b: {  	v7 =	vor.u32 s4, v3;
	v6 =	vld [tilespmem:s12+$0xFFFFFF10];
	_ =	sdelay $0x3  }
0x26c: {  	[tilespmem:v5+s22+$0x0] =	vst.idx.msk $0xffff, v4  }
0x26d: {  	s4 =	sadd.s32 $0x4, s26;
	[tilespmem:v7+s22+$0x0] =	vst.idx.msk $0xffff, v6  }
0x26e: {  	v5 =	vor.u32 s4, v0;
	v4 =	vld [tilespmem:s12+$0x0]  }
0x26f: {  	v7 =	vor.u32 s4, v3;
	v6 =	vld [tilespmem:s12+$0x10];
	_ =	sdelay $0x3  }
0x270: {  	[tilespmem:v5+s22+$0x0] =	vst.idx.msk $0xffff, v4  }
0x271: {  	s4 =	sadd.s32 $0x5, s26;
	[tilespmem:v7+s22+$0x0] =	vst.idx.msk $0xffff, v6  }
0x272: {  	v5 =	vor.u32 s4, v0;
	v4 =	vld [tilespmem:s12+$0x100]  }
0x273: {  	v7 =	vor.u32 s4, v3;
	v6 =	vld [tilespmem:s12+$0x110];
	_ =	sdelay $0x3  }
0x274: {  	[tilespmem:v5+s22+$0x0] =	vst.idx.msk $0xffff, v4  }
0x275: {  	s4 =	sadd.s32 $0x6, s26;
	[tilespmem:v7+s22+$0x0] =	vst.idx.msk $0xffff, v6  }
0x276: {  	v5 =	vor.u32 s4, v0;
	v4 =	vld [tilespmem:s12+$0x200]  }
0x277: {  	v7 =	vor.u32 s4, v3;
	v6 =	vld [tilespmem:s12+$0x210];
	_ =	sdelay $0x3  }
0x278: {  	[tilespmem:v5+s22+$0x0] =	vst.idx.msk $0xffff, v4  }
0x279: {  	s4 =	sadd.s32 $0x7, s26;
	[tilespmem:v7+s22+$0x0] =	vst.idx.msk $0xffff, v6  }
0x27a: {  	v7 =	vor.u32 s4, v0;
	v6 =	vld [tilespmem:s12+$0x300]  }
.Ltmp14:
0x27b: {  	v5 =	vor.u32 s4, v3;
	v4 =	vld [tilespmem:s12+$0x310];
	(pc) =	sbr.rel @p0 .LBB2_23-.Ltmp14, $2  }
0x27c: {  	_ =	sdelay $0x2  }
0x27d: {  	[tilespmem:v7+s22+$0x0] =	vst.idx.msk $0xffff, v6  }
0x27e: {  	s4 =	sor.u32 s6, s13  }
0x27f: {  	s4 =	sshll.u32 s4, $0x11  }
0x280: {  	s12 =	sor.u32 s5, s4  }
0x281: {  	s12 =	sshrl.u32 s12, $0x3  }
0x282: {  	[tilespmem:v5+s22+$0x0] =	vst.idx.msk $0xffff, v4;
	s26 =	sor.u32 s7, s4;
	s12 =	sadd.s32 s2, s12  }
0x283: {  	[hbm4b:s12+s3] =	stream.linear.scatter [tilespmem:s22], [sflag:$0x4], $0x400, $0x38;
	[tilespmem:$0x18C00] =	vst v63  }
0x284: {  	s16 =	sadd.s32 $0x1, s16;
	s12 =	sshrl.u32 s26, $0x3  }
0x285: {  	p0 =	sne.s32 s16, $0x4;
	s30 =	sor.u32 s8, s4;
	s12 =	sadd.s32 s2, s12  }
0x286: {  	[hbm4b:s12+s3] =	stream.linear.scatter [tilespmem:s23], [sflag:$0x4], $0x400, $0x38;
	[tilespmem:$0x18C00] =	vst v63  }
.Ltmp15:
0x287: {  	s4 =	sor.u32 s9, s4;
	s12 =	sshrl.u32 s30, $0x3;
	(pc) =	sbr.rel @p0 .LBB2_20-.Ltmp15, $4  }
.Ltmp16:
0x288: {  	s4 =	sshrl.u32 s4, $0x3;
	s12 =	sadd.s32 s2, s12;
	(pc) =	sbr.rel @!p0 .LBB2_25-.Ltmp16, $4  }
0x289: {  	[hbm4b:s12+s3] =	stream.linear.scatter [tilespmem:s24], [sflag:$0x4], $0x400, $0x38;
	[tilespmem:$0x18C00] =	vst v63  }
0x28a: {  	s11 =	sadd.s32 $0x40, s11;
	s15 =	sadd.s32 $0x40, s15;
	s4 =	sadd.s32 s2, s4  }
0x28b: {  	[hbm4b:s4+s3] =	stream.linear.scatter [tilespmem:s25], [sflag:$0x4], $0x400, $0x38;
	[tilespmem:$0x18C00] =	vst v63  }
0x28c: {  	_ = 	snop  }
.LBB2_27:
0x28d: {  	_ =	sfence.sel $0x180000  }
0x28e: {  	[bflag:$0x0] =	sbarrier.arrive $0xFFFF  }
0x28f: {  	_ =	strace $0x90000047  }
0x290: {  	s0 =	stileid.u32;
	[bflag:$0x2] =	sbarrier.arrive $0xFFFF  }
0x291: {  	p0 =	sne.s32 s0, $0x0;
	s0 =	rddreg [dreg:$0x2]  }
0x292: {  	s0 =	sadd.s32 @!p0 $0x100000, s0  }
0x293: {  	[sflag:s0] =	ssyncadd.tile.s32 @!p0 $0x1;
	_ =	shalt  }
.Lfunc_end2:
_tile_overlayer_lowered:
.L_overlay_start_2:
0x294: {  	(tag) =	ssettag $0x2  }
0x295: {  	s0 =	rddreg [dreg:$0x0];
	s2 =	stileid.u32  }
0x296: {  	s1 =	rddreg [dreg:$0x1];
	p0 =	sne.s32 s2, $0x0  }
0x297: {  	s3 =	rddreg [dreg:$0x2];
	[bflag:$0x3] =	sbarrier.arrive $0xFFFF;
	s2 =	simm.s32 @!p0 $0x1C05  }
0x298: {  	[timem:s3], [sflag:s2] =	dma.local @!p0 [hbm:s0], s1  }
0x299: {  	s0 =	simm.s32 @!p0 $0x5  }
0x29a: {  	_ =	swait.ge @!p0 [sflag:s0], s1  }
0x29b: {  	s1 =	ssub.s32 @!p0 $0x0, s1;
	[sflag:s0] =	ssyncset.done @!p0 $0x0  }
0x29c: {  	[sflag:s0] =	ssyncadd.s32 @!p0 s1  }
0x29d: {  	[bflag:$0x3] =	sbarrier.arrive $0xFFFF  }
0x29e: {  	_ =	shalt  }

</sc_bundles>
